<compile_context>
chip_gen: v7x
topology: tpu7x:2x2x1
jax: 0.10.2.dev20260603
libtpu: 0.0.44.dev20260713+nightly
codegen_flags: <defaults>
</compile_context>

<pallas_src>
import functools

import jax
import jax.numpy as jnp
from jax import lax
from jax.experimental import pallas as pl
from jax.experimental.pallas import tpu as pltpu
from jax.experimental.pallas import tpu_sc as plsc

N = 10000
E = 160000
DIM = 256
H = 8
C = 32
HALF = 128

EB = 96
NB = 108
EPW = NB * EB
EPAD = 16 * EPW
NPA = N + 16
ROWS_PER_SUB = NPA // 16
OUT_PER_SUB = N // 16
DHALF = 5008
DROWS = DHALF + 128

f32 = jnp.float32
bf16 = jnp.bfloat16
i32 = jnp.int32


def _tc_pre_body(x_ref, w_ref, as_w_ref, ad_w_ref, h2_ref, as_ref, ad_ref):
    h = jnp.dot(x_ref[...], w_ref[...], preferred_element_type=f32)
    h2_ref[0] = h[:, :HALF]
    h2_ref[1] = h[:, HALF:]
    as_ref[...] = jnp.dot(h, as_w_ref[...], preferred_element_type=f32)
    ad_ref[...] = jnp.dot(h, ad_w_ref[...], preferred_element_type=f32)


def _tc_pre(x, W, A_s, A_d):
    blk = 400
    grid = N // blk
    return pl.pallas_call(
        _tc_pre_body,
        grid=(grid,),
        in_specs=[
            pl.BlockSpec((blk, DIM), lambda i: (i, 0)),
            pl.BlockSpec((DIM, DIM), lambda i: (0, 0)),
            pl.BlockSpec((DIM, 16), lambda i: (0, 0)),
            pl.BlockSpec((DIM, 16), lambda i: (0, 0)),
        ],
        out_specs=[
            pl.BlockSpec((2, blk, HALF), lambda i: (0, i, 0)),
            pl.BlockSpec((blk, 16), lambda i: (i, 0)),
            pl.BlockSpec((blk, 16), lambda i: (i, 0)),
        ],
        out_shape=[
            jax.ShapeDtypeStruct((2, N, HALF), f32),
            jax.ShapeDtypeStruct((N, 16), f32),
            jax.ShapeDtypeStruct((N, 16), f32),
        ],
    )(x, W, A_s, A_d)


def _sc_edge_body(src_hbm, dst_hbm, as_hbm, ad_hbm, h2f_hbm, out_hbm, den_hbm,
                  srcv0, srcv1, dstv0, dstv1, dstl0, dstl1, dsts0, dsts1,
                  srcl0, srcl1, s_rows0, s_rows1, d_rows0, d_rows1,
                  w_rows0, w_rows1, hbuf0, hbuf1, acc, den_acc,
                  sis0, sis1, sid0, sid1, sgs0, sgs1, sgd0, sgd1,
                  sgh0, sgh1, sden0, sden1, shsc0, shsc1):
    c = lax.axis_index("c")
    s = lax.axis_index("s")
    srcv = [srcv0, srcv1]
    dstv = [dstv0, dstv1]
    dstl = [dstl0, dstl1]
    dsts = [dsts0, dsts1]
    srcl = [srcl0, srcl1]
    s_rows = [s_rows0, s_rows1]
    d_rows = [d_rows0, d_rows1]
    w_rows = [w_rows0, w_rows1]
    hbuf = [hbuf0, hbuf1]
    sis = [sis0, sis1]
    sid = [sid0, sid1]
    sgs = [sgs0, sgs1]
    sgd = [sgd0, sgd1]
    sgh = [sgh0, sgh1]
    sden = [sden0, sden1]
    shsc = [shsc0, shsc1]

    ebase = s * EPW
    coff = c * N
    dbase = c * DHALF

    def _issue_ids(b, sl):
        base = ebase + b * EB
        pltpu.async_copy(src_hbm.at[pl.ds(base, EB)], srcv[sl], sis[sl])
        pltpu.async_copy(dst_hbm.at[pl.ds(base, EB)], dstv[sl], sid[sl])

    def _prep(b, sl):
        base = ebase + b * EB
        pltpu.make_async_copy(src_hbm.at[pl.ds(base, EB)],
                              srcv[sl], sis[sl]).wait()
        pltpu.make_async_copy(dst_hbm.at[pl.ds(base, EB)],
                              dstv[sl], sid[sl]).wait()
        for j in range(EB // 16):
            sel = pl.ds(j * 16, 16)
            srcl[sl][sel] = srcv[sl][sel] + jnp.full((16,), coff, i32)
            dloc = dstv[sl][sel] - jnp.full((16,), dbase, i32)
            ok = (dloc >= 0) & (dloc < DHALF)
            dstl[sl][sel] = jnp.where(ok, dloc, jnp.full((16,), DHALF, i32))
            dsts[sl][sel] = dstv[sl][sel]
        pltpu.async_copy(as_hbm.at[srcv[sl]], s_rows[sl], sgs[sl])
        pltpu.async_copy(ad_hbm.at[dstv[sl]], d_rows[sl], sgd[sl])
        pltpu.async_copy(h2f_hbm.at[srcl[sl]], hbuf[sl], sgh[sl])

    _issue_ids(0, 0)
    _issue_ids(1, 1)

    zero16 = jnp.zeros((16,), f32)

    def _zero_hbuf(r, _):
        for j in range(HALF // 16):
            hbuf0[r, pl.ds(j * 16, 16)] = zero16
        w_rows0[r] = zero16
        return 0

    lax.fori_loop(0, EB, _zero_hbuf, 0)
    row0 = s * ROWS_PER_SUB
    off = 0
    while off < ROWS_PER_SUB:
        n = min(EB, ROWS_PER_SUB - off)
        pltpu.sync_copy(hbuf0.at[pl.ds(0, n)],
                        acc.at[pl.ds(row0 + off, n)])
        off += n
    drow0 = s * (DROWS // 16)
    off = 0
    while off < DROWS // 16:
        n = min(EB, DROWS // 16 - off)
        pltpu.sync_copy(w_rows0.at[pl.ds(0, n)],
                        den_acc.at[pl.ds(drow0 + off, n)])
        off += n
    plsc.subcore_barrier()

    _prep(0, 0)

    def _process(b, sl):
        o = 1 - sl

        @pl.when(b >= 1)
        def _():
            pltpu.make_async_copy(w_rows[o], den_acc.at[dstl[o]],
                                  sden[o]).wait()
            pltpu.make_async_copy(hbuf[o], acc.at[dsts[o]],
                                  shsc[o]).wait()

        @pl.when(b + 1 < NB)
        def _():
            _prep(b + 1, o)

        pltpu.make_async_copy(as_hbm.at[srcv[sl]], s_rows[sl],
                              sgs[sl]).wait()
        pltpu.make_async_copy(ad_hbm.at[dstv[sl]], d_rows[sl],
                              sgd[sl]).wait()

        @pl.when(b + 2 < NB)
        def _():
            _issue_ids(b + 2, sl)

        wr = w_rows[sl]
        sr = s_rows[sl]
        dr = d_rows[sl]

        def _wcalc(r, _):
            e = sr[r] + dr[r]
            e = jnp.where(e > 0, e, 0.2 * e)
            wr[r] = jnp.exp(e)
            return 0

        lax.fori_loop(0, EB, _wcalc, 0)
        pltpu.async_copy(wr, den_acc.at[dstl[sl]], sden[sl], add=True)

        pltpu.make_async_copy(h2f_hbm.at[srcl[sl]], hbuf[sl],
                              sgh[sl]).wait()
        hb = hbuf[sl]

        def _scale_for(core):
            def _scale(r, _):
                wv = wr[r]
                for jj in range(4):
                    bc = jnp.full((16,), wv[jj + 4 * core], f32)
                    j0 = 2 * jj
                    hb[r, pl.ds(j0 * 16, 16)] = hb[r, pl.ds(j0 * 16, 16)] * bc
                    hb[r, pl.ds(j0 * 16 + 16, 16)] = (
                        hb[r, pl.ds(j0 * 16 + 16, 16)] * bc)
                return 0
            return _scale

        @pl.when(c == 0)
        def _():
            lax.fori_loop(0, EB, _scale_for(0), 0)

        @pl.when(c == 1)
        def _():
            lax.fori_loop(0, EB, _scale_for(1), 0)

        pltpu.async_copy(hb, acc.at[dsts[sl]], shsc[sl], add=True)

    def _macro(m, _):
        _process(2 * m, 0)
        _process(2 * m + 1, 1)
        return 0

    lax.fori_loop(0, NB // 2, _macro, 0)
    pltpu.make_async_copy(w_rows1, den_acc.at[dstl1], sden1).wait()
    pltpu.make_async_copy(hbuf1, acc.at[dsts1], shsc1).wait()
    plsc.subcore_barrier()

    pltpu.sync_copy(acc.at[pl.ds(s * OUT_PER_SUB, OUT_PER_SUB)],
                    out_hbm.at[c, pl.ds(s * OUT_PER_SUB, OUT_PER_SUB)])
    dcopy = DHALF // 16
    pltpu.sync_copy(den_acc.at[pl.ds(s * dcopy, dcopy)],
                    den_hbm.at[pl.ds(c * DHALF + s * dcopy, dcopy)])


def _sc_edge(srcp, dstp, a_s, a_d, h2f):
    mesh = plsc.VectorSubcoreMesh(core_axis_name="c", subcore_axis_name="s")
    kern = functools.partial(
        pl.kernel,
        mesh=mesh,
        compiler_params=pltpu.CompilerParams(use_tc_tiling_on_sc=False),
        out_type=[
            jax.ShapeDtypeStruct((2, N, HALF), f32),
            jax.ShapeDtypeStruct((2 * DHALF, 16), f32),
        ],
        scratch_types=[
            pltpu.VMEM((EB,), i32),
            pltpu.VMEM((EB,), i32),
            pltpu.VMEM((EB,), i32),
            pltpu.VMEM((EB,), i32),
            pltpu.VMEM((EB,), i32),
            pltpu.VMEM((EB,), i32),
            pltpu.VMEM((EB,), i32),
            pltpu.VMEM((EB,), i32),
            pltpu.VMEM((EB,), i32),
            pltpu.VMEM((EB,), i32),
            pltpu.VMEM((EB, 16), f32),
            pltpu.VMEM((EB, 16), f32),
            pltpu.VMEM((EB, 16), f32),
            pltpu.VMEM((EB, 16), f32),
            pltpu.VMEM((EB, 16), f32),
            pltpu.VMEM((EB, 16), f32),
            pltpu.VMEM((EB, HALF), f32),
            pltpu.VMEM((EB, HALF), f32),
            pltpu.VMEM_SHARED((NPA, HALF), f32),
            pltpu.VMEM_SHARED((DROWS, 16), f32),
        ] + [pltpu.SemaphoreType.DMA] * 14,
    )(_sc_edge_body)
    return kern(srcp, dstp, a_s, a_d, h2f)


def _tc_post_body(x_ref, h2_ref, osc_ref, den_ref, as_ref, ad_ref, gb_ref,
                  lg_ref, lb_ref, w1_ref, b1_ref, w2_ref, b2_ref, o_ref):
    blk = x_ref.shape[0]
    a_sum = as_ref[:, :H] + ad_ref[:, :H]
    e = jnp.where(a_sum > 0, a_sum, 0.2 * a_sum)
    ws = jnp.exp(e)
    den8 = den_ref[:, :H] + ws
    hcat = jnp.concatenate([h2_ref[0], h2_ref[1]], axis=1)
    oraw = jnp.concatenate([osc_ref[0], osc_ref[1]], axis=1)

    def expand(v):
        return jnp.reshape(
            jnp.broadcast_to(v[:, :, None], (blk, H, C)), (blk, DIM))

    gat = (oraw + hcat * expand(ws)) / expand(den8) + gb_ref[...]

    def ln(v):
        mu = jnp.mean(v, axis=-1, keepdims=True)
        d = v - mu
        var = jnp.mean(d * d, axis=-1, keepdims=True)
        return d * lax.rsqrt(var + 1e-5) * lg_ref[...] + lb_ref[...]

    h1 = ln(x_ref[...] + gat)
    f = jnp.dot(h1.astype(bf16), w1_ref[...].astype(bf16),
                preferred_element_type=f32) + b1_ref[...]
    f = 0.5 * f * (1.0 + lax.erf(f * 0.7071067811865476))
    f = jnp.dot(f.astype(bf16), w2_ref[...].astype(bf16),
                preferred_element_type=f32) + b2_ref[...]
    o_ref[...] = ln(h1 + f)


def _tc_post(x, h2, out_sc, den, a_s, a_d, gb, lg, lb, W1, b1, W2, b2):
    blk = 400
    grid = N // blk
    row = lambda i: (0, 0)
    return pl.pallas_call(
        _tc_post_body,
        grid=(grid,),
        in_specs=[
            pl.BlockSpec((blk, DIM), lambda i: (i, 0)),
            pl.BlockSpec((2, blk, HALF), lambda i: (0, i, 0)),
            pl.BlockSpec((2, blk, HALF), lambda i: (0, i, 0)),
            pl.BlockSpec((blk, 16), lambda i: (i, 0)),
            pl.BlockSpec((blk, 16), lambda i: (i, 0)),
            pl.BlockSpec((blk, 16), lambda i: (i, 0)),
            pl.BlockSpec((1, DIM), row),
            pl.BlockSpec((1, DIM), row),
            pl.BlockSpec((1, DIM), row),
            pl.BlockSpec((DIM, 4 * DIM), row),
            pl.BlockSpec((1, 4 * DIM), row),
            pl.BlockSpec((4 * DIM, DIM), row),
            pl.BlockSpec((1, DIM), row),
        ],
        out_specs=pl.BlockSpec((blk, DIM), lambda i: (i, 0)),
        out_shape=jax.ShapeDtypeStruct((N, DIM), f32),
    )(x, h2, out_sc, den, a_s, a_d, gb, lg, lb, W1, b1, W2, b2)


def kernel(x, edge_index, W, att_src, att_dst, gat_bias, ln_g, ln_b,
           W1, b1, W2, b2):
    rows = jnp.arange(DIM, dtype=i32)
    A_s = jnp.zeros((DIM, 16), f32).at[rows, rows // C].set(
        att_src.reshape(DIM))
    A_d = jnp.zeros((DIM, 16), f32).at[rows, rows // C].set(
        att_dst.reshape(DIM))
    pad_src = jnp.zeros((EPAD - E,), dtype=i32)
    pad_dst = jnp.full((EPAD - E,), N, dtype=i32)
    srcp = jnp.concatenate([edge_index[0], pad_src])
    dstp = jnp.concatenate([edge_index[1], pad_dst])

    h2, a_s, a_d = _tc_pre(x, W, A_s, A_d)
    h2f = h2.reshape(2 * N, HALF)
    out_sc, den = _sc_edge(srcp, dstp, a_s, a_d, h2f)

    return _tc_post(x, h2, out_sc, den[:N], a_s, a_d,
                    gat_bias.reshape(1, DIM), ln_g.reshape(1, DIM),
                    ln_b.reshape(1, DIM), W1, b1.reshape(1, 4 * DIM),
                    W2, b2.reshape(1, DIM))

# --- scband reference (transcript-rebuilt; emitter-appended) ---
"""Pipeline reference for scband-graph-attention-aggregator-6614249636059 (READ-ONLY COPY).

The authoritative reference and input builder live on the scoring server;
editing this copy changes nothing except your own understanding.
"""

import jax, jax.numpy as jnp
import numpy as np

N = 10000
E = 160000
DIM = 256
H = 8
C = DIM // H  # 32, per-head out channels


def setup_inputs(seed: int = 0) -> dict:
    key = jax.random.key(seed)
    ks = jax.random.split(key, 12)
    x = jax.random.normal(ks[0], (N, DIM), dtype=jnp.float32)
    edge_index = jax.random.randint(ks[1], (2, E), 0, N).astype(jnp.int32)
    # GATConv params: lin weight [DIM, H*C], attention vectors a_src/a_dst [H, C], bias [H*C]
    W = jax.random.normal(ks[2], (DIM, H * C), dtype=jnp.float32) * (1.0 / np.sqrt(DIM))
    att_src = jax.random.normal(ks[3], (H, C), dtype=jnp.float32) * 0.1
    att_dst = jax.random.normal(ks[4], (H, C), dtype=jnp.float32) * 0.1
    gat_bias = jnp.zeros((H * C,), dtype=jnp.float32)
    # shared LayerNorm (same instance applied twice in the torch module)
    ln_g = jnp.ones((DIM,), dtype=jnp.float32)
    ln_b = jnp.zeros((DIM,), dtype=jnp.float32)
    # FFN
    W1 = jax.random.normal(ks[5], (DIM, 4 * DIM), dtype=jnp.float32) * (1.0 / np.sqrt(DIM))
    b1 = jnp.zeros((4 * DIM,), dtype=jnp.float32)
    W2 = jax.random.normal(ks[6], (4 * DIM, DIM), dtype=jnp.float32) * (1.0 / np.sqrt(4 * DIM))
    b2 = jnp.zeros((DIM,), dtype=jnp.float32)
    return {"x": x, "edge_index": edge_index, "W": W, "att_src": att_src,
            "att_dst": att_dst, "gat_bias": gat_bias, "ln_g": ln_g, "ln_b": ln_b,
            "W1": W1, "b1": b1, "W2": W2, "b2": b2}


def reference(x, edge_index, W, att_src, att_dst, gat_bias, ln_g, ln_b, W1, b1, W2, b2):
    # Dropout layers are identity (eval mode).
    n = x.shape[0]
    # PyG GATConv default: add self loops
    loops = jnp.arange(n, dtype=edge_index.dtype)
    src = jnp.concatenate([edge_index[0], loops])
    dst = jnp.concatenate([edge_index[1], loops])
    h = (x @ W).reshape(n, H, C)
    alpha_s = jnp.sum(h * att_src[None, :, :], axis=-1)  # [N, H]
    alpha_d = jnp.sum(h * att_dst[None, :, :], axis=-1)  # [N, H]
    e = alpha_s[src] + alpha_d[dst]                       # [Etot, H]
    e = jnp.where(e > 0, e, 0.2 * e)                      # LeakyReLU(0.2)
    m = jax.ops.segment_max(e, dst, num_segments=n)
    e = jnp.exp(e - m[dst])
    denom = jax.ops.segment_sum(e, dst, num_segments=n)
    alpha = e / denom[dst]                                # softmax over incoming edges
    msg = h[src] * alpha[:, :, None]                      # [Etot, H, C]
    out = jax.ops.segment_sum(msg, dst, num_segments=n)   # [N, H, C]
    gat_out = out.reshape(n, H * C) + gat_bias

    def ln(v):
        mu = jnp.mean(v, axis=-1, keepdims=True)
        var = jnp.var(v, axis=-1, keepdims=True)
        return (v - mu) / jnp.sqrt(var + 1e-5) * ln_g + ln_b

    h1 = ln(x + gat_out)
    ffn = jax.nn.gelu(h1 @ W1 + b1, approximate=False) @ W2 + b2
    return ln(h1 + ffn)

if __name__ == "__main__":
    import jax
    _d = setup_inputs()
    print(jax.jit(kernel)(*tuple(_d.values())))

</pallas_src>

<mosaic_0001>
#map = affine_map<(d0, d1) -> (0)>
#map1 = affine_map<(d0, d1) -> (0, 0)>
#map2 = affine_map<(d0, d1) -> (0, 0, 0)>
module attributes {stable_mosaic.version = 14 : i64} {
  func.func @_sc_edge_body(%arg0: i32, %arg1: i32, %arg2: memref<165888xi32, #tpu.memory_space<hbm>>, %arg3: memref<165888xi32, #tpu.memory_space<hbm>>, %arg4: memref<10000x16xf32, #tpu.memory_space<hbm>>, %arg5: memref<10000x16xf32, #tpu.memory_space<hbm>>, %arg6: memref<20000x128xf32, #tpu.memory_space<hbm>>, %arg7: memref<2x10000x128xf32, #tpu.memory_space<hbm>>, %arg8: memref<10016x16xf32, #tpu.memory_space<hbm>>, %arg9: memref<96xi32, #tpu.memory_space<vmem>>, %arg10: memref<96xi32, #tpu.memory_space<vmem>>, %arg11: memref<96xi32, #tpu.memory_space<vmem>>, %arg12: memref<96xi32, #tpu.memory_space<vmem>>, %arg13: memref<96xi32, #tpu.memory_space<vmem>>, %arg14: memref<96xi32, #tpu.memory_space<vmem>>, %arg15: memref<96xi32, #tpu.memory_space<vmem>>, %arg16: memref<96xi32, #tpu.memory_space<vmem>>, %arg17: memref<96xi32, #tpu.memory_space<vmem>>, %arg18: memref<96xi32, #tpu.memory_space<vmem>>, %arg19: memref<96x16xf32, #tpu.memory_space<vmem>>, %arg20: memref<96x16xf32, #tpu.memory_space<vmem>>, %arg21: memref<96x16xf32, #tpu.memory_space<vmem>>, %arg22: memref<96x16xf32, #tpu.memory_space<vmem>>, %arg23: memref<96x16xf32, #tpu.memory_space<vmem>>, %arg24: memref<96x16xf32, #tpu.memory_space<vmem>>, %arg25: memref<96x128xf32, #tpu.memory_space<vmem>>, %arg26: memref<96x128xf32, #tpu.memory_space<vmem>>, %arg27: memref<10016x128xf32, #tpu.memory_space<vmem_shared>>, %arg28: memref<5136x16xf32, #tpu.memory_space<vmem_shared>>, %arg29: memref<!tpu.dma_semaphore, #tpu.memory_space<semaphore_mem>>, %arg30: memref<!tpu.dma_semaphore, #tpu.memory_space<semaphore_mem>>, %arg31: memref<!tpu.dma_semaphore, #tpu.memory_space<semaphore_mem>>, %arg32: memref<!tpu.dma_semaphore, #tpu.memory_space<semaphore_mem>>, %arg33: memref<!tpu.dma_semaphore, #tpu.memory_space<semaphore_mem>>, %arg34: memref<!tpu.dma_semaphore, #tpu.memory_space<semaphore_mem>>, %arg35: memref<!tpu.dma_semaphore, #tpu.memory_space<semaphore_mem>>, %arg36: memref<!tpu.dma_semaphore, #tpu.memory_space<semaphore_mem>>, %arg37: memref<!tpu.dma_semaphore, #tpu.memory_space<semaphore_mem>>, %arg38: memref<!tpu.dma_semaphore, #tpu.memory_space<semaphore_mem>>, %arg39: memref<!tpu.dma_semaphore, #tpu.memory_space<semaphore_mem>>, %arg40: memref<!tpu.dma_semaphore, #tpu.memory_space<semaphore_mem>>, %arg41: memref<!tpu.dma_semaphore, #tpu.memory_space<semaphore_mem>>, %arg42: memref<!tpu.dma_semaphore, #tpu.memory_space<semaphore_mem>>) attributes {dimension_semantics = [#tpu.dimension_semantics<core_parallel>, #tpu.dimension_semantics<subcore_parallel>], iteration_bounds = array<i64: 2, 16>, scalar_prefetch = 0 : i64, scratch_operands = 34 : i64, tpu.core_type = #tpu.core_type<sc_vector_subcore>, window_params = [{transform_indices = #map}, {transform_indices = #map}, {transform_indices = #map1}, {transform_indices = #map1}, {transform_indices = #map1}, {transform_indices = #map2}, {transform_indices = #map1}]} {
    %mul3A = arith.constant 10368 : i32
    %mul3A_0 = arith.muli %arg1, %mul3A : i32
    %mul3A_1 = arith.constant 10000 : i32
    %mul3A_2 = arith.muli %arg0, %mul3A_1 : i32
    %mul3A_3 = arith.constant 5008 : i32
    %mul3A_4 = arith.muli %arg0, %mul3A_3 : i32
    %add3A = arith.constant 0 : i32
    %add3A_5 = arith.addi %mul3A_0, %add3A : i32
    %dma_start3A = tpu.memref_slice %arg2[%add3A_5] : memref<165888xi32, #tpu.memory_space<hbm>> -> memref<96xi32, #tpu.memory_space<hbm>>
    %dma_start3A_6 = tpu.memref_slice %arg2[%add3A_5] : memref<165888xi32, #tpu.memory_space<hbm>> -> memref<96xi32, #tpu.memory_space<hbm>>
    tpu.enqueue_dma source(%dma_start3A_6 : memref<96xi32, #tpu.memory_space<hbm>>) target(%arg9 : memref<96xi32, #tpu.memory_space<vmem>>) target_semaphore(%arg29 : memref<!tpu.dma_semaphore, #tpu.memory_space<semaphore_mem>>)
    %dma_start3A_7 = tpu.memref_slice %arg3[%add3A_5] : memref<165888xi32, #tpu.memory_space<hbm>> -> memref<96xi32, #tpu.memory_space<hbm>>
    %dma_start3A_8 = tpu.memref_slice %arg3[%add3A_5] : memref<165888xi32, #tpu.memory_space<hbm>> -> memref<96xi32, #tpu.memory_space<hbm>>
    tpu.enqueue_dma source(%dma_start3A_8 : memref<96xi32, #tpu.memory_space<hbm>>) target(%arg11 : memref<96xi32, #tpu.memory_space<vmem>>) target_semaphore(%arg31 : memref<!tpu.dma_semaphore, #tpu.memory_space<semaphore_mem>>)
    %add3A_9 = arith.constant 96 : i32
    %add3A_10 = arith.addi %mul3A_0, %add3A_9 : i32
    %dma_start3A_11 = tpu.memref_slice %arg2[%add3A_10] : memref<165888xi32, #tpu.memory_space<hbm>> -> memref<96xi32, #tpu.memory_space<hbm>>
    %dma_start3A_12 = tpu.memref_slice %arg2[%add3A_10] : memref<165888xi32, #tpu.memory_space<hbm>> -> memref<96xi32, #tpu.memory_space<hbm>>
    tpu.enqueue_dma source(%dma_start3A_12 : memref<96xi32, #tpu.memory_space<hbm>>) target(%arg10 : memref<96xi32, #tpu.memory_space<vmem>>) target_semaphore(%arg30 : memref<!tpu.dma_semaphore, #tpu.memory_space<semaphore_mem>>)
    %dma_start3A_13 = tpu.memref_slice %arg3[%add3A_10] : memref<165888xi32, #tpu.memory_space<hbm>> -> memref<96xi32, #tpu.memory_space<hbm>>
    %dma_start3A_14 = tpu.memref_slice %arg3[%add3A_10] : memref<165888xi32, #tpu.memory_space<hbm>> -> memref<96xi32, #tpu.memory_space<hbm>>
    tpu.enqueue_dma source(%dma_start3A_14 : memref<96xi32, #tpu.memory_space<hbm>>) target(%arg12 : memref<96xi32, #tpu.memory_space<vmem>>) target_semaphore(%arg32 : memref<!tpu.dma_semaphore, #tpu.memory_space<semaphore_mem>>)
    %broadcast_in_dim3A = arith.constant 0.000000e+00 : f32
    %broadcast_in_dim3A_15 = vector.broadcast %broadcast_in_dim3A : f32 to vector<16xf32>
    %scan3A = arith.constant 0 : i32
    %scan3A_16 = arith.constant 0 : i32
    %scan3A_17 = arith.constant 96 : i32
    %scan3A_18 = arith.addi %scan3A_16, %scan3A_17 : i32
    %scan3A_19 = arith.constant 1 : i32
    %scan3A_20 = scf.for %scan3A_290 = %scan3A_16 to %scan3A_18 step %scan3A_19 iter_args(%scan3A_291 = %scan3A) -> (i32)  : i32 {
      %swap3A_292 = arith.index_cast %scan3A_290 : i32 to index
      %swap3A_293 = arith.constant 0 : index
      %swap3A_294 = tpu.vector_load %arg25[%swap3A_292, %swap3A_293] {strides = array<i32>} : memref<96x128xf32, #tpu.memory_space<vmem>>, vector<1x16xf32>,
      %swap3A_295 = vector.shape_cast %swap3A_294 : vector<1x16xf32> to vector<16xf32>
      %swap3A_296 = vector.shape_cast %broadcast_in_dim3A_15 : vector<16xf32> to vector<1x16xf32>
      tpu.vector_store %arg25[%swap3A_292, %swap3A_293], %swap3A_296 {strides = array<i32>} : memref<96x128xf32, #tpu.memory_space<vmem>>, vector<1x16xf32>,
      %swap3A_297 = arith.index_cast %scan3A_290 : i32 to index
      %swap3A_298 = arith.constant 16 : index
      %swap3A_299 = tpu.vector_load %arg25[%swap3A_297, %swap3A_298] {strides = array<i32>} : memref<96x128xf32, #tpu.memory_space<vmem>>, vector<1x16xf32>,
      %swap3A_300 = vector.shape_cast %swap3A_299 : vector<1x16xf32> to vector<16xf32>
      %swap3A_301 = vector.shape_cast %broadcast_in_dim3A_15 : vector<16xf32> to vector<1x16xf32>
      tpu.vector_store %arg25[%swap3A_297, %swap3A_298], %swap3A_301 {strides = array<i32>} : memref<96x128xf32, #tpu.memory_space<vmem>>, vector<1x16xf32>,
      %swap3A_302 = arith.index_cast %scan3A_290 : i32 to index
      %swap3A_303 = arith.constant 32 : index
      %swap3A_304 = tpu.vector_load %arg25[%swap3A_302, %swap3A_303] {strides = array<i32>} : memref<96x128xf32, #tpu.memory_space<vmem>>, vector<1x16xf32>,
      %swap3A_305 = vector.shape_cast %swap3A_304 : vector<1x16xf32> to vector<16xf32>
      %swap3A_306 = vector.shape_cast %broadcast_in_dim3A_15 : vector<16xf32> to vector<1x16xf32>
      tpu.vector_store %arg25[%swap3A_302, %swap3A_303], %swap3A_306 {strides = array<i32>} : memref<96x128xf32, #tpu.memory_space<vmem>>, vector<1x16xf32>,
      %swap3A_307 = arith.index_cast %scan3A_290 : i32 to index
      %swap3A_308 = arith.constant 48 : index
      %swap3A_309 = tpu.vector_load %arg25[%swap3A_307, %swap3A_308] {strides = array<i32>} : memref<96x128xf32, #tpu.memory_space<vmem>>, vector<1x16xf32>,
      %swap3A_310 = vector.shape_cast %swap3A_309 : vector<1x16xf32> to vector<16xf32>
      %swap3A_311 = vector.shape_cast %broadcast_in_dim3A_15 : vector<16xf32> to vector<1x16xf32>
      tpu.vector_store %arg25[%swap3A_307, %swap3A_308], %swap3A_311 {strides = array<i32>} : memref<96x128xf32, #tpu.memory_space<vmem>>, vector<1x16xf32>,
      %swap3A_312 = arith.index_cast %scan3A_290 : i32 to index
      %swap3A_313 = arith.constant 64 : index
      %swap3A_314 = tpu.vector_load %arg25[%swap3A_312, %swap3A_313] {strides = array<i32>} : memref<96x128xf32, #tpu.memory_space<vmem>>, vector<1x16xf32>,
      %swap3A_315 = vector.shape_cast %swap3A_314 : vector<1x16xf32> to vector<16xf32>
      %swap3A_316 = vector.shape_cast %broadcast_in_dim3A_15 : vector<16xf32> to vector<1x16xf32>
      tpu.vector_store %arg25[%swap3A_312, %swap3A_313], %swap3A_316 {strides = array<i32>} : memref<96x128xf32, #tpu.memory_space<vmem>>, vector<1x16xf32>,
      %swap3A_317 = arith.index_cast %scan3A_290 : i32 to index
      %swap3A_318 = arith.constant 80 : index
      %swap3A_319 = tpu.vector_load %arg25[%swap3A_317, %swap3A_318] {strides = array<i32>} : memref<96x128xf32, #tpu.memory_space<vmem>>, vector<1x16xf32>,
      %swap3A_320 = vector.shape_cast %swap3A_319 : vector<1x16xf32> to vector<16xf32>
      %swap3A_321 = vector.shape_cast %broadcast_in_dim3A_15 : vector<16xf32> to vector<1x16xf32>
      tpu.vector_store %arg25[%swap3A_317, %swap3A_318], %swap3A_321 {strides = array<i32>} : memref<96x128xf32, #tpu.memory_space<vmem>>, vector<1x16xf32>,
      %swap3A_322 = arith.index_cast %scan3A_290 : i32 to index
      %swap3A_323 = arith.constant 96 : index
      %swap3A_324 = tpu.vector_load %arg25[%swap3A_322, %swap3A_323] {strides = array<i32>} : memref<96x128xf32, #tpu.memory_space<vmem>>, vector<1x16xf32>,
      %swap3A_325 = vector.shape_cast %swap3A_324 : vector<1x16xf32> to vector<16xf32>
      %swap3A_326 = vector.shape_cast %broadcast_in_dim3A_15 : vector<16xf32> to vector<1x16xf32>
      tpu.vector_store %arg25[%swap3A_322, %swap3A_323], %swap3A_326 {strides = array<i32>} : memref<96x128xf32, #tpu.memory_space<vmem>>, vector<1x16xf32>,
      %swap3A_327 = arith.index_cast %scan3A_290 : i32 to index
      %swap3A_328 = arith.constant 112 : index
      %swap3A_329 = tpu.vector_load %arg25[%swap3A_327, %swap3A_328] {strides = array<i32>} : memref<96x128xf32, #tpu.memory_space<vmem>>, vector<1x16xf32>,
      %swap3A_330 = vector.shape_cast %swap3A_329 : vector<1x16xf32> to vector<16xf32>
      %swap3A_331 = vector.shape_cast %broadcast_in_dim3A_15 : vector<16xf32> to vector<1x16xf32>
      tpu.vector_store %arg25[%swap3A_327, %swap3A_328], %swap3A_331 {strides = array<i32>} : memref<96x128xf32, #tpu.memory_space<vmem>>, vector<1x16xf32>,
      %swap3A_332 = arith.index_cast %scan3A_290 : i32 to index
      %swap3A_333 = arith.constant 0 : index
      %swap3A_334 = tpu.vector_load %arg23[%swap3A_332, %swap3A_333] {strides = array<i32>} : memref<96x16xf32, #tpu.memory_space<vmem>>, vector<1x16xf32>,
      %swap3A_335 = vector.shape_cast %swap3A_334 : vector<1x16xf32> to vector<16xf32>
      %swap3A_336 = vector.shape_cast %broadcast_in_dim3A_15 : vector<16xf32> to vector<1x16xf32>
      tpu.vector_store %arg23[%swap3A_332, %swap3A_333], %swap3A_336 {strides = array<i32>} : memref<96x16xf32, #tpu.memory_space<vmem>>, vector<1x16xf32>,
      %scan3A_337 = arith.constant 0 : i32
      scf.yield %scan3A_337 : i32
    }
    %scan3A_21 = arith.constant 96 : i32
    %mul3A_22 = arith.constant 626 : i32
    %mul3A_23 = arith.muli %arg1, %mul3A_22 : i32
    %add3A_24 = arith.constant 0 : i32
    %add3A_25 = arith.addi %mul3A_23, %add3A_24 : i32
    "tpu.region"() ({
      %run_scoped3A = tpu.sem_alloc : memref<!tpu.dma_semaphore, #tpu.memory_space<semaphore_mem>>
      %dma_start3A_290 = arith.constant 0 : i32
      %dma_start3A_291 = arith.constant 0 : i32
      %dma_start3A_292 = tpu.memref_slice %arg25[%dma_start3A_290, %dma_start3A_291] : memref<96x128xf32, #tpu.memory_space<vmem>> -> memref<96x128xf32, #tpu.memory_space<vmem>>
      %dma_start3A_293 = arith.constant 0 : i32
      %dma_start3A_294 = tpu.memref_slice %arg27[%add3A_25, %dma_start3A_293] : memref<10016x128xf32, #tpu.memory_space<vmem_shared>> -> memref<96x128xf32, #tpu.memory_space<vmem_shared>>
      %dma_start3A_295 = arith.constant 0 : i32
      %dma_start3A_296 = tpu.memref_slice %arg27[%add3A_25, %dma_start3A_295] : memref<10016x128xf32, #tpu.memory_space<vmem_shared>> -> memref<96x128xf32, #tpu.memory_space<vmem_shared>>
      %dma_start3A_297 = arith.constant 0 : i32
      %dma_start3A_298 = arith.constant 0 : i32
      %dma_start3A_299 = tpu.memref_slice %arg25[%dma_start3A_297, %dma_start3A_298] : memref<96x128xf32, #tpu.memory_space<vmem>> -> memref<96x128xf32, #tpu.memory_space<vmem>>
      tpu.enqueue_dma source(%dma_start3A_299 : memref<96x128xf32, #tpu.memory_space<vmem>>) target(%dma_start3A_296 : memref<96x128xf32, #tpu.memory_space<vmem_shared>>) target_semaphore(%run_scoped3A : memref<!tpu.dma_semaphore, #tpu.memory_space<semaphore_mem>>)
      %dma_wait3A_300 = arith.constant 0 : i32
      %dma_wait3A_301 = arith.constant 0 : i32
      %dma_wait3A_302 = tpu.memref_slice %arg25[%dma_wait3A_300, %dma_wait3A_301] : memref<96x128xf32, #tpu.memory_space<vmem>> -> memref<96x128xf32, #tpu.memory_space<vmem>>
      %dma_wait3A_303 = arith.constant 0 : i32
      %dma_wait3A_304 = tpu.memref_slice %arg27[%add3A_25, %dma_wait3A_303] : memref<10016x128xf32, #tpu.memory_space<vmem_shared>> -> memref<96x128xf32, #tpu.memory_space<vmem_shared>>
      %dma_wait3A_305 = arith.constant 0 : i32
      %dma_wait3A_306 = tpu.memref_slice %arg27[%add3A_25, %dma_wait3A_305] : memref<10016x128xf32, #tpu.memory_space<vmem_shared>> -> memref<96x128xf32, #tpu.memory_space<vmem_shared>>
      %dma_wait3A_307 = arith.constant 0 : i32
      %dma_wait3A_308 = arith.constant 0 : i32
      %dma_wait3A_309 = tpu.memref_slice %arg25[%dma_wait3A_307, %dma_wait3A_308] : memref<96x128xf32, #tpu.memory_space<vmem>> -> memref<96x128xf32, #tpu.memory_space<vmem>>
      tpu.wait_dma2 semaphore(%run_scoped3A : memref<!tpu.dma_semaphore, #tpu.memory_space<semaphore_mem>>) src(%dma_wait3A_309 : memref<96x128xf32, #tpu.memory_space<vmem>>) dst(%dma_wait3A_306 : memref<96x128xf32, #tpu.memory_space<vmem_shared>>)
      tpu.yield
    }) : () -> ()
    %add3A_26 = arith.constant 96 : i32
    %add3A_27 = arith.addi %mul3A_23, %add3A_26 : i32
    "tpu.region"() ({
      %run_scoped3A = tpu.sem_alloc : memref<!tpu.dma_semaphore, #tpu.memory_space<semaphore_mem>>
      %dma_start3A_290 = arith.constant 0 : i32
      %dma_start3A_291 = arith.constant 0 : i32
      %dma_start3A_292 = tpu.memref_slice %arg25[%dma_start3A_290, %dma_start3A_291] : memref<96x128xf32, #tpu.memory_space<vmem>> -> memref<96x128xf32, #tpu.memory_space<vmem>>
      %dma_start3A_293 = arith.constant 0 : i32
      %dma_start3A_294 = tpu.memref_slice %arg27[%add3A_27, %dma_start3A_293] : memref<10016x128xf32, #tpu.memory_space<vmem_shared>> -> memref<96x128xf32, #tpu.memory_space<vmem_shared>>
      %dma_start3A_295 = arith.constant 0 : i32
      %dma_start3A_296 = tpu.memref_slice %arg27[%add3A_27, %dma_start3A_295] : memref<10016x128xf32, #tpu.memory_space<vmem_shared>> -> memref<96x128xf32, #tpu.memory_space<vmem_shared>>
      %dma_start3A_297 = arith.constant 0 : i32
      %dma_start3A_298 = arith.constant 0 : i32
      %dma_start3A_299 = tpu.memref_slice %arg25[%dma_start3A_297, %dma_start3A_298] : memref<96x128xf32, #tpu.memory_space<vmem>> -> memref<96x128xf32, #tpu.memory_space<vmem>>
      tpu.enqueue_dma source(%dma_start3A_299 : memref<96x128xf32, #tpu.memory_space<vmem>>) target(%dma_start3A_296 : memref<96x128xf32, #tpu.memory_space<vmem_shared>>) target_semaphore(%run_scoped3A : memref<!tpu.dma_semaphore, #tpu.memory_space<semaphore_mem>>)
      %dma_wait3A_300 = arith.constant 0 : i32
      %dma_wait3A_301 = arith.constant 0 : i32
      %dma_wait3A_302 = tpu.memref_slice %arg25[%dma_wait3A_300, %dma_wait3A_301] : memref<96x128xf32, #tpu.memory_space<vmem>> -> memref<96x128xf32, #tpu.memory_space<vmem>>
      %dma_wait3A_303 = arith.constant 0 : i32
      %dma_wait3A_304 = tpu.memref_slice %arg27[%add3A_27, %dma_wait3A_303] : memref<10016x128xf32, #tpu.memory_space<vmem_shared>> -> memref<96x128xf32, #tpu.memory_space<vmem_shared>>
      %dma_wait3A_305 = arith.constant 0 : i32
      %dma_wait3A_306 = tpu.memref_slice %arg27[%add3A_27, %dma_wait3A_305] : memref<10016x128xf32, #tpu.memory_space<vmem_shared>> -> memref<96x128xf32, #tpu.memory_space<vmem_shared>>
      %dma_wait3A_307 = arith.constant 0 : i32
      %dma_wait3A_308 = arith.constant 0 : i32
      %dma_wait3A_309 = tpu.memref_slice %arg25[%dma_wait3A_307, %dma_wait3A_308] : memref<96x128xf32, #tpu.memory_space<vmem>> -> memref<96x128xf32, #tpu.memory_space<vmem>>
      tpu.wait_dma2 semaphore(%run_scoped3A : memref<!tpu.dma_semaphore, #tpu.memory_space<semaphore_mem>>) src(%dma_wait3A_309 : memref<96x128xf32, #tpu.memory_space<vmem>>) dst(%dma_wait3A_306 : memref<96x128xf32, #tpu.memory_space<vmem_shared>>)
      tpu.yield
    }) : () -> ()
    %add3A_28 = arith.constant 192 : i32
    %add3A_29 = arith.addi %mul3A_23, %add3A_28 : i32
    "tpu.region"() ({
      %run_scoped3A = tpu.sem_alloc : memref<!tpu.dma_semaphore, #tpu.memory_space<semaphore_mem>>
      %dma_start3A_290 = arith.constant 0 : i32
      %dma_start3A_291 = arith.constant 0 : i32
      %dma_start3A_292 = tpu.memref_slice %arg25[%dma_start3A_290, %dma_start3A_291] : memref<96x128xf32, #tpu.memory_space<vmem>> -> memref<96x128xf32, #tpu.memory_space<vmem>>
      %dma_start3A_293 = arith.constant 0 : i32
      %dma_start3A_294 = tpu.memref_slice %arg27[%add3A_29, %dma_start3A_293] : memref<10016x128xf32, #tpu.memory_space<vmem_shared>> -> memref<96x128xf32, #tpu.memory_space<vmem_shared>>
      %dma_start3A_295 = arith.constant 0 : i32
      %dma_start3A_296 = tpu.memref_slice %arg27[%add3A_29, %dma_start3A_295] : memref<10016x128xf32, #tpu.memory_space<vmem_shared>> -> memref<96x128xf32, #tpu.memory_space<vmem_shared>>
      %dma_start3A_297 = arith.constant 0 : i32
      %dma_start3A_298 = arith.constant 0 : i32
      %dma_start3A_299 = tpu.memref_slice %arg25[%dma_start3A_297, %dma_start3A_298] : memref<96x128xf32, #tpu.memory_space<vmem>> -> memref<96x128xf32, #tpu.memory_space<vmem>>
      tpu.enqueue_dma source(%dma_start3A_299 : memref<96x128xf32, #tpu.memory_space<vmem>>) target(%dma_start3A_296 : memref<96x128xf32, #tpu.memory_space<vmem_shared>>) target_semaphore(%run_scoped3A : memref<!tpu.dma_semaphore, #tpu.memory_space<semaphore_mem>>)
      %dma_wait3A_300 = arith.constant 0 : i32
      %dma_wait3A_301 = arith.constant 0 : i32
      %dma_wait3A_302 = tpu.memref_slice %arg25[%dma_wait3A_300, %dma_wait3A_301] : memref<96x128xf32, #tpu.memory_space<vmem>> -> memref<96x128xf32, #tpu.memory_space<vmem>>
      %dma_wait3A_303 = arith.constant 0 : i32
      %dma_wait3A_304 = tpu.memref_slice %arg27[%add3A_29, %dma_wait3A_303] : memref<10016x128xf32, #tpu.memory_space<vmem_shared>> -> memref<96x128xf32, #tpu.memory_space<vmem_shared>>
      %dma_wait3A_305 = arith.constant 0 : i32
      %dma_wait3A_306 = tpu.memref_slice %arg27[%add3A_29, %dma_wait3A_305] : memref<10016x128xf32, #tpu.memory_space<vmem_shared>> -> memref<96x128xf32, #tpu.memory_space<vmem_shared>>
      %dma_wait3A_307 = arith.constant 0 : i32
      %dma_wait3A_308 = arith.constant 0 : i32
      %dma_wait3A_309 = tpu.memref_slice %arg25[%dma_wait3A_307, %dma_wait3A_308] : memref<96x128xf32, #tpu.memory_space<vmem>> -> memref<96x128xf32, #tpu.memory_space<vmem>>
      tpu.wait_dma2 semaphore(%run_scoped3A : memref<!tpu.dma_semaphore, #tpu.memory_space<semaphore_mem>>) src(%dma_wait3A_309 : memref<96x128xf32, #tpu.memory_space<vmem>>) dst(%dma_wait3A_306 : memref<96x128xf32, #tpu.memory_space<vmem_shared>>)
      tpu.yield
    }) : () -> ()
    %add3A_30 = arith.constant 288 : i32
    %add3A_31 = arith.addi %mul3A_23, %add3A_30 : i32
    "tpu.region"() ({
      %run_scoped3A = tpu.sem_alloc : memref<!tpu.dma_semaphore, #tpu.memory_space<semaphore_mem>>
      %dma_start3A_290 = arith.constant 0 : i32
      %dma_start3A_291 = arith.constant 0 : i32
      %dma_start3A_292 = tpu.memref_slice %arg25[%dma_start3A_290, %dma_start3A_291] : memref<96x128xf32, #tpu.memory_space<vmem>> -> memref<96x128xf32, #tpu.memory_space<vmem>>
      %dma_start3A_293 = arith.constant 0 : i32
      %dma_start3A_294 = tpu.memref_slice %arg27[%add3A_31, %dma_start3A_293] : memref<10016x128xf32, #tpu.memory_space<vmem_shared>> -> memref<96x128xf32, #tpu.memory_space<vmem_shared>>
      %dma_start3A_295 = arith.constant 0 : i32
      %dma_start3A_296 = tpu.memref_slice %arg27[%add3A_31, %dma_start3A_295] : memref<10016x128xf32, #tpu.memory_space<vmem_shared>> -> memref<96x128xf32, #tpu.memory_space<vmem_shared>>
      %dma_start3A_297 = arith.constant 0 : i32
      %dma_start3A_298 = arith.constant 0 : i32
      %dma_start3A_299 = tpu.memref_slice %arg25[%dma_start3A_297, %dma_start3A_298] : memref<96x128xf32, #tpu.memory_space<vmem>> -> memref<96x128xf32, #tpu.memory_space<vmem>>
      tpu.enqueue_dma source(%dma_start3A_299 : memref<96x128xf32, #tpu.memory_space<vmem>>) target(%dma_start3A_296 : memref<96x128xf32, #tpu.memory_space<vmem_shared>>) target_semaphore(%run_scoped3A : memref<!tpu.dma_semaphore, #tpu.memory_space<semaphore_mem>>)
      %dma_wait3A_300 = arith.constant 0 : i32
      %dma_wait3A_301 = arith.constant 0 : i32
      %dma_wait3A_302 = tpu.memref_slice %arg25[%dma_wait3A_300, %dma_wait3A_301] : memref<96x128xf32, #tpu.memory_space<vmem>> -> memref<96x128xf32, #tpu.memory_space<vmem>>
      %dma_wait3A_303 = arith.constant 0 : i32
      %dma_wait3A_304 = tpu.memref_slice %arg27[%add3A_31, %dma_wait3A_303] : memref<10016x128xf32, #tpu.memory_space<vmem_shared>> -> memref<96x128xf32, #tpu.memory_space<vmem_shared>>
      %dma_wait3A_305 = arith.constant 0 : i32
      %dma_wait3A_306 = tpu.memref_slice %arg27[%add3A_31, %dma_wait3A_305] : memref<10016x128xf32, #tpu.memory_space<vmem_shared>> -> memref<96x128xf32, #tpu.memory_space<vmem_shared>>
      %dma_wait3A_307 = arith.constant 0 : i32
      %dma_wait3A_308 = arith.constant 0 : i32
      %dma_wait3A_309 = tpu.memref_slice %arg25[%dma_wait3A_307, %dma_wait3A_308] : memref<96x128xf32, #tpu.memory_space<vmem>> -> memref<96x128xf32, #tpu.memory_space<vmem>>
      tpu.wait_dma2 semaphore(%run_scoped3A : memref<!tpu.dma_semaphore, #tpu.memory_space<semaphore_mem>>) src(%dma_wait3A_309 : memref<96x128xf32, #tpu.memory_space<vmem>>) dst(%dma_wait3A_306 : memref<96x128xf32, #tpu.memory_space<vmem_shared>>)
      tpu.yield
    }) : () -> ()
    %add3A_32 = arith.constant 384 : i32
    %add3A_33 = arith.addi %mul3A_23, %add3A_32 : i32
    "tpu.region"() ({
      %run_scoped3A = tpu.sem_alloc : memref<!tpu.dma_semaphore, #tpu.memory_space<semaphore_mem>>
      %dma_start3A_290 = arith.constant 0 : i32
      %dma_start3A_291 = arith.constant 0 : i32
      %dma_start3A_292 = tpu.memref_slice %arg25[%dma_start3A_290, %dma_start3A_291] : memref<96x128xf32, #tpu.memory_space<vmem>> -> memref<96x128xf32, #tpu.memory_space<vmem>>
      %dma_start3A_293 = arith.constant 0 : i32
      %dma_start3A_294 = tpu.memref_slice %arg27[%add3A_33, %dma_start3A_293] : memref<10016x128xf32, #tpu.memory_space<vmem_shared>> -> memref<96x128xf32, #tpu.memory_space<vmem_shared>>
      %dma_start3A_295 = arith.constant 0 : i32
      %dma_start3A_296 = tpu.memref_slice %arg27[%add3A_33, %dma_start3A_295] : memref<10016x128xf32, #tpu.memory_space<vmem_shared>> -> memref<96x128xf32, #tpu.memory_space<vmem_shared>>
      %dma_start3A_297 = arith.constant 0 : i32
      %dma_start3A_298 = arith.constant 0 : i32
      %dma_start3A_299 = tpu.memref_slice %arg25[%dma_start3A_297, %dma_start3A_298] : memref<96x128xf32, #tpu.memory_space<vmem>> -> memref<96x128xf32, #tpu.memory_space<vmem>>
      tpu.enqueue_dma source(%dma_start3A_299 : memref<96x128xf32, #tpu.memory_space<vmem>>) target(%dma_start3A_296 : memref<96x128xf32, #tpu.memory_space<vmem_shared>>) target_semaphore(%run_scoped3A : memref<!tpu.dma_semaphore, #tpu.memory_space<semaphore_mem>>)
      %dma_wait3A_300 = arith.constant 0 : i32
      %dma_wait3A_301 = arith.constant 0 : i32
      %dma_wait3A_302 = tpu.memref_slice %arg25[%dma_wait3A_300, %dma_wait3A_301] : memref<96x128xf32, #tpu.memory_space<vmem>> -> memref<96x128xf32, #tpu.memory_space<vmem>>
      %dma_wait3A_303 = arith.constant 0 : i32
      %dma_wait3A_304 = tpu.memref_slice %arg27[%add3A_33, %dma_wait3A_303] : memref<10016x128xf32, #tpu.memory_space<vmem_shared>> -> memref<96x128xf32, #tpu.memory_space<vmem_shared>>
      %dma_wait3A_305 = arith.constant 0 : i32
      %dma_wait3A_306 = tpu.memref_slice %arg27[%add3A_33, %dma_wait3A_305] : memref<10016x128xf32, #tpu.memory_space<vmem_shared>> -> memref<96x128xf32, #tpu.memory_space<vmem_shared>>
      %dma_wait3A_307 = arith.constant 0 : i32
      %dma_wait3A_308 = arith.constant 0 : i32
      %dma_wait3A_309 = tpu.memref_slice %arg25[%dma_wait3A_307, %dma_wait3A_308] : memref<96x128xf32, #tpu.memory_space<vmem>> -> memref<96x128xf32, #tpu.memory_space<vmem>>
      tpu.wait_dma2 semaphore(%run_scoped3A : memref<!tpu.dma_semaphore, #tpu.memory_space<semaphore_mem>>) src(%dma_wait3A_309 : memref<96x128xf32, #tpu.memory_space<vmem>>) dst(%dma_wait3A_306 : memref<96x128xf32, #tpu.memory_space<vmem_shared>>)
      tpu.yield
    }) : () -> ()
    %add3A_34 = arith.constant 480 : i32
    %add3A_35 = arith.addi %mul3A_23, %add3A_34 : i32
    "tpu.region"() ({
      %run_scoped3A = tpu.sem_alloc : memref<!tpu.dma_semaphore, #tpu.memory_space<semaphore_mem>>
      %dma_start3A_290 = arith.constant 0 : i32
      %dma_start3A_291 = arith.constant 0 : i32
      %dma_start3A_292 = tpu.memref_slice %arg25[%dma_start3A_290, %dma_start3A_291] : memref<96x128xf32, #tpu.memory_space<vmem>> -> memref<96x128xf32, #tpu.memory_space<vmem>>
      %dma_start3A_293 = arith.constant 0 : i32
      %dma_start3A_294 = tpu.memref_slice %arg27[%add3A_35, %dma_start3A_293] : memref<10016x128xf32, #tpu.memory_space<vmem_shared>> -> memref<96x128xf32, #tpu.memory_space<vmem_shared>>
      %dma_start3A_295 = arith.constant 0 : i32
      %dma_start3A_296 = tpu.memref_slice %arg27[%add3A_35, %dma_start3A_295] : memref<10016x128xf32, #tpu.memory_space<vmem_shared>> -> memref<96x128xf32, #tpu.memory_space<vmem_shared>>
      %dma_start3A_297 = arith.constant 0 : i32
      %dma_start3A_298 = arith.constant 0 : i32
      %dma_start3A_299 = tpu.memref_slice %arg25[%dma_start3A_297, %dma_start3A_298] : memref<96x128xf32, #tpu.memory_space<vmem>> -> memref<96x128xf32, #tpu.memory_space<vmem>>
      tpu.enqueue_dma source(%dma_start3A_299 : memref<96x128xf32, #tpu.memory_space<vmem>>) target(%dma_start3A_296 : memref<96x128xf32, #tpu.memory_space<vmem_shared>>) target_semaphore(%run_scoped3A : memref<!tpu.dma_semaphore, #tpu.memory_space<semaphore_mem>>)
      %dma_wait3A_300 = arith.constant 0 : i32
      %dma_wait3A_301 = arith.constant 0 : i32
      %dma_wait3A_302 = tpu.memref_slice %arg25[%dma_wait3A_300, %dma_wait3A_301] : memref<96x128xf32, #tpu.memory_space<vmem>> -> memref<96x128xf32, #tpu.memory_space<vmem>>
      %dma_wait3A_303 = arith.constant 0 : i32
      %dma_wait3A_304 = tpu.memref_slice %arg27[%add3A_35, %dma_wait3A_303] : memref<10016x128xf32, #tpu.memory_space<vmem_shared>> -> memref<96x128xf32, #tpu.memory_space<vmem_shared>>
      %dma_wait3A_305 = arith.constant 0 : i32
      %dma_wait3A_306 = tpu.memref_slice %arg27[%add3A_35, %dma_wait3A_305] : memref<10016x128xf32, #tpu.memory_space<vmem_shared>> -> memref<96x128xf32, #tpu.memory_space<vmem_shared>>
      %dma_wait3A_307 = arith.constant 0 : i32
      %dma_wait3A_308 = arith.constant 0 : i32
      %dma_wait3A_309 = tpu.memref_slice %arg25[%dma_wait3A_307, %dma_wait3A_308] : memref<96x128xf32, #tpu.memory_space<vmem>> -> memref<96x128xf32, #tpu.memory_space<vmem>>
      tpu.wait_dma2 semaphore(%run_scoped3A : memref<!tpu.dma_semaphore, #tpu.memory_space<semaphore_mem>>) src(%dma_wait3A_309 : memref<96x128xf32, #tpu.memory_space<vmem>>) dst(%dma_wait3A_306 : memref<96x128xf32, #tpu.memory_space<vmem_shared>>)
      tpu.yield
    }) : () -> ()
    %add3A_36 = arith.constant 576 : i32
    %add3A_37 = arith.addi %mul3A_23, %add3A_36 : i32
    "tpu.region"() ({
      %run_scoped3A = tpu.sem_alloc : memref<!tpu.dma_semaphore, #tpu.memory_space<semaphore_mem>>
      %dma_start3A_290 = arith.constant 0 : i32
      %dma_start3A_291 = arith.constant 0 : i32
      %dma_start3A_292 = tpu.memref_slice %arg25[%dma_start3A_290, %dma_start3A_291] : memref<96x128xf32, #tpu.memory_space<vmem>> -> memref<50x128xf32, #tpu.memory_space<vmem>>
      %dma_start3A_293 = arith.constant 0 : i32
      %dma_start3A_294 = tpu.memref_slice %arg27[%add3A_37, %dma_start3A_293] : memref<10016x128xf32, #tpu.memory_space<vmem_shared>> -> memref<50x128xf32, #tpu.memory_space<vmem_shared>>
      %dma_start3A_295 = arith.constant 0 : i32
      %dma_start3A_296 = tpu.memref_slice %arg27[%add3A_37, %dma_start3A_295] : memref<10016x128xf32, #tpu.memory_space<vmem_shared>> -> memref<50x128xf32, #tpu.memory_space<vmem_shared>>
      %dma_start3A_297 = arith.constant 0 : i32
      %dma_start3A_298 = arith.constant 0 : i32
      %dma_start3A_299 = tpu.memref_slice %arg25[%dma_start3A_297, %dma_start3A_298] : memref<96x128xf32, #tpu.memory_space<vmem>> -> memref<50x128xf32, #tpu.memory_space<vmem>>
      tpu.enqueue_dma source(%dma_start3A_299 : memref<50x128xf32, #tpu.memory_space<vmem>>) target(%dma_start3A_296 : memref<50x128xf32, #tpu.memory_space<vmem_shared>>) target_semaphore(%run_scoped3A : memref<!tpu.dma_semaphore, #tpu.memory_space<semaphore_mem>>)
      %dma_wait3A_300 = arith.constant 0 : i32
      %dma_wait3A_301 = arith.constant 0 : i32
      %dma_wait3A_302 = tpu.memref_slice %arg25[%dma_wait3A_300, %dma_wait3A_301] : memref<96x128xf32, #tpu.memory_space<vmem>> -> memref<50x128xf32, #tpu.memory_space<vmem>>
      %dma_wait3A_303 = arith.constant 0 : i32
      %dma_wait3A_304 = tpu.memref_slice %arg27[%add3A_37, %dma_wait3A_303] : memref<10016x128xf32, #tpu.memory_space<vmem_shared>> -> memref<50x128xf32, #tpu.memory_space<vmem_shared>>
      %dma_wait3A_305 = arith.constant 0 : i32
      %dma_wait3A_306 = tpu.memref_slice %arg27[%add3A_37, %dma_wait3A_305] : memref<10016x128xf32, #tpu.memory_space<vmem_shared>> -> memref<50x128xf32, #tpu.memory_space<vmem_shared>>
      %dma_wait3A_307 = arith.constant 0 : i32
      %dma_wait3A_308 = arith.constant 0 : i32
      %dma_wait3A_309 = tpu.memref_slice %arg25[%dma_wait3A_307, %dma_wait3A_308] : memref<96x128xf32, #tpu.memory_space<vmem>> -> memref<50x128xf32, #tpu.memory_space<vmem>>
      tpu.wait_dma2 semaphore(%run_scoped3A : memref<!tpu.dma_semaphore, #tpu.memory_space<semaphore_mem>>) src(%dma_wait3A_309 : memref<50x128xf32, #tpu.memory_space<vmem>>) dst(%dma_wait3A_306 : memref<50x128xf32, #tpu.memory_space<vmem_shared>>)
      tpu.yield
    }) : () -> ()
    %mul3A_38 = arith.constant 321 : i32
    %mul3A_39 = arith.muli %arg1, %mul3A_38 : i32
    %add3A_40 = arith.constant 0 : i32
    %add3A_41 = arith.addi %mul3A_39, %add3A_40 : i32
    "tpu.region"() ({
      %run_scoped3A = tpu.sem_alloc : memref<!tpu.dma_semaphore, #tpu.memory_space<semaphore_mem>>
      %dma_start3A_290 = arith.constant 0 : i32
      %dma_start3A_291 = arith.constant 0 : i32
      %dma_start3A_292 = tpu.memref_slice %arg23[%dma_start3A_290, %dma_start3A_291] : memref<96x16xf32, #tpu.memory_space<vmem>> -> memref<96x16xf32, #tpu.memory_space<vmem>>
      %dma_start3A_293 = arith.constant 0 : i32
      %dma_start3A_294 = tpu.memref_slice %arg28[%add3A_41, %dma_start3A_293] : memref<5136x16xf32, #tpu.memory_space<vmem_shared>> -> memref<96x16xf32, #tpu.memory_space<vmem_shared>>
      %dma_start3A_295 = arith.constant 0 : i32
      %dma_start3A_296 = tpu.memref_slice %arg28[%add3A_41, %dma_start3A_295] : memref<5136x16xf32, #tpu.memory_space<vmem_shared>> -> memref<96x16xf32, #tpu.memory_space<vmem_shared>>
      %dma_start3A_297 = arith.constant 0 : i32
      %dma_start3A_298 = arith.constant 0 : i32
      %dma_start3A_299 = tpu.memref_slice %arg23[%dma_start3A_297, %dma_start3A_298] : memref<96x16xf32, #tpu.memory_space<vmem>> -> memref<96x16xf32, #tpu.memory_space<vmem>>
      tpu.enqueue_dma source(%dma_start3A_299 : memref<96x16xf32, #tpu.memory_space<vmem>>) target(%dma_start3A_296 : memref<96x16xf32, #tpu.memory_space<vmem_shared>>) target_semaphore(%run_scoped3A : memref<!tpu.dma_semaphore, #tpu.memory_space<semaphore_mem>>)
      %dma_wait3A_300 = arith.constant 0 : i32
      %dma_wait3A_301 = arith.constant 0 : i32
      %dma_wait3A_302 = tpu.memref_slice %arg23[%dma_wait3A_300, %dma_wait3A_301] : memref<96x16xf32, #tpu.memory_space<vmem>> -> memref<96x16xf32, #tpu.memory_space<vmem>>
      %dma_wait3A_303 = arith.constant 0 : i32
      %dma_wait3A_304 = tpu.memref_slice %arg28[%add3A_41, %dma_wait3A_303] : memref<5136x16xf32, #tpu.memory_space<vmem_shared>> -> memref<96x16xf32, #tpu.memory_space<vmem_shared>>
      %dma_wait3A_305 = arith.constant 0 : i32
      %dma_wait3A_306 = tpu.memref_slice %arg28[%add3A_41, %dma_wait3A_305] : memref<5136x16xf32, #tpu.memory_space<vmem_shared>> -> memref<96x16xf32, #tpu.memory_space<vmem_shared>>
      %dma_wait3A_307 = arith.constant 0 : i32
      %dma_wait3A_308 = arith.constant 0 : i32
      %dma_wait3A_309 = tpu.memref_slice %arg23[%dma_wait3A_307, %dma_wait3A_308] : memref<96x16xf32, #tpu.memory_space<vmem>> -> memref<96x16xf32, #tpu.memory_space<vmem>>
      tpu.wait_dma2 semaphore(%run_scoped3A : memref<!tpu.dma_semaphore, #tpu.memory_space<semaphore_mem>>) src(%dma_wait3A_309 : memref<96x16xf32, #tpu.memory_space<vmem>>) dst(%dma_wait3A_306 : memref<96x16xf32, #tpu.memory_space<vmem_shared>>)
      tpu.yield
    }) : () -> ()
    %add3A_42 = arith.constant 96 : i32
    %add3A_43 = arith.addi %mul3A_39, %add3A_42 : i32
    "tpu.region"() ({
      %run_scoped3A = tpu.sem_alloc : memref<!tpu.dma_semaphore, #tpu.memory_space<semaphore_mem>>
      %dma_start3A_290 = arith.constant 0 : i32
      %dma_start3A_291 = arith.constant 0 : i32
      %dma_start3A_292 = tpu.memref_slice %arg23[%dma_start3A_290, %dma_start3A_291] : memref<96x16xf32, #tpu.memory_space<vmem>> -> memref<96x16xf32, #tpu.memory_space<vmem>>
      %dma_start3A_293 = arith.constant 0 : i32
      %dma_start3A_294 = tpu.memref_slice %arg28[%add3A_43, %dma_start3A_293] : memref<5136x16xf32, #tpu.memory_space<vmem_shared>> -> memref<96x16xf32, #tpu.memory_space<vmem_shared>>
      %dma_start3A_295 = arith.constant 0 : i32
      %dma_start3A_296 = tpu.memref_slice %arg28[%add3A_43, %dma_start3A_295] : memref<5136x16xf32, #tpu.memory_space<vmem_shared>> -> memref<96x16xf32, #tpu.memory_space<vmem_shared>>
      %dma_start3A_297 = arith.constant 0 : i32
      %dma_start3A_298 = arith.constant 0 : i32
      %dma_start3A_299 = tpu.memref_slice %arg23[%dma_start3A_297, %dma_start3A_298] : memref<96x16xf32, #tpu.memory_space<vmem>> -> memref<96x16xf32, #tpu.memory_space<vmem>>
      tpu.enqueue_dma source(%dma_start3A_299 : memref<96x16xf32, #tpu.memory_space<vmem>>) target(%dma_start3A_296 : memref<96x16xf32, #tpu.memory_space<vmem_shared>>) target_semaphore(%run_scoped3A : memref<!tpu.dma_semaphore, #tpu.memory_space<semaphore_mem>>)
      %dma_wait3A_300 = arith.constant 0 : i32
      %dma_wait3A_301 = arith.constant 0 : i32
      %dma_wait3A_302 = tpu.memref_slice %arg23[%dma_wait3A_300, %dma_wait3A_301] : memref<96x16xf32, #tpu.memory_space<vmem>> -> memref<96x16xf32, #tpu.memory_space<vmem>>
      %dma_wait3A_303 = arith.constant 0 : i32
      %dma_wait3A_304 = tpu.memref_slice %arg28[%add3A_43, %dma_wait3A_303] : memref<5136x16xf32, #tpu.memory_space<vmem_shared>> -> memref<96x16xf32, #tpu.memory_space<vmem_shared>>
      %dma_wait3A_305 = arith.constant 0 : i32
      %dma_wait3A_306 = tpu.memref_slice %arg28[%add3A_43, %dma_wait3A_305] : memref<5136x16xf32, #tpu.memory_space<vmem_shared>> -> memref<96x16xf32, #tpu.memory_space<vmem_shared>>
      %dma_wait3A_307 = arith.constant 0 : i32
      %dma_wait3A_308 = arith.constant 0 : i32
      %dma_wait3A_309 = tpu.memref_slice %arg23[%dma_wait3A_307, %dma_wait3A_308] : memref<96x16xf32, #tpu.memory_space<vmem>> -> memref<96x16xf32, #tpu.memory_space<vmem>>
      tpu.wait_dma2 semaphore(%run_scoped3A : memref<!tpu.dma_semaphore, #tpu.memory_space<semaphore_mem>>) src(%dma_wait3A_309 : memref<96x16xf32, #tpu.memory_space<vmem>>) dst(%dma_wait3A_306 : memref<96x16xf32, #tpu.memory_space<vmem_shared>>)
      tpu.yield
    }) : () -> ()
    %add3A_44 = arith.constant 192 : i32
    %add3A_45 = arith.addi %mul3A_39, %add3A_44 : i32
    "tpu.region"() ({
      %run_scoped3A = tpu.sem_alloc : memref<!tpu.dma_semaphore, #tpu.memory_space<semaphore_mem>>
      %dma_start3A_290 = arith.constant 0 : i32
      %dma_start3A_291 = arith.constant 0 : i32
      %dma_start3A_292 = tpu.memref_slice %arg23[%dma_start3A_290, %dma_start3A_291] : memref<96x16xf32, #tpu.memory_space<vmem>> -> memref<96x16xf32, #tpu.memory_space<vmem>>
      %dma_start3A_293 = arith.constant 0 : i32
      %dma_start3A_294 = tpu.memref_slice %arg28[%add3A_45, %dma_start3A_293] : memref<5136x16xf32, #tpu.memory_space<vmem_shared>> -> memref<96x16xf32, #tpu.memory_space<vmem_shared>>
      %dma_start3A_295 = arith.constant 0 : i32
      %dma_start3A_296 = tpu.memref_slice %arg28[%add3A_45, %dma_start3A_295] : memref<5136x16xf32, #tpu.memory_space<vmem_shared>> -> memref<96x16xf32, #tpu.memory_space<vmem_shared>>
      %dma_start3A_297 = arith.constant 0 : i32
      %dma_start3A_298 = arith.constant 0 : i32
      %dma_start3A_299 = tpu.memref_slice %arg23[%dma_start3A_297, %dma_start3A_298] : memref<96x16xf32, #tpu.memory_space<vmem>> -> memref<96x16xf32, #tpu.memory_space<vmem>>
      tpu.enqueue_dma source(%dma_start3A_299 : memref<96x16xf32, #tpu.memory_space<vmem>>) target(%dma_start3A_296 : memref<96x16xf32, #tpu.memory_space<vmem_shared>>) target_semaphore(%run_scoped3A : memref<!tpu.dma_semaphore, #tpu.memory_space<semaphore_mem>>)
      %dma_wait3A_300 = arith.constant 0 : i32
      %dma_wait3A_301 = arith.constant 0 : i32
      %dma_wait3A_302 = tpu.memref_slice %arg23[%dma_wait3A_300, %dma_wait3A_301] : memref<96x16xf32, #tpu.memory_space<vmem>> -> memref<96x16xf32, #tpu.memory_space<vmem>>
      %dma_wait3A_303 = arith.constant 0 : i32
      %dma_wait3A_304 = tpu.memref_slice %arg28[%add3A_45, %dma_wait3A_303] : memref<5136x16xf32, #tpu.memory_space<vmem_shared>> -> memref<96x16xf32, #tpu.memory_space<vmem_shared>>
      %dma_wait3A_305 = arith.constant 0 : i32
      %dma_wait3A_306 = tpu.memref_slice %arg28[%add3A_45, %dma_wait3A_305] : memref<5136x16xf32, #tpu.memory_space<vmem_shared>> -> memref<96x16xf32, #tpu.memory_space<vmem_shared>>
      %dma_wait3A_307 = arith.constant 0 : i32
      %dma_wait3A_308 = arith.constant 0 : i32
      %dma_wait3A_309 = tpu.memref_slice %arg23[%dma_wait3A_307, %dma_wait3A_308] : memref<96x16xf32, #tpu.memory_space<vmem>> -> memref<96x16xf32, #tpu.memory_space<vmem>>
      tpu.wait_dma2 semaphore(%run_scoped3A : memref<!tpu.dma_semaphore, #tpu.memory_space<semaphore_mem>>) src(%dma_wait3A_309 : memref<96x16xf32, #tpu.memory_space<vmem>>) dst(%dma_wait3A_306 : memref<96x16xf32, #tpu.memory_space<vmem_shared>>)
      tpu.yield
    }) : () -> ()
    %add3A_46 = arith.constant 288 : i32
    %add3A_47 = arith.addi %mul3A_39, %add3A_46 : i32
    "tpu.region"() ({
      %run_scoped3A = tpu.sem_alloc : memref<!tpu.dma_semaphore, #tpu.memory_space<semaphore_mem>>
      %dma_start3A_290 = arith.constant 0 : i32
      %dma_start3A_291 = arith.constant 0 : i32
      %dma_start3A_292 = tpu.memref_slice %arg23[%dma_start3A_290, %dma_start3A_291] : memref<96x16xf32, #tpu.memory_space<vmem>> -> memref<33x16xf32, #tpu.memory_space<vmem>>
      %dma_start3A_293 = arith.constant 0 : i32
      %dma_start3A_294 = tpu.memref_slice %arg28[%add3A_47, %dma_start3A_293] : memref<5136x16xf32, #tpu.memory_space<vmem_shared>> -> memref<33x16xf32, #tpu.memory_space<vmem_shared>>
      %dma_start3A_295 = arith.constant 0 : i32
      %dma_start3A_296 = tpu.memref_slice %arg28[%add3A_47, %dma_start3A_295] : memref<5136x16xf32, #tpu.memory_space<vmem_shared>> -> memref<33x16xf32, #tpu.memory_space<vmem_shared>>
      %dma_start3A_297 = arith.constant 0 : i32
      %dma_start3A_298 = arith.constant 0 : i32
      %dma_start3A_299 = tpu.memref_slice %arg23[%dma_start3A_297, %dma_start3A_298] : memref<96x16xf32, #tpu.memory_space<vmem>> -> memref<33x16xf32, #tpu.memory_space<vmem>>
      tpu.enqueue_dma source(%dma_start3A_299 : memref<33x16xf32, #tpu.memory_space<vmem>>) target(%dma_start3A_296 : memref<33x16xf32, #tpu.memory_space<vmem_shared>>) target_semaphore(%run_scoped3A : memref<!tpu.dma_semaphore, #tpu.memory_space<semaphore_mem>>)
      %dma_wait3A_300 = arith.constant 0 : i32
      %dma_wait3A_301 = arith.constant 0 : i32
      %dma_wait3A_302 = tpu.memref_slice %arg23[%dma_wait3A_300, %dma_wait3A_301] : memref<96x16xf32, #tpu.memory_space<vmem>> -> memref<33x16xf32, #tpu.memory_space<vmem>>
      %dma_wait3A_303 = arith.constant 0 : i32
      %dma_wait3A_304 = tpu.memref_slice %arg28[%add3A_47, %dma_wait3A_303] : memref<5136x16xf32, #tpu.memory_space<vmem_shared>> -> memref<33x16xf32, #tpu.memory_space<vmem_shared>>
      %dma_wait3A_305 = arith.constant 0 : i32
      %dma_wait3A_306 = tpu.memref_slice %arg28[%add3A_47, %dma_wait3A_305] : memref<5136x16xf32, #tpu.memory_space<vmem_shared>> -> memref<33x16xf32, #tpu.memory_space<vmem_shared>>
      %dma_wait3A_307 = arith.constant 0 : i32
      %dma_wait3A_308 = arith.constant 0 : i32
      %dma_wait3A_309 = tpu.memref_slice %arg23[%dma_wait3A_307, %dma_wait3A_308] : memref<96x16xf32, #tpu.memory_space<vmem>> -> memref<33x16xf32, #tpu.memory_space<vmem>>
      tpu.wait_dma2 semaphore(%run_scoped3A : memref<!tpu.dma_semaphore, #tpu.memory_space<semaphore_mem>>) src(%dma_wait3A_309 : memref<33x16xf32, #tpu.memory_space<vmem>>) dst(%dma_wait3A_306 : memref<33x16xf32, #tpu.memory_space<vmem_shared>>)
      tpu.yield
    }) : () -> ()
    %barrier3A = arith.constant 0 : index
    tpu.barrier barrier_id(%barrier3A)
    %add3A_48 = arith.constant 0 : i32
    %add3A_49 = arith.addi %mul3A_0, %add3A_48 : i32
    %dma_wait3A = tpu.memref_slice %arg2[%add3A_49] : memref<165888xi32, #tpu.memory_space<hbm>> -> memref<96xi32, #tpu.memory_space<hbm>>
    %dma_wait3A_50 = tpu.memref_slice %arg2[%add3A_49] : memref<165888xi32, #tpu.memory_space<hbm>> -> memref<96xi32, #tpu.memory_space<hbm>>
    tpu.wait_dma2 semaphore(%arg29 : memref<!tpu.dma_semaphore, #tpu.memory_space<semaphore_mem>>) src(%dma_wait3A_50 : memref<96xi32, #tpu.memory_space<hbm>>) dst(%arg9 : memref<96xi32, #tpu.memory_space<vmem>>)
    %dma_wait3A_51 = tpu.memref_slice %arg3[%add3A_49] : memref<165888xi32, #tpu.memory_space<hbm>> -> memref<96xi32, #tpu.memory_space<hbm>>
    %dma_wait3A_52 = tpu.memref_slice %arg3[%add3A_49] : memref<165888xi32, #tpu.memory_space<hbm>> -> memref<96xi32, #tpu.memory_space<hbm>>
    tpu.wait_dma2 semaphore(%arg31 : memref<!tpu.dma_semaphore, #tpu.memory_space<semaphore_mem>>) src(%dma_wait3A_52 : memref<96xi32, #tpu.memory_space<hbm>>) dst(%arg11 : memref<96xi32, #tpu.memory_space<vmem>>)
    %get3A = arith.constant 0 : index
    %get3A_53 = tpu.vector_load %arg9[%get3A] {strides = array<i32>} : memref<96xi32, #tpu.memory_space<vmem>>, vector<16xi32>,
    %get3A_54 = vector.shape_cast %get3A_53 : vector<16xi32> to vector<16xi32>
    %broadcast_in_dim3A_55 = vector.broadcast %mul3A_2 : i32 to vector<16xi32>
    %add3A_56 = arith.addi %get3A_54, %broadcast_in_dim3A_55 : vector<16xi32>
    %swap3A = arith.constant 0 : index
    %swap3A_57 = tpu.vector_load %arg17[%swap3A] {strides = array<i32>} : memref<96xi32, #tpu.memory_space<vmem>>, vector<16xi32>,
    %swap3A_58 = vector.shape_cast %swap3A_57 : vector<16xi32> to vector<16xi32>
    %swap3A_59 = vector.shape_cast %add3A_56 : vector<16xi32> to vector<16xi32>
    tpu.vector_store %arg17[%swap3A], %swap3A_59 {strides = array<i32>} : memref<96xi32, #tpu.memory_space<vmem>>, vector<16xi32>,
    %get3A_60 = arith.constant 0 : index
    %get3A_61 = tpu.vector_load %arg11[%get3A_60] {strides = array<i32>} : memref<96xi32, #tpu.memory_space<vmem>>, vector<16xi32>,
    %get3A_62 = vector.shape_cast %get3A_61 : vector<16xi32> to vector<16xi32>
    %broadcast_in_dim3A_63 = vector.broadcast %mul3A_4 : i32 to vector<16xi32>
    %sub3A = arith.subi %get3A_62, %broadcast_in_dim3A_63 : vector<16xi32>
    %ge3A = arith.constant 0 : i32
    %ge3A_64 = vector.broadcast %ge3A : i32 to vector<16xi32>
    %ge3A_65 = arith.cmpi sge, %sub3A, %ge3A_64 : vector<16xi32>
    %lt3A = arith.constant 5008 : i32
    %lt3A_66 = vector.broadcast %lt3A : i32 to vector<16xi32>
    %lt3A_67 = arith.cmpi slt, %sub3A, %lt3A_66 : vector<16xi32>
    %and3A = arith.andi %ge3A_65, %lt3A_67 : vector<16xi1>
    %broadcast_in_dim3A_68 = arith.constant 5008 : i32
    %broadcast_in_dim3A_69 = vector.broadcast %broadcast_in_dim3A_68 : i32 to vector<16xi32>
    %select_n3A = arith.select %and3A, %sub3A, %broadcast_in_dim3A_69 : vector<16xi1>, vector<16xi32>
    %swap3A_70 = arith.constant 0 : index
    %swap3A_71 = tpu.vector_load %arg13[%swap3A_70] {strides = array<i32>} : memref<96xi32, #tpu.memory_space<vmem>>, vector<16xi32>,
    %swap3A_72 = vector.shape_cast %swap3A_71 : vector<16xi32> to vector<16xi32>
    %swap3A_73 = vector.shape_cast %select_n3A : vector<16xi32> to vector<16xi32>
    tpu.vector_store %arg13[%swap3A_70], %swap3A_73 {strides = array<i32>} : memref<96xi32, #tpu.memory_space<vmem>>, vector<16xi32>,
    %get3A_74 = arith.constant 0 : index
    %get3A_75 = tpu.vector_load %arg11[%get3A_74] {strides = array<i32>} : memref<96xi32, #tpu.memory_space<vmem>>, vector<16xi32>,
    %get3A_76 = vector.shape_cast %get3A_75 : vector<16xi32> to vector<16xi32>
    %swap3A_77 = arith.constant 0 : index
    %swap3A_78 = tpu.vector_load %arg15[%swap3A_77] {strides = array<i32>} : memref<96xi32, #tpu.memory_space<vmem>>, vector<16xi32>,
    %swap3A_79 = vector.shape_cast %swap3A_78 : vector<16xi32> to vector<16xi32>
    %swap3A_80 = vector.shape_cast %get3A_76 : vector<16xi32> to vector<16xi32>
    tpu.vector_store %arg15[%swap3A_77], %swap3A_80 {strides = array<i32>} : memref<96xi32, #tpu.memory_space<vmem>>, vector<16xi32>,
    %get3A_81 = arith.constant 16 : index
    %get3A_82 = tpu.vector_load %arg9[%get3A_81] {strides = array<i32>} : memref<96xi32, #tpu.memory_space<vmem>>, vector<16xi32>,
    %get3A_83 = vector.shape_cast %get3A_82 : vector<16xi32> to vector<16xi32>
    %broadcast_in_dim3A_84 = vector.broadcast %mul3A_2 : i32 to vector<16xi32>
    %add3A_85 = arith.addi %get3A_83, %broadcast_in_dim3A_84 : vector<16xi32>
    %swap3A_86 = arith.constant 16 : index
    %swap3A_87 = tpu.vector_load %arg17[%swap3A_86] {strides = array<i32>} : memref<96xi32, #tpu.memory_space<vmem>>, vector<16xi32>,
    %swap3A_88 = vector.shape_cast %swap3A_87 : vector<16xi32> to vector<16xi32>
    %swap3A_89 = vector.shape_cast %add3A_85 : vector<16xi32> to vector<16xi32>
    tpu.vector_store %arg17[%swap3A_86], %swap3A_89 {strides = array<i32>} : memref<96xi32, #tpu.memory_space<vmem>>, vector<16xi32>,
    %get3A_90 = arith.constant 16 : index
    %get3A_91 = tpu.vector_load %arg11[%get3A_90] {strides = array<i32>} : memref<96xi32, #tpu.memory_space<vmem>>, vector<16xi32>,
    %get3A_92 = vector.shape_cast %get3A_91 : vector<16xi32> to vector<16xi32>
    %broadcast_in_dim3A_93 = vector.broadcast %mul3A_4 : i32 to vector<16xi32>
    %sub3A_94 = arith.subi %get3A_92, %broadcast_in_dim3A_93 : vector<16xi32>
    %ge3A_95 = arith.constant 0 : i32
    %ge3A_96 = vector.broadcast %ge3A_95 : i32 to vector<16xi32>
    %ge3A_97 = arith.cmpi sge, %sub3A_94, %ge3A_96 : vector<16xi32>
    %lt3A_98 = arith.constant 5008 : i32
    %lt3A_99 = vector.broadcast %lt3A_98 : i32 to vector<16xi32>
    %lt3A_100 = arith.cmpi slt, %sub3A_94, %lt3A_99 : vector<16xi32>
    %and3A_101 = arith.andi %ge3A_97, %lt3A_100 : vector<16xi1>
    %broadcast_in_dim3A_102 = arith.constant 5008 : i32
    %broadcast_in_dim3A_103 = vector.broadcast %broadcast_in_dim3A_102 : i32 to vector<16xi32>
    %select_n3A_104 = arith.select %and3A_101, %sub3A_94, %broadcast_in_dim3A_103 : vector<16xi1>, vector<16xi32>
    %swap3A_105 = arith.constant 16 : index
    %swap3A_106 = tpu.vector_load %arg13[%swap3A_105] {strides = array<i32>} : memref<96xi32, #tpu.memory_space<vmem>>, vector<16xi32>,
    %swap3A_107 = vector.shape_cast %swap3A_106 : vector<16xi32> to vector<16xi32>
    %swap3A_108 = vector.shape_cast %select_n3A_104 : vector<16xi32> to vector<16xi32>
    tpu.vector_store %arg13[%swap3A_105], %swap3A_108 {strides = array<i32>} : memref<96xi32, #tpu.memory_space<vmem>>, vector<16xi32>,
    %get3A_109 = arith.constant 16 : index
    %get3A_110 = tpu.vector_load %arg11[%get3A_109] {strides = array<i32>} : memref<96xi32, #tpu.memory_space<vmem>>, vector<16xi32>,
    %get3A_111 = vector.shape_cast %get3A_110 : vector<16xi32> to vector<16xi32>
    %swap3A_112 = arith.constant 16 : index
    %swap3A_113 = tpu.vector_load %arg15[%swap3A_112] {strides = array<i32>} : memref<96xi32, #tpu.memory_space<vmem>>, vector<16xi32>,
    %swap3A_114 = vector.shape_cast %swap3A_113 : vector<16xi32> to vector<16xi32>
    %swap3A_115 = vector.shape_cast %get3A_111 : vector<16xi32> to vector<16xi32>
    tpu.vector_store %arg15[%swap3A_112], %swap3A_115 {strides = array<i32>} : memref<96xi32, #tpu.memory_space<vmem>>, vector<16xi32>,
    %get3A_116 = arith.constant 32 : index
    %get3A_117 = tpu.vector_load %arg9[%get3A_116] {strides = array<i32>} : memref<96xi32, #tpu.memory_space<vmem>>, vector<16xi32>,
    %get3A_118 = vector.shape_cast %get3A_117 : vector<16xi32> to vector<16xi32>
    %broadcast_in_dim3A_119 = vector.broadcast %mul3A_2 : i32 to vector<16xi32>
    %add3A_120 = arith.addi %get3A_118, %broadcast_in_dim3A_119 : vector<16xi32>
    %swap3A_121 = arith.constant 32 : index
    %swap3A_122 = tpu.vector_load %arg17[%swap3A_121] {strides = array<i32>} : memref<96xi32, #tpu.memory_space<vmem>>, vector<16xi32>,
    %swap3A_123 = vector.shape_cast %swap3A_122 : vector<16xi32> to vector<16xi32>
    %swap3A_124 = vector.shape_cast %add3A_120 : vector<16xi32> to vector<16xi32>
    tpu.vector_store %arg17[%swap3A_121], %swap3A_124 {strides = array<i32>} : memref<96xi32, #tpu.memory_space<vmem>>, vector<16xi32>,
    %get3A_125 = arith.constant 32 : index
    %get3A_126 = tpu.vector_load %arg11[%get3A_125] {strides = array<i32>} : memref<96xi32, #tpu.memory_space<vmem>>, vector<16xi32>,
    %get3A_127 = vector.shape_cast %get3A_126 : vector<16xi32> to vector<16xi32>
    %broadcast_in_dim3A_128 = vector.broadcast %mul3A_4 : i32 to vector<16xi32>
    %sub3A_129 = arith.subi %get3A_127, %broadcast_in_dim3A_128 : vector<16xi32>
    %ge3A_130 = arith.constant 0 : i32
    %ge3A_131 = vector.broadcast %ge3A_130 : i32 to vector<16xi32>
    %ge3A_132 = arith.cmpi sge, %sub3A_129, %ge3A_131 : vector<16xi32>
    %lt3A_133 = arith.constant 5008 : i32
    %lt3A_134 = vector.broadcast %lt3A_133 : i32 to vector<16xi32>
    %lt3A_135 = arith.cmpi slt, %sub3A_129, %lt3A_134 : vector<16xi32>
    %and3A_136 = arith.andi %ge3A_132, %lt3A_135 : vector<16xi1>
    %broadcast_in_dim3A_137 = arith.constant 5008 : i32
    %broadcast_in_dim3A_138 = vector.broadcast %broadcast_in_dim3A_137 : i32 to vector<16xi32>
    %select_n3A_139 = arith.select %and3A_136, %sub3A_129, %broadcast_in_dim3A_138 : vector<16xi1>, vector<16xi32>
    %swap3A_140 = arith.constant 32 : index
    %swap3A_141 = tpu.vector_load %arg13[%swap3A_140] {strides = array<i32>} : memref<96xi32, #tpu.memory_space<vmem>>, vector<16xi32>,
    %swap3A_142 = vector.shape_cast %swap3A_141 : vector<16xi32> to vector<16xi32>
    %swap3A_143 = vector.shape_cast %select_n3A_139 : vector<16xi32> to vector<16xi32>
    tpu.vector_store %arg13[%swap3A_140], %swap3A_143 {strides = array<i32>} : memref<96xi32, #tpu.memory_space<vmem>>, vector<16xi32>,
    %get3A_144 = arith.constant 32 : index
    %get3A_145 = tpu.vector_load %arg11[%get3A_144] {strides = array<i32>} : memref<96xi32, #tpu.memory_space<vmem>>, vector<16xi32>,
    %get3A_146 = vector.shape_cast %get3A_145 : vector<16xi32> to vector<16xi32>
    %swap3A_147 = arith.constant 32 : index
    %swap3A_148 = tpu.vector_load %arg15[%swap3A_147] {strides = array<i32>} : memref<96xi32, #tpu.memory_space<vmem>>, vector<16xi32>,
    %swap3A_149 = vector.shape_cast %swap3A_148 : vector<16xi32> to vector<16xi32>
    %swap3A_150 = vector.shape_cast %get3A_146 : vector<16xi32> to vector<16xi32>
    tpu.vector_store %arg15[%swap3A_147], %swap3A_150 {strides = array<i32>} : memref<96xi32, #tpu.memory_space<vmem>>, vector<16xi32>,
    %get3A_151 = arith.constant 48 : index
    %get3A_152 = tpu.vector_load %arg9[%get3A_151] {strides = array<i32>} : memref<96xi32, #tpu.memory_space<vmem>>, vector<16xi32>,
    %get3A_153 = vector.shape_cast %get3A_152 : vector<16xi32> to vector<16xi32>
    %broadcast_in_dim3A_154 = vector.broadcast %mul3A_2 : i32 to vector<16xi32>
    %add3A_155 = arith.addi %get3A_153, %broadcast_in_dim3A_154 : vector<16xi32>
    %swap3A_156 = arith.constant 48 : index
    %swap3A_157 = tpu.vector_load %arg17[%swap3A_156] {strides = array<i32>} : memref<96xi32, #tpu.memory_space<vmem>>, vector<16xi32>,
    %swap3A_158 = vector.shape_cast %swap3A_157 : vector<16xi32> to vector<16xi32>
    %swap3A_159 = vector.shape_cast %add3A_155 : vector<16xi32> to vector<16xi32>
    tpu.vector_store %arg17[%swap3A_156], %swap3A_159 {strides = array<i32>} : memref<96xi32, #tpu.memory_space<vmem>>, vector<16xi32>,
    %get3A_160 = arith.constant 48 : index
    %get3A_161 = tpu.vector_load %arg11[%get3A_160] {strides = array<i32>} : memref<96xi32, #tpu.memory_space<vmem>>, vector<16xi32>,
    %get3A_162 = vector.shape_cast %get3A_161 : vector<16xi32> to vector<16xi32>
    %broadcast_in_dim3A_163 = vector.broadcast %mul3A_4 : i32 to vector<16xi32>
    %sub3A_164 = arith.subi %get3A_162, %broadcast_in_dim3A_163 : vector<16xi32>
    %ge3A_165 = arith.constant 0 : i32
    %ge3A_166 = vector.broadcast %ge3A_165 : i32 to vector<16xi32>
    %ge3A_167 = arith.cmpi sge, %sub3A_164, %ge3A_166 : vector<16xi32>
    %lt3A_168 = arith.constant 5008 : i32
    %lt3A_169 = vector.broadcast %lt3A_168 : i32 to vector<16xi32>
    %lt3A_170 = arith.cmpi slt, %sub3A_164, %lt3A_169 : vector<16xi32>
    %and3A_171 = arith.andi %ge3A_167, %lt3A_170 : vector<16xi1>
    %broadcast_in_dim3A_172 = arith.constant 5008 : i32
    %broadcast_in_dim3A_173 = vector.broadcast %broadcast_in_dim3A_172 : i32 to vector<16xi32>
    %select_n3A_174 = arith.select %and3A_171, %sub3A_164, %broadcast_in_dim3A_173 : vector<16xi1>, vector<16xi32>
    %swap3A_175 = arith.constant 48 : index
    %swap3A_176 = tpu.vector_load %arg13[%swap3A_175] {strides = array<i32>} : memref<96xi32, #tpu.memory_space<vmem>>, vector<16xi32>,
    %swap3A_177 = vector.shape_cast %swap3A_176 : vector<16xi32> to vector<16xi32>
    %swap3A_178 = vector.shape_cast %select_n3A_174 : vector<16xi32> to vector<16xi32>
    tpu.vector_store %arg13[%swap3A_175], %swap3A_178 {strides = array<i32>} : memref<96xi32, #tpu.memory_space<vmem>>, vector<16xi32>,
    %get3A_179 = arith.constant 48 : index
    %get3A_180 = tpu.vector_load %arg11[%get3A_179] {strides = array<i32>} : memref<96xi32, #tpu.memory_space<vmem>>, vector<16xi32>,
    %get3A_181 = vector.shape_cast %get3A_180 : vector<16xi32> to vector<16xi32>
    %swap3A_182 = arith.constant 48 : index
    %swap3A_183 = tpu.vector_load %arg15[%swap3A_182] {strides = array<i32>} : memref<96xi32, #tpu.memory_space<vmem>>, vector<16xi32>,
    %swap3A_184 = vector.shape_cast %swap3A_183 : vector<16xi32> to vector<16xi32>
    %swap3A_185 = vector.shape_cast %get3A_181 : vector<16xi32> to vector<16xi32>
    tpu.vector_store %arg15[%swap3A_182], %swap3A_185 {strides = array<i32>} : memref<96xi32, #tpu.memory_space<vmem>>, vector<16xi32>,
    %get3A_186 = arith.constant 64 : index
    %get3A_187 = tpu.vector_load %arg9[%get3A_186] {strides = array<i32>} : memref<96xi32, #tpu.memory_space<vmem>>, vector<16xi32>,
    %get3A_188 = vector.shape_cast %get3A_187 : vector<16xi32> to vector<16xi32>
    %broadcast_in_dim3A_189 = vector.broadcast %mul3A_2 : i32 to vector<16xi32>
    %add3A_190 = arith.addi %get3A_188, %broadcast_in_dim3A_189 : vector<16xi32>
    %swap3A_191 = arith.constant 64 : index
    %swap3A_192 = tpu.vector_load %arg17[%swap3A_191] {strides = array<i32>} : memref<96xi32, #tpu.memory_space<vmem>>, vector<16xi32>,
    %swap3A_193 = vector.shape_cast %swap3A_192 : vector<16xi32> to vector<16xi32>
    %swap3A_194 = vector.shape_cast %add3A_190 : vector<16xi32> to vector<16xi32>
    tpu.vector_store %arg17[%swap3A_191], %swap3A_194 {strides = array<i32>} : memref<96xi32, #tpu.memory_space<vmem>>, vector<16xi32>,
    %get3A_195 = arith.constant 64 : index
    %get3A_196 = tpu.vector_load %arg11[%get3A_195] {strides = array<i32>} : memref<96xi32, #tpu.memory_space<vmem>>, vector<16xi32>,
    %get3A_197 = vector.shape_cast %get3A_196 : vector<16xi32> to vector<16xi32>
    %broadcast_in_dim3A_198 = vector.broadcast %mul3A_4 : i32 to vector<16xi32>
    %sub3A_199 = arith.subi %get3A_197, %broadcast_in_dim3A_198 : vector<16xi32>
    %ge3A_200 = arith.constant 0 : i32
    %ge3A_201 = vector.broadcast %ge3A_200 : i32 to vector<16xi32>
    %ge3A_202 = arith.cmpi sge, %sub3A_199, %ge3A_201 : vector<16xi32>
    %lt3A_203 = arith.constant 5008 : i32
    %lt3A_204 = vector.broadcast %lt3A_203 : i32 to vector<16xi32>
    %lt3A_205 = arith.cmpi slt, %sub3A_199, %lt3A_204 : vector<16xi32>
    %and3A_206 = arith.andi %ge3A_202, %lt3A_205 : vector<16xi1>
    %broadcast_in_dim3A_207 = arith.constant 5008 : i32
    %broadcast_in_dim3A_208 = vector.broadcast %broadcast_in_dim3A_207 : i32 to vector<16xi32>
    %select_n3A_209 = arith.select %and3A_206, %sub3A_199, %broadcast_in_dim3A_208 : vector<16xi1>, vector<16xi32>
    %swap3A_210 = arith.constant 64 : index
    %swap3A_211 = tpu.vector_load %arg13[%swap3A_210] {strides = array<i32>} : memref<96xi32, #tpu.memory_space<vmem>>, vector<16xi32>,
    %swap3A_212 = vector.shape_cast %swap3A_211 : vector<16xi32> to vector<16xi32>
    %swap3A_213 = vector.shape_cast %select_n3A_209 : vector<16xi32> to vector<16xi32>
    tpu.vector_store %arg13[%swap3A_210], %swap3A_213 {strides = array<i32>} : memref<96xi32, #tpu.memory_space<vmem>>, vector<16xi32>,
    %get3A_214 = arith.constant 64 : index
    %get3A_215 = tpu.vector_load %arg11[%get3A_214] {strides = array<i32>} : memref<96xi32, #tpu.memory_space<vmem>>, vector<16xi32>,
    %get3A_216 = vector.shape_cast %get3A_215 : vector<16xi32> to vector<16xi32>
    %swap3A_217 = arith.constant 64 : index
    %swap3A_218 = tpu.vector_load %arg15[%swap3A_217] {strides = array<i32>} : memref<96xi32, #tpu.memory_space<vmem>>, vector<16xi32>,
    %swap3A_219 = vector.shape_cast %swap3A_218 : vector<16xi32> to vector<16xi32>
    %swap3A_220 = vector.shape_cast %get3A_216 : vector<16xi32> to vector<16xi32>
    tpu.vector_store %arg15[%swap3A_217], %swap3A_220 {strides = array<i32>} : memref<96xi32, #tpu.memory_space<vmem>>, vector<16xi32>,
    %get3A_221 = arith.constant 80 : index
    %get3A_222 = tpu.vector_load %arg9[%get3A_221] {strides = array<i32>} : memref<96xi32, #tpu.memory_space<vmem>>, vector<16xi32>,
    %get3A_223 = vector.shape_cast %get3A_222 : vector<16xi32> to vector<16xi32>
    %broadcast_in_dim3A_224 = vector.broadcast %mul3A_2 : i32 to vector<16xi32>
    %add3A_225 = arith.addi %get3A_223, %broadcast_in_dim3A_224 : vector<16xi32>
    %swap3A_226 = arith.constant 80 : index
    %swap3A_227 = tpu.vector_load %arg17[%swap3A_226] {strides = array<i32>} : memref<96xi32, #tpu.memory_space<vmem>>, vector<16xi32>,
    %swap3A_228 = vector.shape_cast %swap3A_227 : vector<16xi32> to vector<16xi32>
    %swap3A_229 = vector.shape_cast %add3A_225 : vector<16xi32> to vector<16xi32>
    tpu.vector_store %arg17[%swap3A_226], %swap3A_229 {strides = array<i32>} : memref<96xi32, #tpu.memory_space<vmem>>, vector<16xi32>,
    %get3A_230 = arith.constant 80 : index
    %get3A_231 = tpu.vector_load %arg11[%get3A_230] {strides = array<i32>} : memref<96xi32, #tpu.memory_space<vmem>>, vector<16xi32>,
    %get3A_232 = vector.shape_cast %get3A_231 : vector<16xi32> to vector<16xi32>
    %broadcast_in_dim3A_233 = vector.broadcast %mul3A_4 : i32 to vector<16xi32>
    %sub3A_234 = arith.subi %get3A_232, %broadcast_in_dim3A_233 : vector<16xi32>
    %ge3A_235 = arith.constant 0 : i32
    %ge3A_236 = vector.broadcast %ge3A_235 : i32 to vector<16xi32>
    %ge3A_237 = arith.cmpi sge, %sub3A_234, %ge3A_236 : vector<16xi32>
    %lt3A_238 = arith.constant 5008 : i32
    %lt3A_239 = vector.broadcast %lt3A_238 : i32 to vector<16xi32>
    %lt3A_240 = arith.cmpi slt, %sub3A_234, %lt3A_239 : vector<16xi32>
    %and3A_241 = arith.andi %ge3A_237, %lt3A_240 : vector<16xi1>
    %broadcast_in_dim3A_242 = arith.constant 5008 : i32
    %broadcast_in_dim3A_243 = vector.broadcast %broadcast_in_dim3A_242 : i32 to vector<16xi32>
    %select_n3A_244 = arith.select %and3A_241, %sub3A_234, %broadcast_in_dim3A_243 : vector<16xi1>, vector<16xi32>
    %swap3A_245 = arith.constant 80 : index
    %swap3A_246 = tpu.vector_load %arg13[%swap3A_245] {strides = array<i32>} : memref<96xi32, #tpu.memory_space<vmem>>, vector<16xi32>,
    %swap3A_247 = vector.shape_cast %swap3A_246 : vector<16xi32> to vector<16xi32>
    %swap3A_248 = vector.shape_cast %select_n3A_244 : vector<16xi32> to vector<16xi32>
    tpu.vector_store %arg13[%swap3A_245], %swap3A_248 {strides = array<i32>} : memref<96xi32, #tpu.memory_space<vmem>>, vector<16xi32>,
    %get3A_249 = arith.constant 80 : index
    %get3A_250 = tpu.vector_load %arg11[%get3A_249] {strides = array<i32>} : memref<96xi32, #tpu.memory_space<vmem>>, vector<16xi32>,
    %get3A_251 = vector.shape_cast %get3A_250 : vector<16xi32> to vector<16xi32>
    %swap3A_252 = arith.constant 80 : index
    %swap3A_253 = tpu.vector_load %arg15[%swap3A_252] {strides = array<i32>} : memref<96xi32, #tpu.memory_space<vmem>>, vector<16xi32>,
    %swap3A_254 = vector.shape_cast %swap3A_253 : vector<16xi32> to vector<16xi32>
    %swap3A_255 = vector.shape_cast %get3A_251 : vector<16xi32> to vector<16xi32>
    tpu.vector_store %arg15[%swap3A_252], %swap3A_255 {strides = array<i32>} : memref<96xi32, #tpu.memory_space<vmem>>, vector<16xi32>,
    %dma_start3A_256 = arith.constant 0 : i32
    %dma_start3A_257 = arith.constant 0 : i32
    %dma_start3A_258 = tpu.memref_slice %arg4[%dma_start3A_256, %dma_start3A_257] : memref<10000x16xf32, #tpu.memory_space<hbm>> -> memref<10000x16xf32, #tpu.memory_space<hbm>>
    tpu.enqueue_indirect_dma source(%dma_start3A_258 : memref<10000x16xf32, #tpu.memory_space<hbm>>) target(%arg19 : memref<96x16xf32, #tpu.memory_space<vmem>>) offsets(%arg9 : memref<96xi32, #tpu.memory_space<vmem>>) semaphore(%arg33 : memref<!tpu.dma_semaphore, #tpu.memory_space<semaphore_mem>>)
    %dma_start3A_259 = arith.constant 0 : i32
    %dma_start3A_260 = arith.constant 0 : i32
    %dma_start3A_261 = tpu.memref_slice %arg5[%dma_start3A_259, %dma_start3A_260] : memref<10000x16xf32, #tpu.memory_space<hbm>> -> memref<10000x16xf32, #tpu.memory_space<hbm>>
    tpu.enqueue_indirect_dma source(%dma_start3A_261 : memref<10000x16xf32, #tpu.memory_space<hbm>>) target(%arg21 : memref<96x16xf32, #tpu.memory_space<vmem>>) offsets(%arg11 : memref<96xi32, #tpu.memory_space<vmem>>) semaphore(%arg35 : memref<!tpu.dma_semaphore, #tpu.memory_space<semaphore_mem>>)
    %dma_start3A_262 = arith.constant 0 : i32
    %dma_start3A_263 = arith.constant 0 : i32
    %dma_start3A_264 = tpu.memref_slice %arg6[%dma_start3A_262, %dma_start3A_263] : memref<20000x128xf32, #tpu.memory_space<hbm>> -> memref<20000x128xf32, #tpu.memory_space<hbm>>
    tpu.enqueue_indirect_dma source(%dma_start3A_264 : memref<20000x128xf32, #tpu.memory_space<hbm>>) target(%arg25 : memref<96x128xf32, #tpu.memory_space<vmem>>) offsets(%arg17 : memref<96xi32, #tpu.memory_space<vmem>>) semaphore(%arg37 : memref<!tpu.dma_semaphore, #tpu.memory_space<semaphore_mem>>)
    %scan3A_265 = arith.constant 0 : i32
    %scan3A_266 = arith.constant 0 : i32
    %scan3A_267 = arith.constant 54 : i32
    %scan3A_268 = arith.addi %scan3A_266, %scan3A_267 : i32
    %scan3A_269 = arith.constant 1 : i32
    %scan3A_270 = scf.for %scan3A_290 = %scan3A_266 to %scan3A_268 step %scan3A_269 iter_args(%scan3A_291 = %scan3A_265) -> (i32)  : i32 {
      %mul3A_292 = arith.constant 2 : i32
      %mul3A_293 = arith.muli %mul3A_292, %scan3A_290 : i32
      %ge3A_294 = arith.constant 1 : i32
      %ge3A_295 = arith.cmpi sge, %mul3A_293, %ge3A_294 : i32
      %convert_element_type3A = arith.extui %ge3A_295 : i1 to i32
      %cond3A = arith.constant 0 : i32
      %cond3A_296 = arith.cmpi ne, %convert_element_type3A, %cond3A : i32
      scf.if %cond3A_296 {
        %dma_wait3A_398 = arith.constant 0 : i32
        %dma_wait3A_399 = arith.constant 0 : i32
        %dma_wait3A_400 = tpu.memref_slice %arg28[%dma_wait3A_398, %dma_wait3A_399] : memref<5136x16xf32, #tpu.memory_space<vmem_shared>> -> memref<5136x16xf32, #tpu.memory_space<vmem_shared>>
        tpu.wait_indirect_dma semaphore(%arg40 : memref<!tpu.dma_semaphore, #tpu.memory_space<semaphore_mem>>) src(%arg24 : memref<96x16xf32, #tpu.memory_space<vmem>>) dst(%dma_wait3A_400 : memref<5136x16xf32, #tpu.memory_space<vmem_shared>>)
        %dma_wait3A_401 = arith.constant 0 : i32
        %dma_wait3A_402 = arith.constant 0 : i32
        %dma_wait3A_403 = tpu.memref_slice %arg27[%dma_wait3A_401, %dma_wait3A_402] : memref<10016x128xf32, #tpu.memory_space<vmem_shared>> -> memref<10016x128xf32, #tpu.memory_space<vmem_shared>>
        tpu.wait_indirect_dma semaphore(%arg42 : memref<!tpu.dma_semaphore, #tpu.memory_space<semaphore_mem>>) src(%arg26 : memref<96x128xf32, #tpu.memory_space<vmem>>) dst(%dma_wait3A_403 : memref<10016x128xf32, #tpu.memory_space<vmem_shared>>)
      } else {
      }
      %add3A_297 = arith.constant 1 : i32
      %add3A_298 = arith.addi %mul3A_293, %add3A_297 : i32
      %lt3A_299 = arith.constant 108 : i32
      %lt3A_300 = arith.cmpi slt, %add3A_298, %lt3A_299 : i32
      %convert_element_type3A_301 = arith.extui %lt3A_300 : i1 to i32
      %cond3A_302 = arith.constant 0 : i32
      %cond3A_303 = arith.cmpi ne, %convert_element_type3A_301, %cond3A_302 : i32
      scf.if %cond3A_303 {
        %add3A_398 = arith.constant 1 : i32
        %add3A_399 = arith.addi %mul3A_293, %add3A_398 : i32
        %mul3A_400 = arith.constant 96 : i32
        %mul3A_401 = arith.muli %add3A_399, %mul3A_400 : i32
        %add3A_402 = arith.addi %mul3A_0, %mul3A_401 : i32
        %dma_wait3A_403 = tpu.memref_slice %arg2[%add3A_402] : memref<165888xi32, #tpu.memory_space<hbm>> -> memref<96xi32, #tpu.memory_space<hbm>>
        %dma_wait3A_404 = tpu.memref_slice %arg2[%add3A_402] : memref<165888xi32, #tpu.memory_space<hbm>> -> memref<96xi32, #tpu.memory_space<hbm>>
        tpu.wait_dma2 semaphore(%arg30 : memref<!tpu.dma_semaphore, #tpu.memory_space<semaphore_mem>>) src(%dma_wait3A_404 : memref<96xi32, #tpu.memory_space<hbm>>) dst(%arg10 : memref<96xi32, #tpu.memory_space<vmem>>)
        %dma_wait3A_405 = tpu.memref_slice %arg3[%add3A_402] : memref<165888xi32, #tpu.memory_space<hbm>> -> memref<96xi32, #tpu.memory_space<hbm>>
        %dma_wait3A_406 = tpu.memref_slice %arg3[%add3A_402] : memref<165888xi32, #tpu.memory_space<hbm>> -> memref<96xi32, #tpu.memory_space<hbm>>
        tpu.wait_dma2 semaphore(%arg32 : memref<!tpu.dma_semaphore, #tpu.memory_space<semaphore_mem>>) src(%dma_wait3A_406 : memref<96xi32, #tpu.memory_space<hbm>>) dst(%arg12 : memref<96xi32, #tpu.memory_space<vmem>>)
        %get3A_407 = arith.constant 0 : index
        %get3A_408 = tpu.vector_load %arg10[%get3A_407] {strides = array<i32>} : memref<96xi32, #tpu.memory_space<vmem>>, vector<16xi32>,
        %get3A_409 = vector.shape_cast %get3A_408 : vector<16xi32> to vector<16xi32>
        %broadcast_in_dim3A_410 = vector.broadcast %mul3A_2 : i32 to vector<16xi32>
        %add3A_411 = arith.addi %get3A_409, %broadcast_in_dim3A_410 : vector<16xi32>
        %swap3A_412 = arith.constant 0 : index
        %swap3A_413 = tpu.vector_load %arg18[%swap3A_412] {strides = array<i32>} : memref<96xi32, #tpu.memory_space<vmem>>, vector<16xi32>,
        %swap3A_414 = vector.shape_cast %swap3A_413 : vector<16xi32> to vector<16xi32>
        %swap3A_415 = vector.shape_cast %add3A_411 : vector<16xi32> to vector<16xi32>
        tpu.vector_store %arg18[%swap3A_412], %swap3A_415 {strides = array<i32>} : memref<96xi32, #tpu.memory_space<vmem>>, vector<16xi32>,
        %get3A_416 = arith.constant 0 : index
        %get3A_417 = tpu.vector_load %arg12[%get3A_416] {strides = array<i32>} : memref<96xi32, #tpu.memory_space<vmem>>, vector<16xi32>,
        %get3A_418 = vector.shape_cast %get3A_417 : vector<16xi32> to vector<16xi32>
        %broadcast_in_dim3A_419 = vector.broadcast %mul3A_4 : i32 to vector<16xi32>
        %sub3A_420 = arith.subi %get3A_418, %broadcast_in_dim3A_419 : vector<16xi32>
        %ge3A_421 = arith.constant 0 : i32
        %ge3A_422 = vector.broadcast %ge3A_421 : i32 to vector<16xi32>
        %ge3A_423 = arith.cmpi sge, %sub3A_420, %ge3A_422 : vector<16xi32>
        %lt3A_424 = arith.constant 5008 : i32
        %lt3A_425 = vector.broadcast %lt3A_424 : i32 to vector<16xi32>
        %lt3A_426 = arith.cmpi slt, %sub3A_420, %lt3A_425 : vector<16xi32>
        %and3A_427 = arith.andi %ge3A_423, %lt3A_426 : vector<16xi1>
        %broadcast_in_dim3A_428 = arith.constant 5008 : i32
        %broadcast_in_dim3A_429 = vector.broadcast %broadcast_in_dim3A_428 : i32 to vector<16xi32>
        %select_n3A_430 = arith.select %and3A_427, %sub3A_420, %broadcast_in_dim3A_429 : vector<16xi1>, vector<16xi32>
        %swap3A_431 = arith.constant 0 : index
        %swap3A_432 = tpu.vector_load %arg14[%swap3A_431] {strides = array<i32>} : memref<96xi32, #tpu.memory_space<vmem>>, vector<16xi32>,
        %swap3A_433 = vector.shape_cast %swap3A_432 : vector<16xi32> to vector<16xi32>
        %swap3A_434 = vector.shape_cast %select_n3A_430 : vector<16xi32> to vector<16xi32>
        tpu.vector_store %arg14[%swap3A_431], %swap3A_434 {strides = array<i32>} : memref<96xi32, #tpu.memory_space<vmem>>, vector<16xi32>,
        %get3A_435 = arith.constant 0 : index
        %get3A_436 = tpu.vector_load %arg12[%get3A_435] {strides = array<i32>} : memref<96xi32, #tpu.memory_space<vmem>>, vector<16xi32>,
        %get3A_437 = vector.shape_cast %get3A_436 : vector<16xi32> to vector<16xi32>
        %swap3A_438 = arith.constant 0 : index
        %swap3A_439 = tpu.vector_load %arg16[%swap3A_438] {strides = array<i32>} : memref<96xi32, #tpu.memory_space<vmem>>, vector<16xi32>,
        %swap3A_440 = vector.shape_cast %swap3A_439 : vector<16xi32> to vector<16xi32>
        %swap3A_441 = vector.shape_cast %get3A_437 : vector<16xi32> to vector<16xi32>
        tpu.vector_store %arg16[%swap3A_438], %swap3A_441 {strides = array<i32>} : memref<96xi32, #tpu.memory_space<vmem>>, vector<16xi32>,
        %get3A_442 = arith.constant 16 : index
        %get3A_443 = tpu.vector_load %arg10[%get3A_442] {strides = array<i32>} : memref<96xi32, #tpu.memory_space<vmem>>, vector<16xi32>,
        %get3A_444 = vector.shape_cast %get3A_443 : vector<16xi32> to vector<16xi32>
        %broadcast_in_dim3A_445 = vector.broadcast %mul3A_2 : i32 to vector<16xi32>
        %add3A_446 = arith.addi %get3A_444, %broadcast_in_dim3A_445 : vector<16xi32>
        %swap3A_447 = arith.constant 16 : index
        %swap3A_448 = tpu.vector_load %arg18[%swap3A_447] {strides = array<i32>} : memref<96xi32, #tpu.memory_space<vmem>>, vector<16xi32>,
        %swap3A_449 = vector.shape_cast %swap3A_448 : vector<16xi32> to vector<16xi32>
        %swap3A_450 = vector.shape_cast %add3A_446 : vector<16xi32> to vector<16xi32>
        tpu.vector_store %arg18[%swap3A_447], %swap3A_450 {strides = array<i32>} : memref<96xi32, #tpu.memory_space<vmem>>, vector<16xi32>,
        %get3A_451 = arith.constant 16 : index
        %get3A_452 = tpu.vector_load %arg12[%get3A_451] {strides = array<i32>} : memref<96xi32, #tpu.memory_space<vmem>>, vector<16xi32>,
        %get3A_453 = vector.shape_cast %get3A_452 : vector<16xi32> to vector<16xi32>
        %broadcast_in_dim3A_454 = vector.broadcast %mul3A_4 : i32 to vector<16xi32>
        %sub3A_455 = arith.subi %get3A_453, %broadcast_in_dim3A_454 : vector<16xi32>
        %ge3A_456 = arith.constant 0 : i32
        %ge3A_457 = vector.broadcast %ge3A_456 : i32 to vector<16xi32>
        %ge3A_458 = arith.cmpi sge, %sub3A_455, %ge3A_457 : vector<16xi32>
        %lt3A_459 = arith.constant 5008 : i32
        %lt3A_460 = vector.broadcast %lt3A_459 : i32 to vector<16xi32>
        %lt3A_461 = arith.cmpi slt, %sub3A_455, %lt3A_460 : vector<16xi32>
        %and3A_462 = arith.andi %ge3A_458, %lt3A_461 : vector<16xi1>
        %broadcast_in_dim3A_463 = arith.constant 5008 : i32
        %broadcast_in_dim3A_464 = vector.broadcast %broadcast_in_dim3A_463 : i32 to vector<16xi32>
        %select_n3A_465 = arith.select %and3A_462, %sub3A_455, %broadcast_in_dim3A_464 : vector<16xi1>, vector<16xi32>
        %swap3A_466 = arith.constant 16 : index
        %swap3A_467 = tpu.vector_load %arg14[%swap3A_466] {strides = array<i32>} : memref<96xi32, #tpu.memory_space<vmem>>, vector<16xi32>,
        %swap3A_468 = vector.shape_cast %swap3A_467 : vector<16xi32> to vector<16xi32>
        %swap3A_469 = vector.shape_cast %select_n3A_465 : vector<16xi32> to vector<16xi32>
        tpu.vector_store %arg14[%swap3A_466], %swap3A_469 {strides = array<i32>} : memref<96xi32, #tpu.memory_space<vmem>>, vector<16xi32>,
        %get3A_470 = arith.constant 16 : index
        %get3A_471 = tpu.vector_load %arg12[%get3A_470] {strides = array<i32>} : memref<96xi32, #tpu.memory_space<vmem>>, vector<16xi32>,
        %get3A_472 = vector.shape_cast %get3A_471 : vector<16xi32> to vector<16xi32>
        %swap3A_473 = arith.constant 16 : index
        %swap3A_474 = tpu.vector_load %arg16[%swap3A_473] {strides = array<i32>} : memref<96xi32, #tpu.memory_space<vmem>>, vector<16xi32>,
        %swap3A_475 = vector.shape_cast %swap3A_474 : vector<16xi32> to vector<16xi32>
        %swap3A_476 = vector.shape_cast %get3A_472 : vector<16xi32> to vector<16xi32>
        tpu.vector_store %arg16[%swap3A_473], %swap3A_476 {strides = array<i32>} : memref<96xi32, #tpu.memory_space<vmem>>, vector<16xi32>,
        %get3A_477 = arith.constant 32 : index
        %get3A_478 = tpu.vector_load %arg10[%get3A_477] {strides = array<i32>} : memref<96xi32, #tpu.memory_space<vmem>>, vector<16xi32>,
        %get3A_479 = vector.shape_cast %get3A_478 : vector<16xi32> to vector<16xi32>
        %broadcast_in_dim3A_480 = vector.broadcast %mul3A_2 : i32 to vector<16xi32>
        %add3A_481 = arith.addi %get3A_479, %broadcast_in_dim3A_480 : vector<16xi32>
        %swap3A_482 = arith.constant 32 : index
        %swap3A_483 = tpu.vector_load %arg18[%swap3A_482] {strides = array<i32>} : memref<96xi32, #tpu.memory_space<vmem>>, vector<16xi32>,
        %swap3A_484 = vector.shape_cast %swap3A_483 : vector<16xi32> to vector<16xi32>
        %swap3A_485 = vector.shape_cast %add3A_481 : vector<16xi32> to vector<16xi32>
        tpu.vector_store %arg18[%swap3A_482], %swap3A_485 {strides = array<i32>} : memref<96xi32, #tpu.memory_space<vmem>>, vector<16xi32>,
        %get3A_486 = arith.constant 32 : index
        %get3A_487 = tpu.vector_load %arg12[%get3A_486] {strides = array<i32>} : memref<96xi32, #tpu.memory_space<vmem>>, vector<16xi32>,
        %get3A_488 = vector.shape_cast %get3A_487 : vector<16xi32> to vector<16xi32>
        %broadcast_in_dim3A_489 = vector.broadcast %mul3A_4 : i32 to vector<16xi32>
        %sub3A_490 = arith.subi %get3A_488, %broadcast_in_dim3A_489 : vector<16xi32>
        %ge3A_491 = arith.constant 0 : i32
        %ge3A_492 = vector.broadcast %ge3A_491 : i32 to vector<16xi32>
        %ge3A_493 = arith.cmpi sge, %sub3A_490, %ge3A_492 : vector<16xi32>
        %lt3A_494 = arith.constant 5008 : i32
        %lt3A_495 = vector.broadcast %lt3A_494 : i32 to vector<16xi32>
        %lt3A_496 = arith.cmpi slt, %sub3A_490, %lt3A_495 : vector<16xi32>
        %and3A_497 = arith.andi %ge3A_493, %lt3A_496 : vector<16xi1>
        %broadcast_in_dim3A_498 = arith.constant 5008 : i32
        %broadcast_in_dim3A_499 = vector.broadcast %broadcast_in_dim3A_498 : i32 to vector<16xi32>
        %select_n3A_500 = arith.select %and3A_497, %sub3A_490, %broadcast_in_dim3A_499 : vector<16xi1>, vector<16xi32>
        %swap3A_501 = arith.constant 32 : index
        %swap3A_502 = tpu.vector_load %arg14[%swap3A_501] {strides = array<i32>} : memref<96xi32, #tpu.memory_space<vmem>>, vector<16xi32>,
        %swap3A_503 = vector.shape_cast %swap3A_502 : vector<16xi32> to vector<16xi32>
        %swap3A_504 = vector.shape_cast %select_n3A_500 : vector<16xi32> to vector<16xi32>
        tpu.vector_store %arg14[%swap3A_501], %swap3A_504 {strides = array<i32>} : memref<96xi32, #tpu.memory_space<vmem>>, vector<16xi32>,
        %get3A_505 = arith.constant 32 : index
        %get3A_506 = tpu.vector_load %arg12[%get3A_505] {strides = array<i32>} : memref<96xi32, #tpu.memory_space<vmem>>, vector<16xi32>,
        %get3A_507 = vector.shape_cast %get3A_506 : vector<16xi32> to vector<16xi32>
        %swap3A_508 = arith.constant 32 : index
        %swap3A_509 = tpu.vector_load %arg16[%swap3A_508] {strides = array<i32>} : memref<96xi32, #tpu.memory_space<vmem>>, vector<16xi32>,
        %swap3A_510 = vector.shape_cast %swap3A_509 : vector<16xi32> to vector<16xi32>
        %swap3A_511 = vector.shape_cast %get3A_507 : vector<16xi32> to vector<16xi32>
        tpu.vector_store %arg16[%swap3A_508], %swap3A_511 {strides = array<i32>} : memref<96xi32, #tpu.memory_space<vmem>>, vector<16xi32>,
        %get3A_512 = arith.constant 48 : index
        %get3A_513 = tpu.vector_load %arg10[%get3A_512] {strides = array<i32>} : memref<96xi32, #tpu.memory_space<vmem>>, vector<16xi32>,
        %get3A_514 = vector.shape_cast %get3A_513 : vector<16xi32> to vector<16xi32>
        %broadcast_in_dim3A_515 = vector.broadcast %mul3A_2 : i32 to vector<16xi32>
        %add3A_516 = arith.addi %get3A_514, %broadcast_in_dim3A_515 : vector<16xi32>
        %swap3A_517 = arith.constant 48 : index
        %swap3A_518 = tpu.vector_load %arg18[%swap3A_517] {strides = array<i32>} : memref<96xi32, #tpu.memory_space<vmem>>, vector<16xi32>,
        %swap3A_519 = vector.shape_cast %swap3A_518 : vector<16xi32> to vector<16xi32>
        %swap3A_520 = vector.shape_cast %add3A_516 : vector<16xi32> to vector<16xi32>
        tpu.vector_store %arg18[%swap3A_517], %swap3A_520 {strides = array<i32>} : memref<96xi32, #tpu.memory_space<vmem>>, vector<16xi32>,
        %get3A_521 = arith.constant 48 : index
        %get3A_522 = tpu.vector_load %arg12[%get3A_521] {strides = array<i32>} : memref<96xi32, #tpu.memory_space<vmem>>, vector<16xi32>,
        %get3A_523 = vector.shape_cast %get3A_522 : vector<16xi32> to vector<16xi32>
        %broadcast_in_dim3A_524 = vector.broadcast %mul3A_4 : i32 to vector<16xi32>
        %sub3A_525 = arith.subi %get3A_523, %broadcast_in_dim3A_524 : vector<16xi32>
        %ge3A_526 = arith.constant 0 : i32
        %ge3A_527 = vector.broadcast %ge3A_526 : i32 to vector<16xi32>
        %ge3A_528 = arith.cmpi sge, %sub3A_525, %ge3A_527 : vector<16xi32>
        %lt3A_529 = arith.constant 5008 : i32
        %lt3A_530 = vector.broadcast %lt3A_529 : i32 to vector<16xi32>
        %lt3A_531 = arith.cmpi slt, %sub3A_525, %lt3A_530 : vector<16xi32>
        %and3A_532 = arith.andi %ge3A_528, %lt3A_531 : vector<16xi1>
        %broadcast_in_dim3A_533 = arith.constant 5008 : i32
        %broadcast_in_dim3A_534 = vector.broadcast %broadcast_in_dim3A_533 : i32 to vector<16xi32>
        %select_n3A_535 = arith.select %and3A_532, %sub3A_525, %broadcast_in_dim3A_534 : vector<16xi1>, vector<16xi32>
        %swap3A_536 = arith.constant 48 : index
        %swap3A_537 = tpu.vector_load %arg14[%swap3A_536] {strides = array<i32>} : memref<96xi32, #tpu.memory_space<vmem>>, vector<16xi32>,
        %swap3A_538 = vector.shape_cast %swap3A_537 : vector<16xi32> to vector<16xi32>
        %swap3A_539 = vector.shape_cast %select_n3A_535 : vector<16xi32> to vector<16xi32>
        tpu.vector_store %arg14[%swap3A_536], %swap3A_539 {strides = array<i32>} : memref<96xi32, #tpu.memory_space<vmem>>, vector<16xi32>,
        %get3A_540 = arith.constant 48 : index
        %get3A_541 = tpu.vector_load %arg12[%get3A_540] {strides = array<i32>} : memref<96xi32, #tpu.memory_space<vmem>>, vector<16xi32>,
        %get3A_542 = vector.shape_cast %get3A_541 : vector<16xi32> to vector<16xi32>
        %swap3A_543 = arith.constant 48 : index
        %swap3A_544 = tpu.vector_load %arg16[%swap3A_543] {strides = array<i32>} : memref<96xi32, #tpu.memory_space<vmem>>, vector<16xi32>,
        %swap3A_545 = vector.shape_cast %swap3A_544 : vector<16xi32> to vector<16xi32>
        %swap3A_546 = vector.shape_cast %get3A_542 : vector<16xi32> to vector<16xi32>
        tpu.vector_store %arg16[%swap3A_543], %swap3A_546 {strides = array<i32>} : memref<96xi32, #tpu.memory_space<vmem>>, vector<16xi32>,
        %get3A_547 = arith.constant 64 : index
        %get3A_548 = tpu.vector_load %arg10[%get3A_547] {strides = array<i32>} : memref<96xi32, #tpu.memory_space<vmem>>, vector<16xi32>,
        %get3A_549 = vector.shape_cast %get3A_548 : vector<16xi32> to vector<16xi32>
        %broadcast_in_dim3A_550 = vector.broadcast %mul3A_2 : i32 to vector<16xi32>
        %add3A_551 = arith.addi %get3A_549, %broadcast_in_dim3A_550 : vector<16xi32>
        %swap3A_552 = arith.constant 64 : index
        %swap3A_553 = tpu.vector_load %arg18[%swap3A_552] {strides = array<i32>} : memref<96xi32, #tpu.memory_space<vmem>>, vector<16xi32>,
        %swap3A_554 = vector.shape_cast %swap3A_553 : vector<16xi32> to vector<16xi32>
        %swap3A_555 = vector.shape_cast %add3A_551 : vector<16xi32> to vector<16xi32>
        tpu.vector_store %arg18[%swap3A_552], %swap3A_555 {strides = array<i32>} : memref<96xi32, #tpu.memory_space<vmem>>, vector<16xi32>,
        %get3A_556 = arith.constant 64 : index
        %get3A_557 = tpu.vector_load %arg12[%get3A_556] {strides = array<i32>} : memref<96xi32, #tpu.memory_space<vmem>>, vector<16xi32>,
        %get3A_558 = vector.shape_cast %get3A_557 : vector<16xi32> to vector<16xi32>
        %broadcast_in_dim3A_559 = vector.broadcast %mul3A_4 : i32 to vector<16xi32>
        %sub3A_560 = arith.subi %get3A_558, %broadcast_in_dim3A_559 : vector<16xi32>
        %ge3A_561 = arith.constant 0 : i32
        %ge3A_562 = vector.broadcast %ge3A_561 : i32 to vector<16xi32>
        %ge3A_563 = arith.cmpi sge, %sub3A_560, %ge3A_562 : vector<16xi32>
        %lt3A_564 = arith.constant 5008 : i32
        %lt3A_565 = vector.broadcast %lt3A_564 : i32 to vector<16xi32>
        %lt3A_566 = arith.cmpi slt, %sub3A_560, %lt3A_565 : vector<16xi32>
        %and3A_567 = arith.andi %ge3A_563, %lt3A_566 : vector<16xi1>
        %broadcast_in_dim3A_568 = arith.constant 5008 : i32
        %broadcast_in_dim3A_569 = vector.broadcast %broadcast_in_dim3A_568 : i32 to vector<16xi32>
        %select_n3A_570 = arith.select %and3A_567, %sub3A_560, %broadcast_in_dim3A_569 : vector<16xi1>, vector<16xi32>
        %swap3A_571 = arith.constant 64 : index
        %swap3A_572 = tpu.vector_load %arg14[%swap3A_571] {strides = array<i32>} : memref<96xi32, #tpu.memory_space<vmem>>, vector<16xi32>,
        %swap3A_573 = vector.shape_cast %swap3A_572 : vector<16xi32> to vector<16xi32>
        %swap3A_574 = vector.shape_cast %select_n3A_570 : vector<16xi32> to vector<16xi32>
        tpu.vector_store %arg14[%swap3A_571], %swap3A_574 {strides = array<i32>} : memref<96xi32, #tpu.memory_space<vmem>>, vector<16xi32>,
        %get3A_575 = arith.constant 64 : index
        %get3A_576 = tpu.vector_load %arg12[%get3A_575] {strides = array<i32>} : memref<96xi32, #tpu.memory_space<vmem>>, vector<16xi32>,
        %get3A_577 = vector.shape_cast %get3A_576 : vector<16xi32> to vector<16xi32>
        %swap3A_578 = arith.constant 64 : index
        %swap3A_579 = tpu.vector_load %arg16[%swap3A_578] {strides = array<i32>} : memref<96xi32, #tpu.memory_space<vmem>>, vector<16xi32>,
        %swap3A_580 = vector.shape_cast %swap3A_579 : vector<16xi32> to vector<16xi32>
        %swap3A_581 = vector.shape_cast %get3A_577 : vector<16xi32> to vector<16xi32>
        tpu.vector_store %arg16[%swap3A_578], %swap3A_581 {strides = array<i32>} : memref<96xi32, #tpu.memory_space<vmem>>, vector<16xi32>,
        %get3A_582 = arith.constant 80 : index
        %get3A_583 = tpu.vector_load %arg10[%get3A_582] {strides = array<i32>} : memref<96xi32, #tpu.memory_space<vmem>>, vector<16xi32>,
        %get3A_584 = vector.shape_cast %get3A_583 : vector<16xi32> to vector<16xi32>
        %broadcast_in_dim3A_585 = vector.broadcast %mul3A_2 : i32 to vector<16xi32>
        %add3A_586 = arith.addi %get3A_584, %broadcast_in_dim3A_585 : vector<16xi32>
        %swap3A_587 = arith.constant 80 : index
        %swap3A_588 = tpu.vector_load %arg18[%swap3A_587] {strides = array<i32>} : memref<96xi32, #tpu.memory_space<vmem>>, vector<16xi32>,
        %swap3A_589 = vector.shape_cast %swap3A_588 : vector<16xi32> to vector<16xi32>
        %swap3A_590 = vector.shape_cast %add3A_586 : vector<16xi32> to vector<16xi32>
        tpu.vector_store %arg18[%swap3A_587], %swap3A_590 {strides = array<i32>} : memref<96xi32, #tpu.memory_space<vmem>>, vector<16xi32>,
        %get3A_591 = arith.constant 80 : index
        %get3A_592 = tpu.vector_load %arg12[%get3A_591] {strides = array<i32>} : memref<96xi32, #tpu.memory_space<vmem>>, vector<16xi32>,
        %get3A_593 = vector.shape_cast %get3A_592 : vector<16xi32> to vector<16xi32>
        %broadcast_in_dim3A_594 = vector.broadcast %mul3A_4 : i32 to vector<16xi32>
        %sub3A_595 = arith.subi %get3A_593, %broadcast_in_dim3A_594 : vector<16xi32>
        %ge3A_596 = arith.constant 0 : i32
        %ge3A_597 = vector.broadcast %ge3A_596 : i32 to vector<16xi32>
        %ge3A_598 = arith.cmpi sge, %sub3A_595, %ge3A_597 : vector<16xi32>
        %lt3A_599 = arith.constant 5008 : i32
        %lt3A_600 = vector.broadcast %lt3A_599 : i32 to vector<16xi32>
        %lt3A_601 = arith.cmpi slt, %sub3A_595, %lt3A_600 : vector<16xi32>
        %and3A_602 = arith.andi %ge3A_598, %lt3A_601 : vector<16xi1>
        %broadcast_in_dim3A_603 = arith.constant 5008 : i32
        %broadcast_in_dim3A_604 = vector.broadcast %broadcast_in_dim3A_603 : i32 to vector<16xi32>
        %select_n3A_605 = arith.select %and3A_602, %sub3A_595, %broadcast_in_dim3A_604 : vector<16xi1>, vector<16xi32>
        %swap3A_606 = arith.constant 80 : index
        %swap3A_607 = tpu.vector_load %arg14[%swap3A_606] {strides = array<i32>} : memref<96xi32, #tpu.memory_space<vmem>>, vector<16xi32>,
        %swap3A_608 = vector.shape_cast %swap3A_607 : vector<16xi32> to vector<16xi32>
        %swap3A_609 = vector.shape_cast %select_n3A_605 : vector<16xi32> to vector<16xi32>
        tpu.vector_store %arg14[%swap3A_606], %swap3A_609 {strides = array<i32>} : memref<96xi32, #tpu.memory_space<vmem>>, vector<16xi32>,
        %get3A_610 = arith.constant 80 : index
        %get3A_611 = tpu.vector_load %arg12[%get3A_610] {strides = array<i32>} : memref<96xi32, #tpu.memory_space<vmem>>, vector<16xi32>,
        %get3A_612 = vector.shape_cast %get3A_611 : vector<16xi32> to vector<16xi32>
        %swap3A_613 = arith.constant 80 : index
        %swap3A_614 = tpu.vector_load %arg16[%swap3A_613] {strides = array<i32>} : memref<96xi32, #tpu.memory_space<vmem>>, vector<16xi32>,
        %swap3A_615 = vector.shape_cast %swap3A_614 : vector<16xi32> to vector<16xi32>
        %swap3A_616 = vector.shape_cast %get3A_612 : vector<16xi32> to vector<16xi32>
        tpu.vector_store %arg16[%swap3A_613], %swap3A_616 {strides = array<i32>} : memref<96xi32, #tpu.memory_space<vmem>>, vector<16xi32>,
        %dma_start3A_617 = arith.constant 0 : i32
        %dma_start3A_618 = arith.constant 0 : i32
        %dma_start3A_619 = tpu.memref_slice %arg4[%dma_start3A_617, %dma_start3A_618] : memref<10000x16xf32, #tpu.memory_space<hbm>> -> memref<10000x16xf32, #tpu.memory_space<hbm>>
        tpu.enqueue_indirect_dma source(%dma_start3A_619 : memref<10000x16xf32, #tpu.memory_space<hbm>>) target(%arg20 : memref<96x16xf32, #tpu.memory_space<vmem>>) offsets(%arg10 : memref<96xi32, #tpu.memory_space<vmem>>) semaphore(%arg34 : memref<!tpu.dma_semaphore, #tpu.memory_space<semaphore_mem>>)
        %dma_start3A_620 = arith.constant 0 : i32
        %dma_start3A_621 = arith.constant 0 : i32
        %dma_start3A_622 = tpu.memref_slice %arg5[%dma_start3A_620, %dma_start3A_621] : memref<10000x16xf32, #tpu.memory_space<hbm>> -> memref<10000x16xf32, #tpu.memory_space<hbm>>
        tpu.enqueue_indirect_dma source(%dma_start3A_622 : memref<10000x16xf32, #tpu.memory_space<hbm>>) target(%arg22 : memref<96x16xf32, #tpu.memory_space<vmem>>) offsets(%arg12 : memref<96xi32, #tpu.memory_space<vmem>>) semaphore(%arg36 : memref<!tpu.dma_semaphore, #tpu.memory_space<semaphore_mem>>)
        %dma_start3A_623 = arith.constant 0 : i32
        %dma_start3A_624 = arith.constant 0 : i32
        %dma_start3A_625 = tpu.memref_slice %arg6[%dma_start3A_623, %dma_start3A_624] : memref<20000x128xf32, #tpu.memory_space<hbm>> -> memref<20000x128xf32, #tpu.memory_space<hbm>>
        tpu.enqueue_indirect_dma source(%dma_start3A_625 : memref<20000x128xf32, #tpu.memory_space<hbm>>) target(%arg26 : memref<96x128xf32, #tpu.memory_space<vmem>>) offsets(%arg18 : memref<96xi32, #tpu.memory_space<vmem>>) semaphore(%arg38 : memref<!tpu.dma_semaphore, #tpu.memory_space<semaphore_mem>>)
      } else {
      }
      %dma_wait3A_304 = arith.constant 0 : i32
      %dma_wait3A_305 = arith.constant 0 : i32
      %dma_wait3A_306 = tpu.memref_slice %arg4[%dma_wait3A_304, %dma_wait3A_305] : memref<10000x16xf32, #tpu.memory_space<hbm>> -> memref<10000x16xf32, #tpu.memory_space<hbm>>
      tpu.wait_indirect_dma semaphore(%arg33 : memref<!tpu.dma_semaphore, #tpu.memory_space<semaphore_mem>>) src(%dma_wait3A_306 : memref<10000x16xf32, #tpu.memory_space<hbm>>) dst(%arg19 : memref<96x16xf32, #tpu.memory_space<vmem>>)
      %dma_wait3A_307 = arith.constant 0 : i32
      %dma_wait3A_308 = arith.constant 0 : i32
      %dma_wait3A_309 = tpu.memref_slice %arg5[%dma_wait3A_307, %dma_wait3A_308] : memref<10000x16xf32, #tpu.memory_space<hbm>> -> memref<10000x16xf32, #tpu.memory_space<hbm>>
      tpu.wait_indirect_dma semaphore(%arg35 : memref<!tpu.dma_semaphore, #tpu.memory_space<semaphore_mem>>) src(%dma_wait3A_309 : memref<10000x16xf32, #tpu.memory_space<hbm>>) dst(%arg21 : memref<96x16xf32, #tpu.memory_space<vmem>>)
      %add3A_310 = arith.constant 2 : i32
      %add3A_311 = arith.addi %mul3A_293, %add3A_310 : i32
      %lt3A_312 = arith.constant 108 : i32
      %lt3A_313 = arith.cmpi slt, %add3A_311, %lt3A_312 : i32
      %convert_element_type3A_314 = arith.extui %lt3A_313 : i1 to i32
      %cond3A_315 = arith.constant 0 : i32
      %cond3A_316 = arith.cmpi ne, %convert_element_type3A_314, %cond3A_315 : i32
      scf.if %cond3A_316 {
        %add3A_398 = arith.constant 2 : i32
        %add3A_399 = arith.addi %mul3A_293, %add3A_398 : i32
        %mul3A_400 = arith.constant 96 : i32
        %mul3A_401 = arith.muli %add3A_399, %mul3A_400 : i32
        %add3A_402 = arith.addi %mul3A_0, %mul3A_401 : i32
        %dma_start3A_403 = tpu.memref_slice %arg2[%add3A_402] : memref<165888xi32, #tpu.memory_space<hbm>> -> memref<96xi32, #tpu.memory_space<hbm>>
        %dma_start3A_404 = tpu.memref_slice %arg2[%add3A_402] : memref<165888xi32, #tpu.memory_space<hbm>> -> memref<96xi32, #tpu.memory_space<hbm>>
        tpu.enqueue_dma source(%dma_start3A_404 : memref<96xi32, #tpu.memory_space<hbm>>) target(%arg9 : memref<96xi32, #tpu.memory_space<vmem>>) target_semaphore(%arg29 : memref<!tpu.dma_semaphore, #tpu.memory_space<semaphore_mem>>)
        %dma_start3A_405 = tpu.memref_slice %arg3[%add3A_402] : memref<165888xi32, #tpu.memory_space<hbm>> -> memref<96xi32, #tpu.memory_space<hbm>>
        %dma_start3A_406 = tpu.memref_slice %arg3[%add3A_402] : memref<165888xi32, #tpu.memory_space<hbm>> -> memref<96xi32, #tpu.memory_space<hbm>>
        tpu.enqueue_dma source(%dma_start3A_406 : memref<96xi32, #tpu.memory_space<hbm>>) target(%arg11 : memref<96xi32, #tpu.memory_space<vmem>>) target_semaphore(%arg31 : memref<!tpu.dma_semaphore, #tpu.memory_space<semaphore_mem>>)
      } else {
      }
      %scan3A_317 = arith.constant 0 : i32
      %scan3A_318 = arith.constant 0 : i32
      %scan3A_319 = arith.constant 96 : i32
      %scan3A_320 = arith.addi %scan3A_318, %scan3A_319 : i32
      %scan3A_321 = arith.constant 1 : i32
      %scan3A_322 = scf.for %scan3A_398 = %scan3A_318 to %scan3A_320 step %scan3A_321 iter_args(%scan3A_399 = %scan3A_317) -> (i32)  : i32 {
        %get3A_400 = arith.index_cast %scan3A_398 : i32 to index
        %get3A_401 = arith.constant 0 : index
        %get3A_402 = tpu.vector_load %arg19[%get3A_400, %get3A_401] {strides = array<i32>} : memref<96x16xf32, #tpu.memory_space<vmem>>, vector<1x16xf32>,
        %get3A_403 = vector.shape_cast %get3A_402 : vector<1x16xf32> to vector<16xf32>
        %get3A_404 = arith.index_cast %scan3A_398 : i32 to index
        %get3A_405 = arith.constant 0 : index
        %get3A_406 = tpu.vector_load %arg21[%get3A_404, %get3A_405] {strides = array<i32>} : memref<96x16xf32, #tpu.memory_space<vmem>>, vector<1x16xf32>,
        %get3A_407 = vector.shape_cast %get3A_406 : vector<1x16xf32> to vector<16xf32>
        %add3A_408 = arith.addf %get3A_403, %get3A_407 : vector<16xf32>
        %gt3A = arith.constant 0.000000e+00 : f32
        %gt3A_409 = vector.broadcast %gt3A : f32 to vector<16xf32>
        %gt3A_410 = arith.cmpf ogt, %add3A_408, %gt3A_409 : vector<16xf32>
        %mul3A_411 = arith.constant 2.000000e-01 : f32
        %mul3A_412 = vector.broadcast %mul3A_411 : f32 to vector<16xf32>
        %mul3A_413 = arith.mulf %mul3A_412, %add3A_408 : vector<16xf32>
        %select_n3A_414 = arith.select %gt3A_410, %add3A_408, %mul3A_413 : vector<16xi1>, vector<16xf32>
        %exp3A = math.exp %select_n3A_414 : vector<16xf32>
        %swap3A_415 = arith.index_cast %scan3A_398 : i32 to index
        %swap3A_416 = arith.constant 0 : index
        %swap3A_417 = tpu.vector_load %arg23[%swap3A_415, %swap3A_416] {strides = array<i32>} : memref<96x16xf32, #tpu.memory_space<vmem>>, vector<1x16xf32>,
        %swap3A_418 = vector.shape_cast %swap3A_417 : vector<1x16xf32> to vector<16xf32>
        %swap3A_419 = vector.shape_cast %exp3A : vector<16xf32> to vector<1x16xf32>
        tpu.vector_store %arg23[%swap3A_415, %swap3A_416], %swap3A_419 {strides = array<i32>} : memref<96x16xf32, #tpu.memory_space<vmem>>, vector<1x16xf32>,
        %scan3A_420 = arith.constant 0 : i32
        scf.yield %scan3A_420 : i32
      }
      %scan3A_323 = arith.constant 96 : i32
      %dma_start3A_324 = arith.constant 0 : i32
      %dma_start3A_325 = arith.constant 0 : i32
      %dma_start3A_326 = tpu.memref_slice %arg28[%dma_start3A_324, %dma_start3A_325] : memref<5136x16xf32, #tpu.memory_space<vmem_shared>> -> memref<5136x16xf32, #tpu.memory_space<vmem_shared>>
      tpu.enqueue_indirect_dma source(%arg23 : memref<96x16xf32, #tpu.memory_space<vmem>>) target(%dma_start3A_326 : memref<5136x16xf32, #tpu.memory_space<vmem_shared>>) offsets(%arg13 : memref<96xi32, #tpu.memory_space<vmem>>) semaphore(%arg39 : memref<!tpu.dma_semaphore, #tpu.memory_space<semaphore_mem>>) {add = true}
      %dma_wait3A_327 = arith.constant 0 : i32
      %dma_wait3A_328 = arith.constant 0 : i32
      %dma_wait3A_329 = tpu.memref_slice %arg6[%dma_wait3A_327, %dma_wait3A_328] : memref<20000x128xf32, #tpu.memory_space<hbm>> -> memref<20000x128xf32, #tpu.memory_space<hbm>>
      tpu.wait_indirect_dma semaphore(%arg37 : memref<!tpu.dma_semaphore, #tpu.memory_space<semaphore_mem>>) src(%dma_wait3A_329 : memref<20000x128xf32, #tpu.memory_space<hbm>>) dst(%arg25 : memref<96x128xf32, #tpu.memory_space<vmem>>)
      %eq3A = arith.constant 0 : i32
      %eq3A_330 = arith.cmpi eq, %arg0, %eq3A : i32
      %convert_element_type3A_331 = arith.extui %eq3A_330 : i1 to i32
      %cond3A_332 = arith.constant 0 : i32
      %cond3A_333 = arith.cmpi ne, %convert_element_type3A_331, %cond3A_332 : i32
      scf.if %cond3A_333 {
        %scan3A_398 = arith.constant 0 : i32
        %scan3A_399 = arith.constant 0 : i32
        %scan3A_400 = arith.constant 96 : i32
        %scan3A_401 = arith.addi %scan3A_399, %scan3A_400 : i32
        %scan3A_402 = arith.constant 1 : i32
        %scan3A_403 = scf.for %scan3A_405 = %scan3A_399 to %scan3A_401 step %scan3A_402 iter_args(%scan3A_406 = %scan3A_398) -> (i32)  : i32 {
          %get3A_407 = arith.index_cast %scan3A_405 : i32 to index
          %get3A_408 = arith.constant 0 : index
          %get3A_409 = tpu.vector_load %arg23[%get3A_407, %get3A_408] {strides = array<i32>} : memref<96x16xf32, #tpu.memory_space<vmem>>, vector<1x16xf32>,
          %get3A_410 = vector.shape_cast %get3A_409 : vector<1x16xf32> to vector<16xf32>
          %slice3A = vector.extract_strided_slice %get3A_410 {offsets = [0], sizes = [1], strides = [1]} : vector<16xf32> to vector<1xf32>
          %squeeze3A = vector.extract %slice3A[0] : f32 from vector<1xf32>
          %broadcast_in_dim3A_411 = vector.broadcast %squeeze3A : f32 to vector<16xf32>
          %get3A_412 = arith.index_cast %scan3A_405 : i32 to index
          %get3A_413 = arith.constant 0 : index
          %get3A_414 = tpu.vector_load %arg25[%get3A_412, %get3A_413] {strides = array<i32>} : memref<96x128xf32, #tpu.memory_space<vmem>>, vector<1x16xf32>,
          %get3A_415 = vector.shape_cast %get3A_414 : vector<1x16xf32> to vector<16xf32>
          %mul3A_416 = arith.mulf %get3A_415, %broadcast_in_dim3A_411 : vector<16xf32>
          %swap3A_417 = arith.index_cast %scan3A_405 : i32 to index
          %swap3A_418 = arith.constant 0 : index
          %swap3A_419 = tpu.vector_load %arg25[%swap3A_417, %swap3A_418] {strides = array<i32>} : memref<96x128xf32, #tpu.memory_space<vmem>>, vector<1x16xf32>,
          %swap3A_420 = vector.shape_cast %swap3A_419 : vector<1x16xf32> to vector<16xf32>
          %swap3A_421 = vector.shape_cast %mul3A_416 : vector<16xf32> to vector<1x16xf32>
          tpu.vector_store %arg25[%swap3A_417, %swap3A_418], %swap3A_421 {strides = array<i32>} : memref<96x128xf32, #tpu.memory_space<vmem>>, vector<1x16xf32>,
          %get3A_422 = arith.index_cast %scan3A_405 : i32 to index
          %get3A_423 = arith.constant 16 : index
          %get3A_424 = tpu.vector_load %arg25[%get3A_422, %get3A_423] {strides = array<i32>} : memref<96x128xf32, #tpu.memory_space<vmem>>, vector<1x16xf32>,
          %get3A_425 = vector.shape_cast %get3A_424 : vector<1x16xf32> to vector<16xf32>
          %mul3A_426 = arith.mulf %get3A_425, %broadcast_in_dim3A_411 : vector<16xf32>
          %swap3A_427 = arith.index_cast %scan3A_405 : i32 to index
          %swap3A_428 = arith.constant 16 : index
          %swap3A_429 = tpu.vector_load %arg25[%swap3A_427, %swap3A_428] {strides = array<i32>} : memref<96x128xf32, #tpu.memory_space<vmem>>, vector<1x16xf32>,
          %swap3A_430 = vector.shape_cast %swap3A_429 : vector<1x16xf32> to vector<16xf32>
          %swap3A_431 = vector.shape_cast %mul3A_426 : vector<16xf32> to vector<1x16xf32>
          tpu.vector_store %arg25[%swap3A_427, %swap3A_428], %swap3A_431 {strides = array<i32>} : memref<96x128xf32, #tpu.memory_space<vmem>>, vector<1x16xf32>,
          %slice3A_432 = vector.extract_strided_slice %get3A_410 {offsets = [1], sizes = [1], strides = [1]} : vector<16xf32> to vector<1xf32>
          %squeeze3A_433 = vector.extract %slice3A_432[0] : f32 from vector<1xf32>
          %broadcast_in_dim3A_434 = vector.broadcast %squeeze3A_433 : f32 to vector<16xf32>
          %get3A_435 = arith.index_cast %scan3A_405 : i32 to index
          %get3A_436 = arith.constant 32 : index
          %get3A_437 = tpu.vector_load %arg25[%get3A_435, %get3A_436] {strides = array<i32>} : memref<96x128xf32, #tpu.memory_space<vmem>>, vector<1x16xf32>,
          %get3A_438 = vector.shape_cast %get3A_437 : vector<1x16xf32> to vector<16xf32>
          %mul3A_439 = arith.mulf %get3A_438, %broadcast_in_dim3A_434 : vector<16xf32>
          %swap3A_440 = arith.index_cast %scan3A_405 : i32 to index
          %swap3A_441 = arith.constant 32 : index
          %swap3A_442 = tpu.vector_load %arg25[%swap3A_440, %swap3A_441] {strides = array<i32>} : memref<96x128xf32, #tpu.memory_space<vmem>>, vector<1x16xf32>,
          %swap3A_443 = vector.shape_cast %swap3A_442 : vector<1x16xf32> to vector<16xf32>
          %swap3A_444 = vector.shape_cast %mul3A_439 : vector<16xf32> to vector<1x16xf32>
          tpu.vector_store %arg25[%swap3A_440, %swap3A_441], %swap3A_444 {strides = array<i32>} : memref<96x128xf32, #tpu.memory_space<vmem>>, vector<1x16xf32>,
          %get3A_445 = arith.index_cast %scan3A_405 : i32 to index
          %get3A_446 = arith.constant 48 : index
          %get3A_447 = tpu.vector_load %arg25[%get3A_445, %get3A_446] {strides = array<i32>} : memref<96x128xf32, #tpu.memory_space<vmem>>, vector<1x16xf32>,
          %get3A_448 = vector.shape_cast %get3A_447 : vector<1x16xf32> to vector<16xf32>
          %mul3A_449 = arith.mulf %get3A_448, %broadcast_in_dim3A_434 : vector<16xf32>
          %swap3A_450 = arith.index_cast %scan3A_405 : i32 to index
          %swap3A_451 = arith.constant 48 : index
          %swap3A_452 = tpu.vector_load %arg25[%swap3A_450, %swap3A_451] {strides = array<i32>} : memref<96x128xf32, #tpu.memory_space<vmem>>, vector<1x16xf32>,
          %swap3A_453 = vector.shape_cast %swap3A_452 : vector<1x16xf32> to vector<16xf32>
          %swap3A_454 = vector.shape_cast %mul3A_449 : vector<16xf32> to vector<1x16xf32>
          tpu.vector_store %arg25[%swap3A_450, %swap3A_451], %swap3A_454 {strides = array<i32>} : memref<96x128xf32, #tpu.memory_space<vmem>>, vector<1x16xf32>,
          %slice3A_455 = vector.extract_strided_slice %get3A_410 {offsets = [2], sizes = [1], strides = [1]} : vector<16xf32> to vector<1xf32>
          %squeeze3A_456 = vector.extract %slice3A_455[0] : f32 from vector<1xf32>
          %broadcast_in_dim3A_457 = vector.broadcast %squeeze3A_456 : f32 to vector<16xf32>
          %get3A_458 = arith.index_cast %scan3A_405 : i32 to index
          %get3A_459 = arith.constant 64 : index
          %get3A_460 = tpu.vector_load %arg25[%get3A_458, %get3A_459] {strides = array<i32>} : memref<96x128xf32, #tpu.memory_space<vmem>>, vector<1x16xf32>,
          %get3A_461 = vector.shape_cast %get3A_460 : vector<1x16xf32> to vector<16xf32>
          %mul3A_462 = arith.mulf %get3A_461, %broadcast_in_dim3A_457 : vector<16xf32>
          %swap3A_463 = arith.index_cast %scan3A_405 : i32 to index
          %swap3A_464 = arith.constant 64 : index
          %swap3A_465 = tpu.vector_load %arg25[%swap3A_463, %swap3A_464] {strides = array<i32>} : memref<96x128xf32, #tpu.memory_space<vmem>>, vector<1x16xf32>,
          %swap3A_466 = vector.shape_cast %swap3A_465 : vector<1x16xf32> to vector<16xf32>
          %swap3A_467 = vector.shape_cast %mul3A_462 : vector<16xf32> to vector<1x16xf32>
          tpu.vector_store %arg25[%swap3A_463, %swap3A_464], %swap3A_467 {strides = array<i32>} : memref<96x128xf32, #tpu.memory_space<vmem>>, vector<1x16xf32>,
          %get3A_468 = arith.index_cast %scan3A_405 : i32 to index
          %get3A_469 = arith.constant 80 : index
          %get3A_470 = tpu.vector_load %arg25[%get3A_468, %get3A_469] {strides = array<i32>} : memref<96x128xf32, #tpu.memory_space<vmem>>, vector<1x16xf32>,
          %get3A_471 = vector.shape_cast %get3A_470 : vector<1x16xf32> to vector<16xf32>
          %mul3A_472 = arith.mulf %get3A_471, %broadcast_in_dim3A_457 : vector<16xf32>
          %swap3A_473 = arith.index_cast %scan3A_405 : i32 to index
          %swap3A_474 = arith.constant 80 : index
          %swap3A_475 = tpu.vector_load %arg25[%swap3A_473, %swap3A_474] {strides = array<i32>} : memref<96x128xf32, #tpu.memory_space<vmem>>, vector<1x16xf32>,
          %swap3A_476 = vector.shape_cast %swap3A_475 : vector<1x16xf32> to vector<16xf32>
          %swap3A_477 = vector.shape_cast %mul3A_472 : vector<16xf32> to vector<1x16xf32>
          tpu.vector_store %arg25[%swap3A_473, %swap3A_474], %swap3A_477 {strides = array<i32>} : memref<96x128xf32, #tpu.memory_space<vmem>>, vector<1x16xf32>,
          %slice3A_478 = vector.extract_strided_slice %get3A_410 {offsets = [3], sizes = [1], strides = [1]} : vector<16xf32> to vector<1xf32>
          %squeeze3A_479 = vector.extract %slice3A_478[0] : f32 from vector<1xf32>
          %broadcast_in_dim3A_480 = vector.broadcast %squeeze3A_479 : f32 to vector<16xf32>
          %get3A_481 = arith.index_cast %scan3A_405 : i32 to index
          %get3A_482 = arith.constant 96 : index
          %get3A_483 = tpu.vector_load %arg25[%get3A_481, %get3A_482] {strides = array<i32>} : memref<96x128xf32, #tpu.memory_space<vmem>>, vector<1x16xf32>,
          %get3A_484 = vector.shape_cast %get3A_483 : vector<1x16xf32> to vector<16xf32>
          %mul3A_485 = arith.mulf %get3A_484, %broadcast_in_dim3A_480 : vector<16xf32>
          %swap3A_486 = arith.index_cast %scan3A_405 : i32 to index
          %swap3A_487 = arith.constant 96 : index
          %swap3A_488 = tpu.vector_load %arg25[%swap3A_486, %swap3A_487] {strides = array<i32>} : memref<96x128xf32, #tpu.memory_space<vmem>>, vector<1x16xf32>,
          %swap3A_489 = vector.shape_cast %swap3A_488 : vector<1x16xf32> to vector<16xf32>
          %swap3A_490 = vector.shape_cast %mul3A_485 : vector<16xf32> to vector<1x16xf32>
          tpu.vector_store %arg25[%swap3A_486, %swap3A_487], %swap3A_490 {strides = array<i32>} : memref<96x128xf32, #tpu.memory_space<vmem>>, vector<1x16xf32>,
          %get3A_491 = arith.index_cast %scan3A_405 : i32 to index
          %get3A_492 = arith.constant 112 : index
          %get3A_493 = tpu.vector_load %arg25[%get3A_491, %get3A_492] {strides = array<i32>} : memref<96x128xf32, #tpu.memory_space<vmem>>, vector<1x16xf32>,
          %get3A_494 = vector.shape_cast %get3A_493 : vector<1x16xf32> to vector<16xf32>
          %mul3A_495 = arith.mulf %get3A_494, %broadcast_in_dim3A_480 : vector<16xf32>
          %swap3A_496 = arith.index_cast %scan3A_405 : i32 to index
          %swap3A_497 = arith.constant 112 : index
          %swap3A_498 = tpu.vector_load %arg25[%swap3A_496, %swap3A_497] {strides = array<i32>} : memref<96x128xf32, #tpu.memory_space<vmem>>, vector<1x16xf32>,
          %swap3A_499 = vector.shape_cast %swap3A_498 : vector<1x16xf32> to vector<16xf32>
          %swap3A_500 = vector.shape_cast %mul3A_495 : vector<16xf32> to vector<1x16xf32>
          tpu.vector_store %arg25[%swap3A_496, %swap3A_497], %swap3A_500 {strides = array<i32>} : memref<96x128xf32, #tpu.memory_space<vmem>>, vector<1x16xf32>,
          %scan3A_501 = arith.constant 0 : i32
          scf.yield %scan3A_501 : i32
        }
        %scan3A_404 = arith.constant 96 : i32
      } else {
      }
      %eq3A_334 = arith.constant 1 : i32
      %eq3A_335 = arith.cmpi eq, %arg0, %eq3A_334 : i32
      %convert_element_type3A_336 = arith.extui %eq3A_335 : i1 to i32
      %cond3A_337 = arith.constant 0 : i32
      %cond3A_338 = arith.cmpi ne, %convert_element_type3A_336, %cond3A_337 : i32
      scf.if %cond3A_338 {
        %scan3A_398 = arith.constant 0 : i32
        %scan3A_399 = arith.constant 0 : i32
        %scan3A_400 = arith.constant 96 : i32
        %scan3A_401 = arith.addi %scan3A_399, %scan3A_400 : i32
        %scan3A_402 = arith.constant 1 : i32
        %scan3A_403 = scf.for %scan3A_405 = %scan3A_399 to %scan3A_401 step %scan3A_402 iter_args(%scan3A_406 = %scan3A_398) -> (i32)  : i32 {
          %get3A_407 = arith.index_cast %scan3A_405 : i32 to index
          %get3A_408 = arith.constant 0 : index
          %get3A_409 = tpu.vector_load %arg23[%get3A_407, %get3A_408] {strides = array<i32>} : memref<96x16xf32, #tpu.memory_space<vmem>>, vector<1x16xf32>,
          %get3A_410 = vector.shape_cast %get3A_409 : vector<1x16xf32> to vector<16xf32>
          %slice3A = vector.extract_strided_slice %get3A_410 {offsets = [4], sizes = [1], strides = [1]} : vector<16xf32> to vector<1xf32>
          %squeeze3A = vector.extract %slice3A[0] : f32 from vector<1xf32>
          %broadcast_in_dim3A_411 = vector.broadcast %squeeze3A : f32 to vector<16xf32>
          %get3A_412 = arith.index_cast %scan3A_405 : i32 to index
          %get3A_413 = arith.constant 0 : index
          %get3A_414 = tpu.vector_load %arg25[%get3A_412, %get3A_413] {strides = array<i32>} : memref<96x128xf32, #tpu.memory_space<vmem>>, vector<1x16xf32>,
          %get3A_415 = vector.shape_cast %get3A_414 : vector<1x16xf32> to vector<16xf32>
          %mul3A_416 = arith.mulf %get3A_415, %broadcast_in_dim3A_411 : vector<16xf32>
          %swap3A_417 = arith.index_cast %scan3A_405 : i32 to index
          %swap3A_418 = arith.constant 0 : index
          %swap3A_419 = tpu.vector_load %arg25[%swap3A_417, %swap3A_418] {strides = array<i32>} : memref<96x128xf32, #tpu.memory_space<vmem>>, vector<1x16xf32>,
          %swap3A_420 = vector.shape_cast %swap3A_419 : vector<1x16xf32> to vector<16xf32>
          %swap3A_421 = vector.shape_cast %mul3A_416 : vector<16xf32> to vector<1x16xf32>
          tpu.vector_store %arg25[%swap3A_417, %swap3A_418], %swap3A_421 {strides = array<i32>} : memref<96x128xf32, #tpu.memory_space<vmem>>, vector<1x16xf32>,
          %get3A_422 = arith.index_cast %scan3A_405 : i32 to index
          %get3A_423 = arith.constant 16 : index
          %get3A_424 = tpu.vector_load %arg25[%get3A_422, %get3A_423] {strides = array<i32>} : memref<96x128xf32, #tpu.memory_space<vmem>>, vector<1x16xf32>,
          %get3A_425 = vector.shape_cast %get3A_424 : vector<1x16xf32> to vector<16xf32>
          %mul3A_426 = arith.mulf %get3A_425, %broadcast_in_dim3A_411 : vector<16xf32>
          %swap3A_427 = arith.index_cast %scan3A_405 : i32 to index
          %swap3A_428 = arith.constant 16 : index
          %swap3A_429 = tpu.vector_load %arg25[%swap3A_427, %swap3A_428] {strides = array<i32>} : memref<96x128xf32, #tpu.memory_space<vmem>>, vector<1x16xf32>,
          %swap3A_430 = vector.shape_cast %swap3A_429 : vector<1x16xf32> to vector<16xf32>
          %swap3A_431 = vector.shape_cast %mul3A_426 : vector<16xf32> to vector<1x16xf32>
          tpu.vector_store %arg25[%swap3A_427, %swap3A_428], %swap3A_431 {strides = array<i32>} : memref<96x128xf32, #tpu.memory_space<vmem>>, vector<1x16xf32>,
          %slice3A_432 = vector.extract_strided_slice %get3A_410 {offsets = [5], sizes = [1], strides = [1]} : vector<16xf32> to vector<1xf32>
          %squeeze3A_433 = vector.extract %slice3A_432[0] : f32 from vector<1xf32>
          %broadcast_in_dim3A_434 = vector.broadcast %squeeze3A_433 : f32 to vector<16xf32>
          %get3A_435 = arith.index_cast %scan3A_405 : i32 to index
          %get3A_436 = arith.constant 32 : index
          %get3A_437 = tpu.vector_load %arg25[%get3A_435, %get3A_436] {strides = array<i32>} : memref<96x128xf32, #tpu.memory_space<vmem>>, vector<1x16xf32>,
          %get3A_438 = vector.shape_cast %get3A_437 : vector<1x16xf32> to vector<16xf32>
          %mul3A_439 = arith.mulf %get3A_438, %broadcast_in_dim3A_434 : vector<16xf32>
          %swap3A_440 = arith.index_cast %scan3A_405 : i32 to index
          %swap3A_441 = arith.constant 32 : index
          %swap3A_442 = tpu.vector_load %arg25[%swap3A_440, %swap3A_441] {strides = array<i32>} : memref<96x128xf32, #tpu.memory_space<vmem>>, vector<1x16xf32>,
          %swap3A_443 = vector.shape_cast %swap3A_442 : vector<1x16xf32> to vector<16xf32>
          %swap3A_444 = vector.shape_cast %mul3A_439 : vector<16xf32> to vector<1x16xf32>
          tpu.vector_store %arg25[%swap3A_440, %swap3A_441], %swap3A_444 {strides = array<i32>} : memref<96x128xf32, #tpu.memory_space<vmem>>, vector<1x16xf32>,
          %get3A_445 = arith.index_cast %scan3A_405 : i32 to index
          %get3A_446 = arith.constant 48 : index
          %get3A_447 = tpu.vector_load %arg25[%get3A_445, %get3A_446] {strides = array<i32>} : memref<96x128xf32, #tpu.memory_space<vmem>>, vector<1x16xf32>,
          %get3A_448 = vector.shape_cast %get3A_447 : vector<1x16xf32> to vector<16xf32>
          %mul3A_449 = arith.mulf %get3A_448, %broadcast_in_dim3A_434 : vector<16xf32>
          %swap3A_450 = arith.index_cast %scan3A_405 : i32 to index
          %swap3A_451 = arith.constant 48 : index
          %swap3A_452 = tpu.vector_load %arg25[%swap3A_450, %swap3A_451] {strides = array<i32>} : memref<96x128xf32, #tpu.memory_space<vmem>>, vector<1x16xf32>,
          %swap3A_453 = vector.shape_cast %swap3A_452 : vector<1x16xf32> to vector<16xf32>
          %swap3A_454 = vector.shape_cast %mul3A_449 : vector<16xf32> to vector<1x16xf32>
          tpu.vector_store %arg25[%swap3A_450, %swap3A_451], %swap3A_454 {strides = array<i32>} : memref<96x128xf32, #tpu.memory_space<vmem>>, vector<1x16xf32>,
          %slice3A_455 = vector.extract_strided_slice %get3A_410 {offsets = [6], sizes = [1], strides = [1]} : vector<16xf32> to vector<1xf32>
          %squeeze3A_456 = vector.extract %slice3A_455[0] : f32 from vector<1xf32>
          %broadcast_in_dim3A_457 = vector.broadcast %squeeze3A_456 : f32 to vector<16xf32>
          %get3A_458 = arith.index_cast %scan3A_405 : i32 to index
          %get3A_459 = arith.constant 64 : index
          %get3A_460 = tpu.vector_load %arg25[%get3A_458, %get3A_459] {strides = array<i32>} : memref<96x128xf32, #tpu.memory_space<vmem>>, vector<1x16xf32>,
          %get3A_461 = vector.shape_cast %get3A_460 : vector<1x16xf32> to vector<16xf32>
          %mul3A_462 = arith.mulf %get3A_461, %broadcast_in_dim3A_457 : vector<16xf32>
          %swap3A_463 = arith.index_cast %scan3A_405 : i32 to index
          %swap3A_464 = arith.constant 64 : index
          %swap3A_465 = tpu.vector_load %arg25[%swap3A_463, %swap3A_464] {strides = array<i32>} : memref<96x128xf32, #tpu.memory_space<vmem>>, vector<1x16xf32>,
          %swap3A_466 = vector.shape_cast %swap3A_465 : vector<1x16xf32> to vector<16xf32>
          %swap3A_467 = vector.shape_cast %mul3A_462 : vector<16xf32> to vector<1x16xf32>
          tpu.vector_store %arg25[%swap3A_463, %swap3A_464], %swap3A_467 {strides = array<i32>} : memref<96x128xf32, #tpu.memory_space<vmem>>, vector<1x16xf32>,
          %get3A_468 = arith.index_cast %scan3A_405 : i32 to index
          %get3A_469 = arith.constant 80 : index
          %get3A_470 = tpu.vector_load %arg25[%get3A_468, %get3A_469] {strides = array<i32>} : memref<96x128xf32, #tpu.memory_space<vmem>>, vector<1x16xf32>,
          %get3A_471 = vector.shape_cast %get3A_470 : vector<1x16xf32> to vector<16xf32>
          %mul3A_472 = arith.mulf %get3A_471, %broadcast_in_dim3A_457 : vector<16xf32>
          %swap3A_473 = arith.index_cast %scan3A_405 : i32 to index
          %swap3A_474 = arith.constant 80 : index
          %swap3A_475 = tpu.vector_load %arg25[%swap3A_473, %swap3A_474] {strides = array<i32>} : memref<96x128xf32, #tpu.memory_space<vmem>>, vector<1x16xf32>,
          %swap3A_476 = vector.shape_cast %swap3A_475 : vector<1x16xf32> to vector<16xf32>
          %swap3A_477 = vector.shape_cast %mul3A_472 : vector<16xf32> to vector<1x16xf32>
          tpu.vector_store %arg25[%swap3A_473, %swap3A_474], %swap3A_477 {strides = array<i32>} : memref<96x128xf32, #tpu.memory_space<vmem>>, vector<1x16xf32>,
          %slice3A_478 = vector.extract_strided_slice %get3A_410 {offsets = [7], sizes = [1], strides = [1]} : vector<16xf32> to vector<1xf32>
          %squeeze3A_479 = vector.extract %slice3A_478[0] : f32 from vector<1xf32>
          %broadcast_in_dim3A_480 = vector.broadcast %squeeze3A_479 : f32 to vector<16xf32>
          %get3A_481 = arith.index_cast %scan3A_405 : i32 to index
          %get3A_482 = arith.constant 96 : index
          %get3A_483 = tpu.vector_load %arg25[%get3A_481, %get3A_482] {strides = array<i32>} : memref<96x128xf32, #tpu.memory_space<vmem>>, vector<1x16xf32>,
          %get3A_484 = vector.shape_cast %get3A_483 : vector<1x16xf32> to vector<16xf32>
          %mul3A_485 = arith.mulf %get3A_484, %broadcast_in_dim3A_480 : vector<16xf32>
          %swap3A_486 = arith.index_cast %scan3A_405 : i32 to index
          %swap3A_487 = arith.constant 96 : index
          %swap3A_488 = tpu.vector_load %arg25[%swap3A_486, %swap3A_487] {strides = array<i32>} : memref<96x128xf32, #tpu.memory_space<vmem>>, vector<1x16xf32>,
          %swap3A_489 = vector.shape_cast %swap3A_488 : vector<1x16xf32> to vector<16xf32>
          %swap3A_490 = vector.shape_cast %mul3A_485 : vector<16xf32> to vector<1x16xf32>
          tpu.vector_store %arg25[%swap3A_486, %swap3A_487], %swap3A_490 {strides = array<i32>} : memref<96x128xf32, #tpu.memory_space<vmem>>, vector<1x16xf32>,
          %get3A_491 = arith.index_cast %scan3A_405 : i32 to index
          %get3A_492 = arith.constant 112 : index
          %get3A_493 = tpu.vector_load %arg25[%get3A_491, %get3A_492] {strides = array<i32>} : memref<96x128xf32, #tpu.memory_space<vmem>>, vector<1x16xf32>,
          %get3A_494 = vector.shape_cast %get3A_493 : vector<1x16xf32> to vector<16xf32>
          %mul3A_495 = arith.mulf %get3A_494, %broadcast_in_dim3A_480 : vector<16xf32>
          %swap3A_496 = arith.index_cast %scan3A_405 : i32 to index
          %swap3A_497 = arith.constant 112 : index
          %swap3A_498 = tpu.vector_load %arg25[%swap3A_496, %swap3A_497] {strides = array<i32>} : memref<96x128xf32, #tpu.memory_space<vmem>>, vector<1x16xf32>,
          %swap3A_499 = vector.shape_cast %swap3A_498 : vector<1x16xf32> to vector<16xf32>
          %swap3A_500 = vector.shape_cast %mul3A_495 : vector<16xf32> to vector<1x16xf32>
          tpu.vector_store %arg25[%swap3A_496, %swap3A_497], %swap3A_500 {strides = array<i32>} : memref<96x128xf32, #tpu.memory_space<vmem>>, vector<1x16xf32>,
          %scan3A_501 = arith.constant 0 : i32
          scf.yield %scan3A_501 : i32
        }
        %scan3A_404 = arith.constant 96 : i32
      } else {
      }
      %dma_start3A_339 = arith.constant 0 : i32
      %dma_start3A_340 = arith.constant 0 : i32
      %dma_start3A_341 = tpu.memref_slice %arg27[%dma_start3A_339, %dma_start3A_340] : memref<10016x128xf32, #tpu.memory_space<vmem_shared>> -> memref<10016x128xf32, #tpu.memory_space<vmem_shared>>
      tpu.enqueue_indirect_dma source(%arg25 : memref<96x128xf32, #tpu.memory_space<vmem>>) target(%dma_start3A_341 : memref<10016x128xf32, #tpu.memory_space<vmem_shared>>) offsets(%arg15 : memref<96xi32, #tpu.memory_space<vmem>>) semaphore(%arg41 : memref<!tpu.dma_semaphore, #tpu.memory_space<semaphore_mem>>) {add = true}
      %mul3A_342 = arith.constant 2 : i32
      %mul3A_343 = arith.muli %mul3A_342, %scan3A_290 : i32
      %add3A_344 = arith.constant 1 : i32
      %add3A_345 = arith.addi %mul3A_343, %add3A_344 : i32
      %ge3A_346 = arith.constant 1 : i32
      %ge3A_347 = arith.cmpi sge, %add3A_345, %ge3A_346 : i32
      %convert_element_type3A_348 = arith.extui %ge3A_347 : i1 to i32
      %cond3A_349 = arith.constant 0 : i32
      %cond3A_350 = arith.cmpi ne, %convert_element_type3A_348, %cond3A_349 : i32
      scf.if %cond3A_350 {
        %dma_wait3A_398 = arith.constant 0 : i32
        %dma_wait3A_399 = arith.constant 0 : i32
        %dma_wait3A_400 = tpu.memref_slice %arg28[%dma_wait3A_398, %dma_wait3A_399] : memref<5136x16xf32, #tpu.memory_space<vmem_shared>> -> memref<5136x16xf32, #tpu.memory_space<vmem_shared>>
        tpu.wait_indirect_dma semaphore(%arg39 : memref<!tpu.dma_semaphore, #tpu.memory_space<semaphore_mem>>) src(%arg23 : memref<96x16xf32, #tpu.memory_space<vmem>>) dst(%dma_wait3A_400 : memref<5136x16xf32, #tpu.memory_space<vmem_shared>>)
        %dma_wait3A_401 = arith.constant 0 : i32
        %dma_wait3A_402 = arith.constant 0 : i32
        %dma_wait3A_403 = tpu.memref_slice %arg27[%dma_wait3A_401, %dma_wait3A_402] : memref<10016x128xf32, #tpu.memory_space<vmem_shared>> -> memref<10016x128xf32, #tpu.memory_space<vmem_shared>>
        tpu.wait_indirect_dma semaphore(%arg41 : memref<!tpu.dma_semaphore, #tpu.memory_space<semaphore_mem>>) src(%arg25 : memref<96x128xf32, #tpu.memory_space<vmem>>) dst(%dma_wait3A_403 : memref<10016x128xf32, #tpu.memory_space<vmem_shared>>)
      } else {
      }
      %add3A_351 = arith.constant 1 : i32
      %add3A_352 = arith.addi %add3A_345, %add3A_351 : i32
      %lt3A_353 = arith.constant 108 : i32
      %lt3A_354 = arith.cmpi slt, %add3A_352, %lt3A_353 : i32
      %convert_element_type3A_355 = arith.extui %lt3A_354 : i1 to i32
      %cond3A_356 = arith.constant 0 : i32
      %cond3A_357 = arith.cmpi ne, %convert_element_type3A_355, %cond3A_356 : i32
      scf.if %cond3A_357 {
        %add3A_398 = arith.constant 1 : i32
        %add3A_399 = arith.addi %add3A_345, %add3A_398 : i32
        %mul3A_400 = arith.constant 96 : i32
        %mul3A_401 = arith.muli %add3A_399, %mul3A_400 : i32
        %add3A_402 = arith.addi %mul3A_0, %mul3A_401 : i32
        %dma_wait3A_403 = tpu.memref_slice %arg2[%add3A_402] : memref<165888xi32, #tpu.memory_space<hbm>> -> memref<96xi32, #tpu.memory_space<hbm>>
        %dma_wait3A_404 = tpu.memref_slice %arg2[%add3A_402] : memref<165888xi32, #tpu.memory_space<hbm>> -> memref<96xi32, #tpu.memory_space<hbm>>
        tpu.wait_dma2 semaphore(%arg29 : memref<!tpu.dma_semaphore, #tpu.memory_space<semaphore_mem>>) src(%dma_wait3A_404 : memref<96xi32, #tpu.memory_space<hbm>>) dst(%arg9 : memref<96xi32, #tpu.memory_space<vmem>>)
        %dma_wait3A_405 = tpu.memref_slice %arg3[%add3A_402] : memref<165888xi32, #tpu.memory_space<hbm>> -> memref<96xi32, #tpu.memory_space<hbm>>
        %dma_wait3A_406 = tpu.memref_slice %arg3[%add3A_402] : memref<165888xi32, #tpu.memory_space<hbm>> -> memref<96xi32, #tpu.memory_space<hbm>>
        tpu.wait_dma2 semaphore(%arg31 : memref<!tpu.dma_semaphore, #tpu.memory_space<semaphore_mem>>) src(%dma_wait3A_406 : memref<96xi32, #tpu.memory_space<hbm>>) dst(%arg11 : memref<96xi32, #tpu.memory_space<vmem>>)
        %get3A_407 = arith.constant 0 : index
        %get3A_408 = tpu.vector_load %arg9[%get3A_407] {strides = array<i32>} : memref<96xi32, #tpu.memory_space<vmem>>, vector<16xi32>,
        %get3A_409 = vector.shape_cast %get3A_408 : vector<16xi32> to vector<16xi32>
        %broadcast_in_dim3A_410 = vector.broadcast %mul3A_2 : i32 to vector<16xi32>
        %add3A_411 = arith.addi %get3A_409, %broadcast_in_dim3A_410 : vector<16xi32>
        %swap3A_412 = arith.constant 0 : index
        %swap3A_413 = tpu.vector_load %arg17[%swap3A_412] {strides = array<i32>} : memref<96xi32, #tpu.memory_space<vmem>>, vector<16xi32>,
        %swap3A_414 = vector.shape_cast %swap3A_413 : vector<16xi32> to vector<16xi32>
        %swap3A_415 = vector.shape_cast %add3A_411 : vector<16xi32> to vector<16xi32>
        tpu.vector_store %arg17[%swap3A_412], %swap3A_415 {strides = array<i32>} : memref<96xi32, #tpu.memory_space<vmem>>, vector<16xi32>,
        %get3A_416 = arith.constant 0 : index
        %get3A_417 = tpu.vector_load %arg11[%get3A_416] {strides = array<i32>} : memref<96xi32, #tpu.memory_space<vmem>>, vector<16xi32>,
        %get3A_418 = vector.shape_cast %get3A_417 : vector<16xi32> to vector<16xi32>
        %broadcast_in_dim3A_419 = vector.broadcast %mul3A_4 : i32 to vector<16xi32>
        %sub3A_420 = arith.subi %get3A_418, %broadcast_in_dim3A_419 : vector<16xi32>
        %ge3A_421 = arith.constant 0 : i32
        %ge3A_422 = vector.broadcast %ge3A_421 : i32 to vector<16xi32>
        %ge3A_423 = arith.cmpi sge, %sub3A_420, %ge3A_422 : vector<16xi32>
        %lt3A_424 = arith.constant 5008 : i32
        %lt3A_425 = vector.broadcast %lt3A_424 : i32 to vector<16xi32>
        %lt3A_426 = arith.cmpi slt, %sub3A_420, %lt3A_425 : vector<16xi32>
        %and3A_427 = arith.andi %ge3A_423, %lt3A_426 : vector<16xi1>
        %broadcast_in_dim3A_428 = arith.constant 5008 : i32
        %broadcast_in_dim3A_429 = vector.broadcast %broadcast_in_dim3A_428 : i32 to vector<16xi32>
        %select_n3A_430 = arith.select %and3A_427, %sub3A_420, %broadcast_in_dim3A_429 : vector<16xi1>, vector<16xi32>
        %swap3A_431 = arith.constant 0 : index
        %swap3A_432 = tpu.vector_load %arg13[%swap3A_431] {strides = array<i32>} : memref<96xi32, #tpu.memory_space<vmem>>, vector<16xi32>,
        %swap3A_433 = vector.shape_cast %swap3A_432 : vector<16xi32> to vector<16xi32>
        %swap3A_434 = vector.shape_cast %select_n3A_430 : vector<16xi32> to vector<16xi32>
        tpu.vector_store %arg13[%swap3A_431], %swap3A_434 {strides = array<i32>} : memref<96xi32, #tpu.memory_space<vmem>>, vector<16xi32>,
        %get3A_435 = arith.constant 0 : index
        %get3A_436 = tpu.vector_load %arg11[%get3A_435] {strides = array<i32>} : memref<96xi32, #tpu.memory_space<vmem>>, vector<16xi32>,
        %get3A_437 = vector.shape_cast %get3A_436 : vector<16xi32> to vector<16xi32>
        %swap3A_438 = arith.constant 0 : index
        %swap3A_439 = tpu.vector_load %arg15[%swap3A_438] {strides = array<i32>} : memref<96xi32, #tpu.memory_space<vmem>>, vector<16xi32>,
        %swap3A_440 = vector.shape_cast %swap3A_439 : vector<16xi32> to vector<16xi32>
        %swap3A_441 = vector.shape_cast %get3A_437 : vector<16xi32> to vector<16xi32>
        tpu.vector_store %arg15[%swap3A_438], %swap3A_441 {strides = array<i32>} : memref<96xi32, #tpu.memory_space<vmem>>, vector<16xi32>,
        %get3A_442 = arith.constant 16 : index
        %get3A_443 = tpu.vector_load %arg9[%get3A_442] {strides = array<i32>} : memref<96xi32, #tpu.memory_space<vmem>>, vector<16xi32>,
        %get3A_444 = vector.shape_cast %get3A_443 : vector<16xi32> to vector<16xi32>
        %broadcast_in_dim3A_445 = vector.broadcast %mul3A_2 : i32 to vector<16xi32>
        %add3A_446 = arith.addi %get3A_444, %broadcast_in_dim3A_445 : vector<16xi32>
        %swap3A_447 = arith.constant 16 : index
        %swap3A_448 = tpu.vector_load %arg17[%swap3A_447] {strides = array<i32>} : memref<96xi32, #tpu.memory_space<vmem>>, vector<16xi32>,
        %swap3A_449 = vector.shape_cast %swap3A_448 : vector<16xi32> to vector<16xi32>
        %swap3A_450 = vector.shape_cast %add3A_446 : vector<16xi32> to vector<16xi32>
        tpu.vector_store %arg17[%swap3A_447], %swap3A_450 {strides = array<i32>} : memref<96xi32, #tpu.memory_space<vmem>>, vector<16xi32>,
        %get3A_451 = arith.constant 16 : index
        %get3A_452 = tpu.vector_load %arg11[%get3A_451] {strides = array<i32>} : memref<96xi32, #tpu.memory_space<vmem>>, vector<16xi32>,
        %get3A_453 = vector.shape_cast %get3A_452 : vector<16xi32> to vector<16xi32>
        %broadcast_in_dim3A_454 = vector.broadcast %mul3A_4 : i32 to vector<16xi32>
        %sub3A_455 = arith.subi %get3A_453, %broadcast_in_dim3A_454 : vector<16xi32>
        %ge3A_456 = arith.constant 0 : i32
        %ge3A_457 = vector.broadcast %ge3A_456 : i32 to vector<16xi32>
        %ge3A_458 = arith.cmpi sge, %sub3A_455, %ge3A_457 : vector<16xi32>
        %lt3A_459 = arith.constant 5008 : i32
        %lt3A_460 = vector.broadcast %lt3A_459 : i32 to vector<16xi32>
        %lt3A_461 = arith.cmpi slt, %sub3A_455, %lt3A_460 : vector<16xi32>
        %and3A_462 = arith.andi %ge3A_458, %lt3A_461 : vector<16xi1>
        %broadcast_in_dim3A_463 = arith.constant 5008 : i32
        %broadcast_in_dim3A_464 = vector.broadcast %broadcast_in_dim3A_463 : i32 to vector<16xi32>
        %select_n3A_465 = arith.select %and3A_462, %sub3A_455, %broadcast_in_dim3A_464 : vector<16xi1>, vector<16xi32>
        %swap3A_466 = arith.constant 16 : index
        %swap3A_467 = tpu.vector_load %arg13[%swap3A_466] {strides = array<i32>} : memref<96xi32, #tpu.memory_space<vmem>>, vector<16xi32>,
        %swap3A_468 = vector.shape_cast %swap3A_467 : vector<16xi32> to vector<16xi32>
        %swap3A_469 = vector.shape_cast %select_n3A_465 : vector<16xi32> to vector<16xi32>
        tpu.vector_store %arg13[%swap3A_466], %swap3A_469 {strides = array<i32>} : memref<96xi32, #tpu.memory_space<vmem>>, vector<16xi32>,
        %get3A_470 = arith.constant 16 : index
        %get3A_471 = tpu.vector_load %arg11[%get3A_470] {strides = array<i32>} : memref<96xi32, #tpu.memory_space<vmem>>, vector<16xi32>,
        %get3A_472 = vector.shape_cast %get3A_471 : vector<16xi32> to vector<16xi32>
        %swap3A_473 = arith.constant 16 : index
        %swap3A_474 = tpu.vector_load %arg15[%swap3A_473] {strides = array<i32>} : memref<96xi32, #tpu.memory_space<vmem>>, vector<16xi32>,
        %swap3A_475 = vector.shape_cast %swap3A_474 : vector<16xi32> to vector<16xi32>
        %swap3A_476 = vector.shape_cast %get3A_472 : vector<16xi32> to vector<16xi32>
        tpu.vector_store %arg15[%swap3A_473], %swap3A_476 {strides = array<i32>} : memref<96xi32, #tpu.memory_space<vmem>>, vector<16xi32>,
        %get3A_477 = arith.constant 32 : index
        %get3A_478 = tpu.vector_load %arg9[%get3A_477] {strides = array<i32>} : memref<96xi32, #tpu.memory_space<vmem>>, vector<16xi32>,
        %get3A_479 = vector.shape_cast %get3A_478 : vector<16xi32> to vector<16xi32>
        %broadcast_in_dim3A_480 = vector.broadcast %mul3A_2 : i32 to vector<16xi32>
        %add3A_481 = arith.addi %get3A_479, %broadcast_in_dim3A_480 : vector<16xi32>
        %swap3A_482 = arith.constant 32 : index
        %swap3A_483 = tpu.vector_load %arg17[%swap3A_482] {strides = array<i32>} : memref<96xi32, #tpu.memory_space<vmem>>, vector<16xi32>,
        %swap3A_484 = vector.shape_cast %swap3A_483 : vector<16xi32> to vector<16xi32>
        %swap3A_485 = vector.shape_cast %add3A_481 : vector<16xi32> to vector<16xi32>
        tpu.vector_store %arg17[%swap3A_482], %swap3A_485 {strides = array<i32>} : memref<96xi32, #tpu.memory_space<vmem>>, vector<16xi32>,
        %get3A_486 = arith.constant 32 : index
        %get3A_487 = tpu.vector_load %arg11[%get3A_486] {strides = array<i32>} : memref<96xi32, #tpu.memory_space<vmem>>, vector<16xi32>,
        %get3A_488 = vector.shape_cast %get3A_487 : vector<16xi32> to vector<16xi32>
        %broadcast_in_dim3A_489 = vector.broadcast %mul3A_4 : i32 to vector<16xi32>
        %sub3A_490 = arith.subi %get3A_488, %broadcast_in_dim3A_489 : vector<16xi32>
        %ge3A_491 = arith.constant 0 : i32
        %ge3A_492 = vector.broadcast %ge3A_491 : i32 to vector<16xi32>
        %ge3A_493 = arith.cmpi sge, %sub3A_490, %ge3A_492 : vector<16xi32>
        %lt3A_494 = arith.constant 5008 : i32
        %lt3A_495 = vector.broadcast %lt3A_494 : i32 to vector<16xi32>
        %lt3A_496 = arith.cmpi slt, %sub3A_490, %lt3A_495 : vector<16xi32>
        %and3A_497 = arith.andi %ge3A_493, %lt3A_496 : vector<16xi1>
        %broadcast_in_dim3A_498 = arith.constant 5008 : i32
        %broadcast_in_dim3A_499 = vector.broadcast %broadcast_in_dim3A_498 : i32 to vector<16xi32>
        %select_n3A_500 = arith.select %and3A_497, %sub3A_490, %broadcast_in_dim3A_499 : vector<16xi1>, vector<16xi32>
        %swap3A_501 = arith.constant 32 : index
        %swap3A_502 = tpu.vector_load %arg13[%swap3A_501] {strides = array<i32>} : memref<96xi32, #tpu.memory_space<vmem>>, vector<16xi32>,
        %swap3A_503 = vector.shape_cast %swap3A_502 : vector<16xi32> to vector<16xi32>
        %swap3A_504 = vector.shape_cast %select_n3A_500 : vector<16xi32> to vector<16xi32>
        tpu.vector_store %arg13[%swap3A_501], %swap3A_504 {strides = array<i32>} : memref<96xi32, #tpu.memory_space<vmem>>, vector<16xi32>,
        %get3A_505 = arith.constant 32 : index
        %get3A_506 = tpu.vector_load %arg11[%get3A_505] {strides = array<i32>} : memref<96xi32, #tpu.memory_space<vmem>>, vector<16xi32>,
        %get3A_507 = vector.shape_cast %get3A_506 : vector<16xi32> to vector<16xi32>
        %swap3A_508 = arith.constant 32 : index
        %swap3A_509 = tpu.vector_load %arg15[%swap3A_508] {strides = array<i32>} : memref<96xi32, #tpu.memory_space<vmem>>, vector<16xi32>,
        %swap3A_510 = vector.shape_cast %swap3A_509 : vector<16xi32> to vector<16xi32>
        %swap3A_511 = vector.shape_cast %get3A_507 : vector<16xi32> to vector<16xi32>
        tpu.vector_store %arg15[%swap3A_508], %swap3A_511 {strides = array<i32>} : memref<96xi32, #tpu.memory_space<vmem>>, vector<16xi32>,
        %get3A_512 = arith.constant 48 : index
        %get3A_513 = tpu.vector_load %arg9[%get3A_512] {strides = array<i32>} : memref<96xi32, #tpu.memory_space<vmem>>, vector<16xi32>,
        %get3A_514 = vector.shape_cast %get3A_513 : vector<16xi32> to vector<16xi32>
        %broadcast_in_dim3A_515 = vector.broadcast %mul3A_2 : i32 to vector<16xi32>
        %add3A_516 = arith.addi %get3A_514, %broadcast_in_dim3A_515 : vector<16xi32>
        %swap3A_517 = arith.constant 48 : index
        %swap3A_518 = tpu.vector_load %arg17[%swap3A_517] {strides = array<i32>} : memref<96xi32, #tpu.memory_space<vmem>>, vector<16xi32>,
        %swap3A_519 = vector.shape_cast %swap3A_518 : vector<16xi32> to vector<16xi32>
        %swap3A_520 = vector.shape_cast %add3A_516 : vector<16xi32> to vector<16xi32>
        tpu.vector_store %arg17[%swap3A_517], %swap3A_520 {strides = array<i32>} : memref<96xi32, #tpu.memory_space<vmem>>, vector<16xi32>,
        %get3A_521 = arith.constant 48 : index
        %get3A_522 = tpu.vector_load %arg11[%get3A_521] {strides = array<i32>} : memref<96xi32, #tpu.memory_space<vmem>>, vector<16xi32>,
        %get3A_523 = vector.shape_cast %get3A_522 : vector<16xi32> to vector<16xi32>
        %broadcast_in_dim3A_524 = vector.broadcast %mul3A_4 : i32 to vector<16xi32>
        %sub3A_525 = arith.subi %get3A_523, %broadcast_in_dim3A_524 : vector<16xi32>
        %ge3A_526 = arith.constant 0 : i32
        %ge3A_527 = vector.broadcast %ge3A_526 : i32 to vector<16xi32>
        %ge3A_528 = arith.cmpi sge, %sub3A_525, %ge3A_527 : vector<16xi32>
        %lt3A_529 = arith.constant 5008 : i32
        %lt3A_530 = vector.broadcast %lt3A_529 : i32 to vector<16xi32>
        %lt3A_531 = arith.cmpi slt, %sub3A_525, %lt3A_530 : vector<16xi32>
        %and3A_532 = arith.andi %ge3A_528, %lt3A_531 : vector<16xi1>
        %broadcast_in_dim3A_533 = arith.constant 5008 : i32
        %broadcast_in_dim3A_534 = vector.broadcast %broadcast_in_dim3A_533 : i32 to vector<16xi32>
        %select_n3A_535 = arith.select %and3A_532, %sub3A_525, %broadcast_in_dim3A_534 : vector<16xi1>, vector<16xi32>
        %swap3A_536 = arith.constant 48 : index
        %swap3A_537 = tpu.vector_load %arg13[%swap3A_536] {strides = array<i32>} : memref<96xi32, #tpu.memory_space<vmem>>, vector<16xi32>,
        %swap3A_538 = vector.shape_cast %swap3A_537 : vector<16xi32> to vector<16xi32>
        %swap3A_539 = vector.shape_cast %select_n3A_535 : vector<16xi32> to vector<16xi32>
        tpu.vector_store %arg13[%swap3A_536], %swap3A_539 {strides = array<i32>} : memref<96xi32, #tpu.memory_space<vmem>>, vector<16xi32>,
        %get3A_540 = arith.constant 48 : index
        %get3A_541 = tpu.vector_load %arg11[%get3A_540] {strides = array<i32>} : memref<96xi32, #tpu.memory_space<vmem>>, vector<16xi32>,
        %get3A_542 = vector.shape_cast %get3A_541 : vector<16xi32> to vector<16xi32>
        %swap3A_543 = arith.constant 48 : index
        %swap3A_544 = tpu.vector_load %arg15[%swap3A_543] {strides = array<i32>} : memref<96xi32, #tpu.memory_space<vmem>>, vector<16xi32>,
        %swap3A_545 = vector.shape_cast %swap3A_544 : vector<16xi32> to vector<16xi32>
        %swap3A_546 = vector.shape_cast %get3A_542 : vector<16xi32> to vector<16xi32>
        tpu.vector_store %arg15[%swap3A_543], %swap3A_546 {strides = array<i32>} : memref<96xi32, #tpu.memory_space<vmem>>, vector<16xi32>,
        %get3A_547 = arith.constant 64 : index
        %get3A_548 = tpu.vector_load %arg9[%get3A_547] {strides = array<i32>} : memref<96xi32, #tpu.memory_space<vmem>>, vector<16xi32>,
        %get3A_549 = vector.shape_cast %get3A_548 : vector<16xi32> to vector<16xi32>
        %broadcast_in_dim3A_550 = vector.broadcast %mul3A_2 : i32 to vector<16xi32>
        %add3A_551 = arith.addi %get3A_549, %broadcast_in_dim3A_550 : vector<16xi32>
        %swap3A_552 = arith.constant 64 : index
        %swap3A_553 = tpu.vector_load %arg17[%swap3A_552] {strides = array<i32>} : memref<96xi32, #tpu.memory_space<vmem>>, vector<16xi32>,
        %swap3A_554 = vector.shape_cast %swap3A_553 : vector<16xi32> to vector<16xi32>
        %swap3A_555 = vector.shape_cast %add3A_551 : vector<16xi32> to vector<16xi32>
        tpu.vector_store %arg17[%swap3A_552], %swap3A_555 {strides = array<i32>} : memref<96xi32, #tpu.memory_space<vmem>>, vector<16xi32>,
        %get3A_556 = arith.constant 64 : index
        %get3A_557 = tpu.vector_load %arg11[%get3A_556] {strides = array<i32>} : memref<96xi32, #tpu.memory_space<vmem>>, vector<16xi32>,
        %get3A_558 = vector.shape_cast %get3A_557 : vector<16xi32> to vector<16xi32>
        %broadcast_in_dim3A_559 = vector.broadcast %mul3A_4 : i32 to vector<16xi32>
        %sub3A_560 = arith.subi %get3A_558, %broadcast_in_dim3A_559 : vector<16xi32>
        %ge3A_561 = arith.constant 0 : i32
        %ge3A_562 = vector.broadcast %ge3A_561 : i32 to vector<16xi32>
        %ge3A_563 = arith.cmpi sge, %sub3A_560, %ge3A_562 : vector<16xi32>
        %lt3A_564 = arith.constant 5008 : i32
        %lt3A_565 = vector.broadcast %lt3A_564 : i32 to vector<16xi32>
        %lt3A_566 = arith.cmpi slt, %sub3A_560, %lt3A_565 : vector<16xi32>
        %and3A_567 = arith.andi %ge3A_563, %lt3A_566 : vector<16xi1>
        %broadcast_in_dim3A_568 = arith.constant 5008 : i32
        %broadcast_in_dim3A_569 = vector.broadcast %broadcast_in_dim3A_568 : i32 to vector<16xi32>
        %select_n3A_570 = arith.select %and3A_567, %sub3A_560, %broadcast_in_dim3A_569 : vector<16xi1>, vector<16xi32>
        %swap3A_571 = arith.constant 64 : index
        %swap3A_572 = tpu.vector_load %arg13[%swap3A_571] {strides = array<i32>} : memref<96xi32, #tpu.memory_space<vmem>>, vector<16xi32>,
        %swap3A_573 = vector.shape_cast %swap3A_572 : vector<16xi32> to vector<16xi32>
        %swap3A_574 = vector.shape_cast %select_n3A_570 : vector<16xi32> to vector<16xi32>
        tpu.vector_store %arg13[%swap3A_571], %swap3A_574 {strides = array<i32>} : memref<96xi32, #tpu.memory_space<vmem>>, vector<16xi32>,
        %get3A_575 = arith.constant 64 : index
        %get3A_576 = tpu.vector_load %arg11[%get3A_575] {strides = array<i32>} : memref<96xi32, #tpu.memory_space<vmem>>, vector<16xi32>,
        %get3A_577 = vector.shape_cast %get3A_576 : vector<16xi32> to vector<16xi32>
        %swap3A_578 = arith.constant 64 : index
        %swap3A_579 = tpu.vector_load %arg15[%swap3A_578] {strides = array<i32>} : memref<96xi32, #tpu.memory_space<vmem>>, vector<16xi32>,
        %swap3A_580 = vector.shape_cast %swap3A_579 : vector<16xi32> to vector<16xi32>
        %swap3A_581 = vector.shape_cast %get3A_577 : vector<16xi32> to vector<16xi32>
        tpu.vector_store %arg15[%swap3A_578], %swap3A_581 {strides = array<i32>} : memref<96xi32, #tpu.memory_space<vmem>>, vector<16xi32>,
        %get3A_582 = arith.constant 80 : index
        %get3A_583 = tpu.vector_load %arg9[%get3A_582] {strides = array<i32>} : memref<96xi32, #tpu.memory_space<vmem>>, vector<16xi32>,
        %get3A_584 = vector.shape_cast %get3A_583 : vector<16xi32> to vector<16xi32>
        %broadcast_in_dim3A_585 = vector.broadcast %mul3A_2 : i32 to vector<16xi32>
        %add3A_586 = arith.addi %get3A_584, %broadcast_in_dim3A_585 : vector<16xi32>
        %swap3A_587 = arith.constant 80 : index
        %swap3A_588 = tpu.vector_load %arg17[%swap3A_587] {strides = array<i32>} : memref<96xi32, #tpu.memory_space<vmem>>, vector<16xi32>,
        %swap3A_589 = vector.shape_cast %swap3A_588 : vector<16xi32> to vector<16xi32>
        %swap3A_590 = vector.shape_cast %add3A_586 : vector<16xi32> to vector<16xi32>
        tpu.vector_store %arg17[%swap3A_587], %swap3A_590 {strides = array<i32>} : memref<96xi32, #tpu.memory_space<vmem>>, vector<16xi32>,
        %get3A_591 = arith.constant 80 : index
        %get3A_592 = tpu.vector_load %arg11[%get3A_591] {strides = array<i32>} : memref<96xi32, #tpu.memory_space<vmem>>, vector<16xi32>,
        %get3A_593 = vector.shape_cast %get3A_592 : vector<16xi32> to vector<16xi32>
        %broadcast_in_dim3A_594 = vector.broadcast %mul3A_4 : i32 to vector<16xi32>
        %sub3A_595 = arith.subi %get3A_593, %broadcast_in_dim3A_594 : vector<16xi32>
        %ge3A_596 = arith.constant 0 : i32
        %ge3A_597 = vector.broadcast %ge3A_596 : i32 to vector<16xi32>
        %ge3A_598 = arith.cmpi sge, %sub3A_595, %ge3A_597 : vector<16xi32>
        %lt3A_599 = arith.constant 5008 : i32
        %lt3A_600 = vector.broadcast %lt3A_599 : i32 to vector<16xi32>
        %lt3A_601 = arith.cmpi slt, %sub3A_595, %lt3A_600 : vector<16xi32>
        %and3A_602 = arith.andi %ge3A_598, %lt3A_601 : vector<16xi1>
        %broadcast_in_dim3A_603 = arith.constant 5008 : i32
        %broadcast_in_dim3A_604 = vector.broadcast %broadcast_in_dim3A_603 : i32 to vector<16xi32>
        %select_n3A_605 = arith.select %and3A_602, %sub3A_595, %broadcast_in_dim3A_604 : vector<16xi1>, vector<16xi32>
        %swap3A_606 = arith.constant 80 : index
        %swap3A_607 = tpu.vector_load %arg13[%swap3A_606] {strides = array<i32>} : memref<96xi32, #tpu.memory_space<vmem>>, vector<16xi32>,
        %swap3A_608 = vector.shape_cast %swap3A_607 : vector<16xi32> to vector<16xi32>
        %swap3A_609 = vector.shape_cast %select_n3A_605 : vector<16xi32> to vector<16xi32>
        tpu.vector_store %arg13[%swap3A_606], %swap3A_609 {strides = array<i32>} : memref<96xi32, #tpu.memory_space<vmem>>, vector<16xi32>,
        %get3A_610 = arith.constant 80 : index
        %get3A_611 = tpu.vector_load %arg11[%get3A_610] {strides = array<i32>} : memref<96xi32, #tpu.memory_space<vmem>>, vector<16xi32>,
        %get3A_612 = vector.shape_cast %get3A_611 : vector<16xi32> to vector<16xi32>
        %swap3A_613 = arith.constant 80 : index
        %swap3A_614 = tpu.vector_load %arg15[%swap3A_613] {strides = array<i32>} : memref<96xi32, #tpu.memory_space<vmem>>, vector<16xi32>,
        %swap3A_615 = vector.shape_cast %swap3A_614 : vector<16xi32> to vector<16xi32>
        %swap3A_616 = vector.shape_cast %get3A_612 : vector<16xi32> to vector<16xi32>
        tpu.vector_store %arg15[%swap3A_613], %swap3A_616 {strides = array<i32>} : memref<96xi32, #tpu.memory_space<vmem>>, vector<16xi32>,
        %dma_start3A_617 = arith.constant 0 : i32
        %dma_start3A_618 = arith.constant 0 : i32
        %dma_start3A_619 = tpu.memref_slice %arg4[%dma_start3A_617, %dma_start3A_618] : memref<10000x16xf32, #tpu.memory_space<hbm>> -> memref<10000x16xf32, #tpu.memory_space<hbm>>
        tpu.enqueue_indirect_dma source(%dma_start3A_619 : memref<10000x16xf32, #tpu.memory_space<hbm>>) target(%arg19 : memref<96x16xf32, #tpu.memory_space<vmem>>) offsets(%arg9 : memref<96xi32, #tpu.memory_space<vmem>>) semaphore(%arg33 : memref<!tpu.dma_semaphore, #tpu.memory_space<semaphore_mem>>)
        %dma_start3A_620 = arith.constant 0 : i32
        %dma_start3A_621 = arith.constant 0 : i32
        %dma_start3A_622 = tpu.memref_slice %arg5[%dma_start3A_620, %dma_start3A_621] : memref<10000x16xf32, #tpu.memory_space<hbm>> -> memref<10000x16xf32, #tpu.memory_space<hbm>>
        tpu.enqueue_indirect_dma source(%dma_start3A_622 : memref<10000x16xf32, #tpu.memory_space<hbm>>) target(%arg21 : memref<96x16xf32, #tpu.memory_space<vmem>>) offsets(%arg11 : memref<96xi32, #tpu.memory_space<vmem>>) semaphore(%arg35 : memref<!tpu.dma_semaphore, #tpu.memory_space<semaphore_mem>>)
        %dma_start3A_623 = arith.constant 0 : i32
        %dma_start3A_624 = arith.constant 0 : i32
        %dma_start3A_625 = tpu.memref_slice %arg6[%dma_start3A_623, %dma_start3A_624] : memref<20000x128xf32, #tpu.memory_space<hbm>> -> memref<20000x128xf32, #tpu.memory_space<hbm>>
        tpu.enqueue_indirect_dma source(%dma_start3A_625 : memref<20000x128xf32, #tpu.memory_space<hbm>>) target(%arg25 : memref<96x128xf32, #tpu.memory_space<vmem>>) offsets(%arg17 : memref<96xi32, #tpu.memory_space<vmem>>) semaphore(%arg37 : memref<!tpu.dma_semaphore, #tpu.memory_space<semaphore_mem>>)
      } else {
      }
      %dma_wait3A_358 = arith.constant 0 : i32
      %dma_wait3A_359 = arith.constant 0 : i32
      %dma_wait3A_360 = tpu.memref_slice %arg4[%dma_wait3A_358, %dma_wait3A_359] : memref<10000x16xf32, #tpu.memory_space<hbm>> -> memref<10000x16xf32, #tpu.memory_space<hbm>>
      tpu.wait_indirect_dma semaphore(%arg34 : memref<!tpu.dma_semaphore, #tpu.memory_space<semaphore_mem>>) src(%dma_wait3A_360 : memref<10000x16xf32, #tpu.memory_space<hbm>>) dst(%arg20 : memref<96x16xf32, #tpu.memory_space<vmem>>)
      %dma_wait3A_361 = arith.constant 0 : i32
      %dma_wait3A_362 = arith.constant 0 : i32
      %dma_wait3A_363 = tpu.memref_slice %arg5[%dma_wait3A_361, %dma_wait3A_362] : memref<10000x16xf32, #tpu.memory_space<hbm>> -> memref<10000x16xf32, #tpu.memory_space<hbm>>
      tpu.wait_indirect_dma semaphore(%arg36 : memref<!tpu.dma_semaphore, #tpu.memory_space<semaphore_mem>>) src(%dma_wait3A_363 : memref<10000x16xf32, #tpu.memory_space<hbm>>) dst(%arg22 : memref<96x16xf32, #tpu.memory_space<vmem>>)
      %add3A_364 = arith.constant 2 : i32
      %add3A_365 = arith.addi %add3A_345, %add3A_364 : i32
      %lt3A_366 = arith.constant 108 : i32
      %lt3A_367 = arith.cmpi slt, %add3A_365, %lt3A_366 : i32
      %convert_element_type3A_368 = arith.extui %lt3A_367 : i1 to i32
      %cond3A_369 = arith.constant 0 : i32
      %cond3A_370 = arith.cmpi ne, %convert_element_type3A_368, %cond3A_369 : i32
      scf.if %cond3A_370 {
        %add3A_398 = arith.constant 2 : i32
        %add3A_399 = arith.addi %add3A_345, %add3A_398 : i32
        %mul3A_400 = arith.constant 96 : i32
        %mul3A_401 = arith.muli %add3A_399, %mul3A_400 : i32
        %add3A_402 = arith.addi %mul3A_0, %mul3A_401 : i32
        %dma_start3A_403 = tpu.memref_slice %arg2[%add3A_402] : memref<165888xi32, #tpu.memory_space<hbm>> -> memref<96xi32, #tpu.memory_space<hbm>>
        %dma_start3A_404 = tpu.memref_slice %arg2[%add3A_402] : memref<165888xi32, #tpu.memory_space<hbm>> -> memref<96xi32, #tpu.memory_space<hbm>>
        tpu.enqueue_dma source(%dma_start3A_404 : memref<96xi32, #tpu.memory_space<hbm>>) target(%arg10 : memref<96xi32, #tpu.memory_space<vmem>>) target_semaphore(%arg30 : memref<!tpu.dma_semaphore, #tpu.memory_space<semaphore_mem>>)
        %dma_start3A_405 = tpu.memref_slice %arg3[%add3A_402] : memref<165888xi32, #tpu.memory_space<hbm>> -> memref<96xi32, #tpu.memory_space<hbm>>
        %dma_start3A_406 = tpu.memref_slice %arg3[%add3A_402] : memref<165888xi32, #tpu.memory_space<hbm>> -> memref<96xi32, #tpu.memory_space<hbm>>
        tpu.enqueue_dma source(%dma_start3A_406 : memref<96xi32, #tpu.memory_space<hbm>>) target(%arg12 : memref<96xi32, #tpu.memory_space<vmem>>) target_semaphore(%arg32 : memref<!tpu.dma_semaphore, #tpu.memory_space<semaphore_mem>>)
      } else {
      }
      %scan3A_371 = arith.constant 0 : i32
      %scan3A_372 = arith.constant 0 : i32
      %scan3A_373 = arith.constant 96 : i32
      %scan3A_374 = arith.addi %scan3A_372, %scan3A_373 : i32
      %scan3A_375 = arith.constant 1 : i32
      %scan3A_376 = scf.for %scan3A_398 = %scan3A_372 to %scan3A_374 step %scan3A_375 iter_args(%scan3A_399 = %scan3A_371) -> (i32)  : i32 {
        %get3A_400 = arith.index_cast %scan3A_398 : i32 to index
        %get3A_401 = arith.constant 0 : index
        %get3A_402 = tpu.vector_load %arg20[%get3A_400, %get3A_401] {strides = array<i32>} : memref<96x16xf32, #tpu.memory_space<vmem>>, vector<1x16xf32>,
        %get3A_403 = vector.shape_cast %get3A_402 : vector<1x16xf32> to vector<16xf32>
        %get3A_404 = arith.index_cast %scan3A_398 : i32 to index
        %get3A_405 = arith.constant 0 : index
        %get3A_406 = tpu.vector_load %arg22[%get3A_404, %get3A_405] {strides = array<i32>} : memref<96x16xf32, #tpu.memory_space<vmem>>, vector<1x16xf32>,
        %get3A_407 = vector.shape_cast %get3A_406 : vector<1x16xf32> to vector<16xf32>
        %add3A_408 = arith.addf %get3A_403, %get3A_407 : vector<16xf32>
        %gt3A = arith.constant 0.000000e+00 : f32
        %gt3A_409 = vector.broadcast %gt3A : f32 to vector<16xf32>
        %gt3A_410 = arith.cmpf ogt, %add3A_408, %gt3A_409 : vector<16xf32>
        %mul3A_411 = arith.constant 2.000000e-01 : f32
        %mul3A_412 = vector.broadcast %mul3A_411 : f32 to vector<16xf32>
        %mul3A_413 = arith.mulf %mul3A_412, %add3A_408 : vector<16xf32>
        %select_n3A_414 = arith.select %gt3A_410, %add3A_408, %mul3A_413 : vector<16xi1>, vector<16xf32>
        %exp3A = math.exp %select_n3A_414 : vector<16xf32>
        %swap3A_415 = arith.index_cast %scan3A_398 : i32 to index
        %swap3A_416 = arith.constant 0 : index
        %swap3A_417 = tpu.vector_load %arg24[%swap3A_415, %swap3A_416] {strides = array<i32>} : memref<96x16xf32, #tpu.memory_space<vmem>>, vector<1x16xf32>,
        %swap3A_418 = vector.shape_cast %swap3A_417 : vector<1x16xf32> to vector<16xf32>
        %swap3A_419 = vector.shape_cast %exp3A : vector<16xf32> to vector<1x16xf32>
        tpu.vector_store %arg24[%swap3A_415, %swap3A_416], %swap3A_419 {strides = array<i32>} : memref<96x16xf32, #tpu.memory_space<vmem>>, vector<1x16xf32>,
        %scan3A_420 = arith.constant 0 : i32
        scf.yield %scan3A_420 : i32
      }
      %scan3A_377 = arith.constant 96 : i32
      %dma_start3A_378 = arith.constant 0 : i32
      %dma_start3A_379 = arith.constant 0 : i32
      %dma_start3A_380 = tpu.memref_slice %arg28[%dma_start3A_378, %dma_start3A_379] : memref<5136x16xf32, #tpu.memory_space<vmem_shared>> -> memref<5136x16xf32, #tpu.memory_space<vmem_shared>>
      tpu.enqueue_indirect_dma source(%arg24 : memref<96x16xf32, #tpu.memory_space<vmem>>) target(%dma_start3A_380 : memref<5136x16xf32, #tpu.memory_space<vmem_shared>>) offsets(%arg14 : memref<96xi32, #tpu.memory_space<vmem>>) semaphore(%arg40 : memref<!tpu.dma_semaphore, #tpu.memory_space<semaphore_mem>>) {add = true}
      %dma_wait3A_381 = arith.constant 0 : i32
      %dma_wait3A_382 = arith.constant 0 : i32
      %dma_wait3A_383 = tpu.memref_slice %arg6[%dma_wait3A_381, %dma_wait3A_382] : memref<20000x128xf32, #tpu.memory_space<hbm>> -> memref<20000x128xf32, #tpu.memory_space<hbm>>
      tpu.wait_indirect_dma semaphore(%arg38 : memref<!tpu.dma_semaphore, #tpu.memory_space<semaphore_mem>>) src(%dma_wait3A_383 : memref<20000x128xf32, #tpu.memory_space<hbm>>) dst(%arg26 : memref<96x128xf32, #tpu.memory_space<vmem>>)
      %eq3A_384 = arith.constant 0 : i32
      %eq3A_385 = arith.cmpi eq, %arg0, %eq3A_384 : i32
      %convert_element_type3A_386 = arith.extui %eq3A_385 : i1 to i32
      %cond3A_387 = arith.constant 0 : i32
      %cond3A_388 = arith.cmpi ne, %convert_element_type3A_386, %cond3A_387 : i32
      scf.if %cond3A_388 {
        %scan3A_398 = arith.constant 0 : i32
        %scan3A_399 = arith.constant 0 : i32
        %scan3A_400 = arith.constant 96 : i32
        %scan3A_401 = arith.addi %scan3A_399, %scan3A_400 : i32
        %scan3A_402 = arith.constant 1 : i32
        %scan3A_403 = scf.for %scan3A_405 = %scan3A_399 to %scan3A_401 step %scan3A_402 iter_args(%scan3A_406 = %scan3A_398) -> (i32)  : i32 {
          %get3A_407 = arith.index_cast %scan3A_405 : i32 to index
          %get3A_408 = arith.constant 0 : index
          %get3A_409 = tpu.vector_load %arg24[%get3A_407, %get3A_408] {strides = array<i32>} : memref<96x16xf32, #tpu.memory_space<vmem>>, vector<1x16xf32>,
          %get3A_410 = vector.shape_cast %get3A_409 : vector<1x16xf32> to vector<16xf32>
          %slice3A = vector.extract_strided_slice %get3A_410 {offsets = [0], sizes = [1], strides = [1]} : vector<16xf32> to vector<1xf32>
          %squeeze3A = vector.extract %slice3A[0] : f32 from vector<1xf32>
          %broadcast_in_dim3A_411 = vector.broadcast %squeeze3A : f32 to vector<16xf32>
          %get3A_412 = arith.index_cast %scan3A_405 : i32 to index
          %get3A_413 = arith.constant 0 : index
          %get3A_414 = tpu.vector_load %arg26[%get3A_412, %get3A_413] {strides = array<i32>} : memref<96x128xf32, #tpu.memory_space<vmem>>, vector<1x16xf32>,
          %get3A_415 = vector.shape_cast %get3A_414 : vector<1x16xf32> to vector<16xf32>
          %mul3A_416 = arith.mulf %get3A_415, %broadcast_in_dim3A_411 : vector<16xf32>
          %swap3A_417 = arith.index_cast %scan3A_405 : i32 to index
          %swap3A_418 = arith.constant 0 : index
          %swap3A_419 = tpu.vector_load %arg26[%swap3A_417, %swap3A_418] {strides = array<i32>} : memref<96x128xf32, #tpu.memory_space<vmem>>, vector<1x16xf32>,
          %swap3A_420 = vector.shape_cast %swap3A_419 : vector<1x16xf32> to vector<16xf32>
          %swap3A_421 = vector.shape_cast %mul3A_416 : vector<16xf32> to vector<1x16xf32>
          tpu.vector_store %arg26[%swap3A_417, %swap3A_418], %swap3A_421 {strides = array<i32>} : memref<96x128xf32, #tpu.memory_space<vmem>>, vector<1x16xf32>,
          %get3A_422 = arith.index_cast %scan3A_405 : i32 to index
          %get3A_423 = arith.constant 16 : index
          %get3A_424 = tpu.vector_load %arg26[%get3A_422, %get3A_423] {strides = array<i32>} : memref<96x128xf32, #tpu.memory_space<vmem>>, vector<1x16xf32>,
          %get3A_425 = vector.shape_cast %get3A_424 : vector<1x16xf32> to vector<16xf32>
          %mul3A_426 = arith.mulf %get3A_425, %broadcast_in_dim3A_411 : vector<16xf32>
          %swap3A_427 = arith.index_cast %scan3A_405 : i32 to index
          %swap3A_428 = arith.constant 16 : index
          %swap3A_429 = tpu.vector_load %arg26[%swap3A_427, %swap3A_428] {strides = array<i32>} : memref<96x128xf32, #tpu.memory_space<vmem>>, vector<1x16xf32>,
          %swap3A_430 = vector.shape_cast %swap3A_429 : vector<1x16xf32> to vector<16xf32>
          %swap3A_431 = vector.shape_cast %mul3A_426 : vector<16xf32> to vector<1x16xf32>
          tpu.vector_store %arg26[%swap3A_427, %swap3A_428], %swap3A_431 {strides = array<i32>} : memref<96x128xf32, #tpu.memory_space<vmem>>, vector<1x16xf32>,
          %slice3A_432 = vector.extract_strided_slice %get3A_410 {offsets = [1], sizes = [1], strides = [1]} : vector<16xf32> to vector<1xf32>
          %squeeze3A_433 = vector.extract %slice3A_432[0] : f32 from vector<1xf32>
          %broadcast_in_dim3A_434 = vector.broadcast %squeeze3A_433 : f32 to vector<16xf32>
          %get3A_435 = arith.index_cast %scan3A_405 : i32 to index
          %get3A_436 = arith.constant 32 : index
          %get3A_437 = tpu.vector_load %arg26[%get3A_435, %get3A_436] {strides = array<i32>} : memref<96x128xf32, #tpu.memory_space<vmem>>, vector<1x16xf32>,
          %get3A_438 = vector.shape_cast %get3A_437 : vector<1x16xf32> to vector<16xf32>
          %mul3A_439 = arith.mulf %get3A_438, %broadcast_in_dim3A_434 : vector<16xf32>
          %swap3A_440 = arith.index_cast %scan3A_405 : i32 to index
          %swap3A_441 = arith.constant 32 : index
          %swap3A_442 = tpu.vector_load %arg26[%swap3A_440, %swap3A_441] {strides = array<i32>} : memref<96x128xf32, #tpu.memory_space<vmem>>, vector<1x16xf32>,
          %swap3A_443 = vector.shape_cast %swap3A_442 : vector<1x16xf32> to vector<16xf32>
          %swap3A_444 = vector.shape_cast %mul3A_439 : vector<16xf32> to vector<1x16xf32>
          tpu.vector_store %arg26[%swap3A_440, %swap3A_441], %swap3A_444 {strides = array<i32>} : memref<96x128xf32, #tpu.memory_space<vmem>>, vector<1x16xf32>,
          %get3A_445 = arith.index_cast %scan3A_405 : i32 to index
          %get3A_446 = arith.constant 48 : index
          %get3A_447 = tpu.vector_load %arg26[%get3A_445, %get3A_446] {strides = array<i32>} : memref<96x128xf32, #tpu.memory_space<vmem>>, vector<1x16xf32>,
          %get3A_448 = vector.shape_cast %get3A_447 : vector<1x16xf32> to vector<16xf32>
          %mul3A_449 = arith.mulf %get3A_448, %broadcast_in_dim3A_434 : vector<16xf32>
          %swap3A_450 = arith.index_cast %scan3A_405 : i32 to index
          %swap3A_451 = arith.constant 48 : index
          %swap3A_452 = tpu.vector_load %arg26[%swap3A_450, %swap3A_451] {strides = array<i32>} : memref<96x128xf32, #tpu.memory_space<vmem>>, vector<1x16xf32>,
          %swap3A_453 = vector.shape_cast %swap3A_452 : vector<1x16xf32> to vector<16xf32>
          %swap3A_454 = vector.shape_cast %mul3A_449 : vector<16xf32> to vector<1x16xf32>
          tpu.vector_store %arg26[%swap3A_450, %swap3A_451], %swap3A_454 {strides = array<i32>} : memref<96x128xf32, #tpu.memory_space<vmem>>, vector<1x16xf32>,
          %slice3A_455 = vector.extract_strided_slice %get3A_410 {offsets = [2], sizes = [1], strides = [1]} : vector<16xf32> to vector<1xf32>
          %squeeze3A_456 = vector.extract %slice3A_455[0] : f32 from vector<1xf32>
          %broadcast_in_dim3A_457 = vector.broadcast %squeeze3A_456 : f32 to vector<16xf32>
          %get3A_458 = arith.index_cast %scan3A_405 : i32 to index
          %get3A_459 = arith.constant 64 : index
          %get3A_460 = tpu.vector_load %arg26[%get3A_458, %get3A_459] {strides = array<i32>} : memref<96x128xf32, #tpu.memory_space<vmem>>, vector<1x16xf32>,
          %get3A_461 = vector.shape_cast %get3A_460 : vector<1x16xf32> to vector<16xf32>
          %mul3A_462 = arith.mulf %get3A_461, %broadcast_in_dim3A_457 : vector<16xf32>
          %swap3A_463 = arith.index_cast %scan3A_405 : i32 to index
          %swap3A_464 = arith.constant 64 : index
          %swap3A_465 = tpu.vector_load %arg26[%swap3A_463, %swap3A_464] {strides = array<i32>} : memref<96x128xf32, #tpu.memory_space<vmem>>, vector<1x16xf32>,
          %swap3A_466 = vector.shape_cast %swap3A_465 : vector<1x16xf32> to vector<16xf32>
          %swap3A_467 = vector.shape_cast %mul3A_462 : vector<16xf32> to vector<1x16xf32>
          tpu.vector_store %arg26[%swap3A_463, %swap3A_464], %swap3A_467 {strides = array<i32>} : memref<96x128xf32, #tpu.memory_space<vmem>>, vector<1x16xf32>,
          %get3A_468 = arith.index_cast %scan3A_405 : i32 to index
          %get3A_469 = arith.constant 80 : index
          %get3A_470 = tpu.vector_load %arg26[%get3A_468, %get3A_469] {strides = array<i32>} : memref<96x128xf32, #tpu.memory_space<vmem>>, vector<1x16xf32>,
          %get3A_471 = vector.shape_cast %get3A_470 : vector<1x16xf32> to vector<16xf32>
          %mul3A_472 = arith.mulf %get3A_471, %broadcast_in_dim3A_457 : vector<16xf32>
          %swap3A_473 = arith.index_cast %scan3A_405 : i32 to index
          %swap3A_474 = arith.constant 80 : index
          %swap3A_475 = tpu.vector_load %arg26[%swap3A_473, %swap3A_474] {strides = array<i32>} : memref<96x128xf32, #tpu.memory_space<vmem>>, vector<1x16xf32>,
          %swap3A_476 = vector.shape_cast %swap3A_475 : vector<1x16xf32> to vector<16xf32>
          %swap3A_477 = vector.shape_cast %mul3A_472 : vector<16xf32> to vector<1x16xf32>
          tpu.vector_store %arg26[%swap3A_473, %swap3A_474], %swap3A_477 {strides = array<i32>} : memref<96x128xf32, #tpu.memory_space<vmem>>, vector<1x16xf32>,
          %slice3A_478 = vector.extract_strided_slice %get3A_410 {offsets = [3], sizes = [1], strides = [1]} : vector<16xf32> to vector<1xf32>
          %squeeze3A_479 = vector.extract %slice3A_478[0] : f32 from vector<1xf32>
          %broadcast_in_dim3A_480 = vector.broadcast %squeeze3A_479 : f32 to vector<16xf32>
          %get3A_481 = arith.index_cast %scan3A_405 : i32 to index
          %get3A_482 = arith.constant 96 : index
          %get3A_483 = tpu.vector_load %arg26[%get3A_481, %get3A_482] {strides = array<i32>} : memref<96x128xf32, #tpu.memory_space<vmem>>, vector<1x16xf32>,
          %get3A_484 = vector.shape_cast %get3A_483 : vector<1x16xf32> to vector<16xf32>
          %mul3A_485 = arith.mulf %get3A_484, %broadcast_in_dim3A_480 : vector<16xf32>
          %swap3A_486 = arith.index_cast %scan3A_405 : i32 to index
          %swap3A_487 = arith.constant 96 : index
          %swap3A_488 = tpu.vector_load %arg26[%swap3A_486, %swap3A_487] {strides = array<i32>} : memref<96x128xf32, #tpu.memory_space<vmem>>, vector<1x16xf32>,
          %swap3A_489 = vector.shape_cast %swap3A_488 : vector<1x16xf32> to vector<16xf32>
          %swap3A_490 = vector.shape_cast %mul3A_485 : vector<16xf32> to vector<1x16xf32>
          tpu.vector_store %arg26[%swap3A_486, %swap3A_487], %swap3A_490 {strides = array<i32>} : memref<96x128xf32, #tpu.memory_space<vmem>>, vector<1x16xf32>,
          %get3A_491 = arith.index_cast %scan3A_405 : i32 to index
          %get3A_492 = arith.constant 112 : index
          %get3A_493 = tpu.vector_load %arg26[%get3A_491, %get3A_492] {strides = array<i32>} : memref<96x128xf32, #tpu.memory_space<vmem>>, vector<1x16xf32>,
          %get3A_494 = vector.shape_cast %get3A_493 : vector<1x16xf32> to vector<16xf32>
          %mul3A_495 = arith.mulf %get3A_494, %broadcast_in_dim3A_480 : vector<16xf32>
          %swap3A_496 = arith.index_cast %scan3A_405 : i32 to index
          %swap3A_497 = arith.constant 112 : index
          %swap3A_498 = tpu.vector_load %arg26[%swap3A_496, %swap3A_497] {strides = array<i32>} : memref<96x128xf32, #tpu.memory_space<vmem>>, vector<1x16xf32>,
          %swap3A_499 = vector.shape_cast %swap3A_498 : vector<1x16xf32> to vector<16xf32>
          %swap3A_500 = vector.shape_cast %mul3A_495 : vector<16xf32> to vector<1x16xf32>
          tpu.vector_store %arg26[%swap3A_496, %swap3A_497], %swap3A_500 {strides = array<i32>} : memref<96x128xf32, #tpu.memory_space<vmem>>, vector<1x16xf32>,
          %scan3A_501 = arith.constant 0 : i32
          scf.yield %scan3A_501 : i32
        }
        %scan3A_404 = arith.constant 96 : i32
      } else {
      }
      %eq3A_389 = arith.constant 1 : i32
      %eq3A_390 = arith.cmpi eq, %arg0, %eq3A_389 : i32
      %convert_element_type3A_391 = arith.extui %eq3A_390 : i1 to i32
      %cond3A_392 = arith.constant 0 : i32
      %cond3A_393 = arith.cmpi ne, %convert_element_type3A_391, %cond3A_392 : i32
      scf.if %cond3A_393 {
        %scan3A_398 = arith.constant 0 : i32
        %scan3A_399 = arith.constant 0 : i32
        %scan3A_400 = arith.constant 96 : i32
        %scan3A_401 = arith.addi %scan3A_399, %scan3A_400 : i32
        %scan3A_402 = arith.constant 1 : i32
        %scan3A_403 = scf.for %scan3A_405 = %scan3A_399 to %scan3A_401 step %scan3A_402 iter_args(%scan3A_406 = %scan3A_398) -> (i32)  : i32 {
          %get3A_407 = arith.index_cast %scan3A_405 : i32 to index
          %get3A_408 = arith.constant 0 : index
          %get3A_409 = tpu.vector_load %arg24[%get3A_407, %get3A_408] {strides = array<i32>} : memref<96x16xf32, #tpu.memory_space<vmem>>, vector<1x16xf32>,
          %get3A_410 = vector.shape_cast %get3A_409 : vector<1x16xf32> to vector<16xf32>
          %slice3A = vector.extract_strided_slice %get3A_410 {offsets = [4], sizes = [1], strides = [1]} : vector<16xf32> to vector<1xf32>
          %squeeze3A = vector.extract %slice3A[0] : f32 from vector<1xf32>
          %broadcast_in_dim3A_411 = vector.broadcast %squeeze3A : f32 to vector<16xf32>
          %get3A_412 = arith.index_cast %scan3A_405 : i32 to index
          %get3A_413 = arith.constant 0 : index
          %get3A_414 = tpu.vector_load %arg26[%get3A_412, %get3A_413] {strides = array<i32>} : memref<96x128xf32, #tpu.memory_space<vmem>>, vector<1x16xf32>,
          %get3A_415 = vector.shape_cast %get3A_414 : vector<1x16xf32> to vector<16xf32>
          %mul3A_416 = arith.mulf %get3A_415, %broadcast_in_dim3A_411 : vector<16xf32>
          %swap3A_417 = arith.index_cast %scan3A_405 : i32 to index
          %swap3A_418 = arith.constant 0 : index
          %swap3A_419 = tpu.vector_load %arg26[%swap3A_417, %swap3A_418] {strides = array<i32>} : memref<96x128xf32, #tpu.memory_space<vmem>>, vector<1x16xf32>,
          %swap3A_420 = vector.shape_cast %swap3A_419 : vector<1x16xf32> to vector<16xf32>
          %swap3A_421 = vector.shape_cast %mul3A_416 : vector<16xf32> to vector<1x16xf32>
          tpu.vector_store %arg26[%swap3A_417, %swap3A_418], %swap3A_421 {strides = array<i32>} : memref<96x128xf32, #tpu.memory_space<vmem>>, vector<1x16xf32>,
          %get3A_422 = arith.index_cast %scan3A_405 : i32 to index
          %get3A_423 = arith.constant 16 : index
          %get3A_424 = tpu.vector_load %arg26[%get3A_422, %get3A_423] {strides = array<i32>} : memref<96x128xf32, #tpu.memory_space<vmem>>, vector<1x16xf32>,
          %get3A_425 = vector.shape_cast %get3A_424 : vector<1x16xf32> to vector<16xf32>
          %mul3A_426 = arith.mulf %get3A_425, %broadcast_in_dim3A_411 : vector<16xf32>
          %swap3A_427 = arith.index_cast %scan3A_405 : i32 to index
          %swap3A_428 = arith.constant 16 : index
          %swap3A_429 = tpu.vector_load %arg26[%swap3A_427, %swap3A_428] {strides = array<i32>} : memref<96x128xf32, #tpu.memory_space<vmem>>, vector<1x16xf32>,
          %swap3A_430 = vector.shape_cast %swap3A_429 : vector<1x16xf32> to vector<16xf32>
          %swap3A_431 = vector.shape_cast %mul3A_426 : vector<16xf32> to vector<1x16xf32>
          tpu.vector_store %arg26[%swap3A_427, %swap3A_428], %swap3A_431 {strides = array<i32>} : memref<96x128xf32, #tpu.memory_space<vmem>>, vector<1x16xf32>,
          %slice3A_432 = vector.extract_strided_slice %get3A_410 {offsets = [5], sizes = [1], strides = [1]} : vector<16xf32> to vector<1xf32>
          %squeeze3A_433 = vector.extract %slice3A_432[0] : f32 from vector<1xf32>
          %broadcast_in_dim3A_434 = vector.broadcast %squeeze3A_433 : f32 to vector<16xf32>
          %get3A_435 = arith.index_cast %scan3A_405 : i32 to index
          %get3A_436 = arith.constant 32 : index
          %get3A_437 = tpu.vector_load %arg26[%get3A_435, %get3A_436] {strides = array<i32>} : memref<96x128xf32, #tpu.memory_space<vmem>>, vector<1x16xf32>,
          %get3A_438 = vector.shape_cast %get3A_437 : vector<1x16xf32> to vector<16xf32>
          %mul3A_439 = arith.mulf %get3A_438, %broadcast_in_dim3A_434 : vector<16xf32>
          %swap3A_440 = arith.index_cast %scan3A_405 : i32 to index
          %swap3A_441 = arith.constant 32 : index
          %swap3A_442 = tpu.vector_load %arg26[%swap3A_440, %swap3A_441] {strides = array<i32>} : memref<96x128xf32, #tpu.memory_space<vmem>>, vector<1x16xf32>,
          %swap3A_443 = vector.shape_cast %swap3A_442 : vector<1x16xf32> to vector<16xf32>
          %swap3A_444 = vector.shape_cast %mul3A_439 : vector<16xf32> to vector<1x16xf32>
          tpu.vector_store %arg26[%swap3A_440, %swap3A_441], %swap3A_444 {strides = array<i32>} : memref<96x128xf32, #tpu.memory_space<vmem>>, vector<1x16xf32>,
          %get3A_445 = arith.index_cast %scan3A_405 : i32 to index
          %get3A_446 = arith.constant 48 : index
          %get3A_447 = tpu.vector_load %arg26[%get3A_445, %get3A_446] {strides = array<i32>} : memref<96x128xf32, #tpu.memory_space<vmem>>, vector<1x16xf32>,
          %get3A_448 = vector.shape_cast %get3A_447 : vector<1x16xf32> to vector<16xf32>
          %mul3A_449 = arith.mulf %get3A_448, %broadcast_in_dim3A_434 : vector<16xf32>
          %swap3A_450 = arith.index_cast %scan3A_405 : i32 to index
          %swap3A_451 = arith.constant 48 : index
          %swap3A_452 = tpu.vector_load %arg26[%swap3A_450, %swap3A_451] {strides = array<i32>} : memref<96x128xf32, #tpu.memory_space<vmem>>, vector<1x16xf32>,
          %swap3A_453 = vector.shape_cast %swap3A_452 : vector<1x16xf32> to vector<16xf32>
          %swap3A_454 = vector.shape_cast %mul3A_449 : vector<16xf32> to vector<1x16xf32>
          tpu.vector_store %arg26[%swap3A_450, %swap3A_451], %swap3A_454 {strides = array<i32>} : memref<96x128xf32, #tpu.memory_space<vmem>>, vector<1x16xf32>,
          %slice3A_455 = vector.extract_strided_slice %get3A_410 {offsets = [6], sizes = [1], strides = [1]} : vector<16xf32> to vector<1xf32>
          %squeeze3A_456 = vector.extract %slice3A_455[0] : f32 from vector<1xf32>
          %broadcast_in_dim3A_457 = vector.broadcast %squeeze3A_456 : f32 to vector<16xf32>
          %get3A_458 = arith.index_cast %scan3A_405 : i32 to index
          %get3A_459 = arith.constant 64 : index
          %get3A_460 = tpu.vector_load %arg26[%get3A_458, %get3A_459] {strides = array<i32>} : memref<96x128xf32, #tpu.memory_space<vmem>>, vector<1x16xf32>,
          %get3A_461 = vector.shape_cast %get3A_460 : vector<1x16xf32> to vector<16xf32>
          %mul3A_462 = arith.mulf %get3A_461, %broadcast_in_dim3A_457 : vector<16xf32>
          %swap3A_463 = arith.index_cast %scan3A_405 : i32 to index
          %swap3A_464 = arith.constant 64 : index
          %swap3A_465 = tpu.vector_load %arg26[%swap3A_463, %swap3A_464] {strides = array<i32>} : memref<96x128xf32, #tpu.memory_space<vmem>>, vector<1x16xf32>,
          %swap3A_466 = vector.shape_cast %swap3A_465 : vector<1x16xf32> to vector<16xf32>
          %swap3A_467 = vector.shape_cast %mul3A_462 : vector<16xf32> to vector<1x16xf32>
          tpu.vector_store %arg26[%swap3A_463, %swap3A_464], %swap3A_467 {strides = array<i32>} : memref<96x128xf32, #tpu.memory_space<vmem>>, vector<1x16xf32>,
          %get3A_468 = arith.index_cast %scan3A_405 : i32 to index
          %get3A_469 = arith.constant 80 : index
          %get3A_470 = tpu.vector_load %arg26[%get3A_468, %get3A_469] {strides = array<i32>} : memref<96x128xf32, #tpu.memory_space<vmem>>, vector<1x16xf32>,
          %get3A_471 = vector.shape_cast %get3A_470 : vector<1x16xf32> to vector<16xf32>
          %mul3A_472 = arith.mulf %get3A_471, %broadcast_in_dim3A_457 : vector<16xf32>
          %swap3A_473 = arith.index_cast %scan3A_405 : i32 to index
          %swap3A_474 = arith.constant 80 : index
          %swap3A_475 = tpu.vector_load %arg26[%swap3A_473, %swap3A_474] {strides = array<i32>} : memref<96x128xf32, #tpu.memory_space<vmem>>, vector<1x16xf32>,
          %swap3A_476 = vector.shape_cast %swap3A_475 : vector<1x16xf32> to vector<16xf32>
          %swap3A_477 = vector.shape_cast %mul3A_472 : vector<16xf32> to vector<1x16xf32>
          tpu.vector_store %arg26[%swap3A_473, %swap3A_474], %swap3A_477 {strides = array<i32>} : memref<96x128xf32, #tpu.memory_space<vmem>>, vector<1x16xf32>,
          %slice3A_478 = vector.extract_strided_slice %get3A_410 {offsets = [7], sizes = [1], strides = [1]} : vector<16xf32> to vector<1xf32>
          %squeeze3A_479 = vector.extract %slice3A_478[0] : f32 from vector<1xf32>
          %broadcast_in_dim3A_480 = vector.broadcast %squeeze3A_479 : f32 to vector<16xf32>
          %get3A_481 = arith.index_cast %scan3A_405 : i32 to index
          %get3A_482 = arith.constant 96 : index
          %get3A_483 = tpu.vector_load %arg26[%get3A_481, %get3A_482] {strides = array<i32>} : memref<96x128xf32, #tpu.memory_space<vmem>>, vector<1x16xf32>,
          %get3A_484 = vector.shape_cast %get3A_483 : vector<1x16xf32> to vector<16xf32>
          %mul3A_485 = arith.mulf %get3A_484, %broadcast_in_dim3A_480 : vector<16xf32>
          %swap3A_486 = arith.index_cast %scan3A_405 : i32 to index
          %swap3A_487 = arith.constant 96 : index
          %swap3A_488 = tpu.vector_load %arg26[%swap3A_486, %swap3A_487] {strides = array<i32>} : memref<96x128xf32, #tpu.memory_space<vmem>>, vector<1x16xf32>,
          %swap3A_489 = vector.shape_cast %swap3A_488 : vector<1x16xf32> to vector<16xf32>
          %swap3A_490 = vector.shape_cast %mul3A_485 : vector<16xf32> to vector<1x16xf32>
          tpu.vector_store %arg26[%swap3A_486, %swap3A_487], %swap3A_490 {strides = array<i32>} : memref<96x128xf32, #tpu.memory_space<vmem>>, vector<1x16xf32>,
          %get3A_491 = arith.index_cast %scan3A_405 : i32 to index
          %get3A_492 = arith.constant 112 : index
          %get3A_493 = tpu.vector_load %arg26[%get3A_491, %get3A_492] {strides = array<i32>} : memref<96x128xf32, #tpu.memory_space<vmem>>, vector<1x16xf32>,
          %get3A_494 = vector.shape_cast %get3A_493 : vector<1x16xf32> to vector<16xf32>
          %mul3A_495 = arith.mulf %get3A_494, %broadcast_in_dim3A_480 : vector<16xf32>
          %swap3A_496 = arith.index_cast %scan3A_405 : i32 to index
          %swap3A_497 = arith.constant 112 : index
          %swap3A_498 = tpu.vector_load %arg26[%swap3A_496, %swap3A_497] {strides = array<i32>} : memref<96x128xf32, #tpu.memory_space<vmem>>, vector<1x16xf32>,
          %swap3A_499 = vector.shape_cast %swap3A_498 : vector<1x16xf32> to vector<16xf32>
          %swap3A_500 = vector.shape_cast %mul3A_495 : vector<16xf32> to vector<1x16xf32>
          tpu.vector_store %arg26[%swap3A_496, %swap3A_497], %swap3A_500 {strides = array<i32>} : memref<96x128xf32, #tpu.memory_space<vmem>>, vector<1x16xf32>,
          %scan3A_501 = arith.constant 0 : i32
          scf.yield %scan3A_501 : i32
        }
        %scan3A_404 = arith.constant 96 : i32
      } else {
      }
      %dma_start3A_394 = arith.constant 0 : i32
      %dma_start3A_395 = arith.constant 0 : i32
      %dma_start3A_396 = tpu.memref_slice %arg27[%dma_start3A_394, %dma_start3A_395] : memref<10016x128xf32, #tpu.memory_space<vmem_shared>> -> memref<10016x128xf32, #tpu.memory_space<vmem_shared>>
      tpu.enqueue_indirect_dma source(%arg26 : memref<96x128xf32, #tpu.memory_space<vmem>>) target(%dma_start3A_396 : memref<10016x128xf32, #tpu.memory_space<vmem_shared>>) offsets(%arg16 : memref<96xi32, #tpu.memory_space<vmem>>) semaphore(%arg42 : memref<!tpu.dma_semaphore, #tpu.memory_space<semaphore_mem>>) {add = true}
      %scan3A_397 = arith.constant 0 : i32
      scf.yield %scan3A_397 : i32
    }
    %scan3A_271 = arith.constant 54 : i32
    %dma_wait3A_272 = arith.constant 0 : i32
    %dma_wait3A_273 = arith.constant 0 : i32
    %dma_wait3A_274 = tpu.memref_slice %arg28[%dma_wait3A_272, %dma_wait3A_273] : memref<5136x16xf32, #tpu.memory_space<vmem_shared>> -> memref<5136x16xf32, #tpu.memory_space<vmem_shared>>
    tpu.wait_indirect_dma semaphore(%arg40 : memref<!tpu.dma_semaphore, #tpu.memory_space<semaphore_mem>>) src(%arg24 : memref<96x16xf32, #tpu.memory_space<vmem>>) dst(%dma_wait3A_274 : memref<5136x16xf32, #tpu.memory_space<vmem_shared>>)
    %dma_wait3A_275 = arith.constant 0 : i32
    %dma_wait3A_276 = arith.constant 0 : i32
    %dma_wait3A_277 = tpu.memref_slice %arg27[%dma_wait3A_275, %dma_wait3A_276] : memref<10016x128xf32, #tpu.memory_space<vmem_shared>> -> memref<10016x128xf32, #tpu.memory_space<vmem_shared>>
    tpu.wait_indirect_dma semaphore(%arg42 : memref<!tpu.dma_semaphore, #tpu.memory_space<semaphore_mem>>) src(%arg26 : memref<96x128xf32, #tpu.memory_space<vmem>>) dst(%dma_wait3A_277 : memref<10016x128xf32, #tpu.memory_space<vmem_shared>>)
    %barrier3A_278 = arith.constant 0 : index
    tpu.barrier barrier_id(%barrier3A_278)
    %mul3A_279 = arith.constant 625 : i32
    %mul3A_280 = arith.muli %arg1, %mul3A_279 : i32
    %mul3A_281 = arith.constant 625 : i32
    %mul3A_282 = arith.muli %arg1, %mul3A_281 : i32
    "tpu.region"() ({
      %run_scoped3A = tpu.sem_alloc : memref<!tpu.dma_semaphore, #tpu.memory_space<semaphore_mem>>
      %dma_start3A_290 = arith.constant 0 : i32
      %dma_start3A_291 = tpu.memref_slice %arg7[%arg0, %mul3A_282, %dma_start3A_290] : memref<2x10000x128xf32, #tpu.memory_space<hbm>> -> memref<1x625x128xf32, #tpu.memory_space<hbm>>
      %dma_start3A_292 = tpu.memref_squeeze %dma_start3A_291 : memref<1x625x128xf32, #tpu.memory_space<hbm>> -> memref<625x128xf32, #tpu.memory_space<hbm>>
      %dma_start3A_293 = arith.constant 0 : i32
      %dma_start3A_294 = tpu.memref_slice %arg27[%mul3A_280, %dma_start3A_293] : memref<10016x128xf32, #tpu.memory_space<vmem_shared>> -> memref<625x128xf32, #tpu.memory_space<vmem_shared>>
      tpu.enqueue_dma source(%dma_start3A_294 : memref<625x128xf32, #tpu.memory_space<vmem_shared>>) target(%dma_start3A_292 : memref<625x128xf32, #tpu.memory_space<hbm>>) target_semaphore(%run_scoped3A : memref<!tpu.dma_semaphore, #tpu.memory_space<semaphore_mem>>)
      %dma_wait3A_295 = arith.constant 0 : i32
      %dma_wait3A_296 = tpu.memref_slice %arg7[%arg0, %mul3A_282, %dma_wait3A_295] : memref<2x10000x128xf32, #tpu.memory_space<hbm>> -> memref<1x625x128xf32, #tpu.memory_space<hbm>>
      %dma_wait3A_297 = tpu.memref_squeeze %dma_wait3A_296 : memref<1x625x128xf32, #tpu.memory_space<hbm>> -> memref<625x128xf32, #tpu.memory_space<hbm>>
      %dma_wait3A_298 = arith.constant 0 : i32
      %dma_wait3A_299 = tpu.memref_slice %arg27[%mul3A_280, %dma_wait3A_298] : memref<10016x128xf32, #tpu.memory_space<vmem_shared>> -> memref<625x128xf32, #tpu.memory_space<vmem_shared>>
      tpu.wait_dma2 semaphore(%run_scoped3A : memref<!tpu.dma_semaphore, #tpu.memory_space<semaphore_mem>>) src(%dma_wait3A_299 : memref<625x128xf32, #tpu.memory_space<vmem_shared>>) dst(%dma_wait3A_297 : memref<625x128xf32, #tpu.memory_space<hbm>>)
      tpu.yield
    }) : () -> ()
    %mul3A_283 = arith.constant 313 : i32
    %mul3A_284 = arith.muli %arg1, %mul3A_283 : i32
    %mul3A_285 = arith.constant 5008 : i32
    %mul3A_286 = arith.muli %arg0, %mul3A_285 : i32
    %mul3A_287 = arith.constant 313 : i32
    %mul3A_288 = arith.muli %arg1, %mul3A_287 : i32
    %add3A_289 = arith.addi %mul3A_286, %mul3A_288 : i32
    "tpu.region"() ({
      %run_scoped3A = tpu.sem_alloc : memref<!tpu.dma_semaphore, #tpu.memory_space<semaphore_mem>>
      %dma_start3A_290 = arith.constant 0 : i32
      %dma_start3A_291 = tpu.memref_slice %arg8[%add3A_289, %dma_start3A_290] : memref<10016x16xf32, #tpu.memory_space<hbm>> -> memref<313x16xf32, #tpu.memory_space<hbm>>
      %dma_start3A_292 = arith.constant 0 : i32
      %dma_start3A_293 = tpu.memref_slice %arg28[%mul3A_284, %dma_start3A_292] : memref<5136x16xf32, #tpu.memory_space<vmem_shared>> -> memref<313x16xf32, #tpu.memory_space<vmem_shared>>
      tpu.enqueue_dma source(%dma_start3A_293 : memref<313x16xf32, #tpu.memory_space<vmem_shared>>) target(%dma_start3A_291 : memref<313x16xf32, #tpu.memory_space<hbm>>) target_semaphore(%run_scoped3A : memref<!tpu.dma_semaphore, #tpu.memory_space<semaphore_mem>>)
      %dma_wait3A_294 = arith.constant 0 : i32
      %dma_wait3A_295 = tpu.memref_slice %arg8[%add3A_289, %dma_wait3A_294] : memref<10016x16xf32, #tpu.memory_space<hbm>> -> memref<313x16xf32, #tpu.memory_space<hbm>>
      %dma_wait3A_296 = arith.constant 0 : i32
      %dma_wait3A_297 = tpu.memref_slice %arg28[%mul3A_284, %dma_wait3A_296] : memref<5136x16xf32, #tpu.memory_space<vmem_shared>> -> memref<313x16xf32, #tpu.memory_space<vmem_shared>>
      tpu.wait_dma2 semaphore(%run_scoped3A : memref<!tpu.dma_semaphore, #tpu.memory_space<semaphore_mem>>) src(%dma_wait3A_297 : memref<313x16xf32, #tpu.memory_space<vmem_shared>>) dst(%dma_wait3A_295 : memref<313x16xf32, #tpu.memory_space<hbm>>)
      tpu.yield
    }) : () -> ()
    return
  }
}

module attributes {stable_mosaic.version = 14 : i64} {
  func.func @_tc_pre_body(%arg0: i32, %arg1: memref<400x256xf32, #tpu.memory_space<vmem>>, %arg2: memref<256x256xf32, #tpu.memory_space<vmem>>, %arg3: memref<256x16xf32, #tpu.memory_space<vmem>>, %arg4: memref<256x16xf32, #tpu.memory_space<vmem>>, %arg5: memref<2x400x128xf32, #tpu.memory_space<vmem>>, %arg6: memref<400x16xf32, #tpu.memory_space<vmem>>, %arg7: memref<400x16xf32, #tpu.memory_space<vmem>>) attributes {dimension_semantics = [#tpu.dimension_semantics<arbitrary>], iteration_bounds = array<i64: 25>, scalar_prefetch = 0 : i64, scratch_operands = 0 : i64, tpu.core_type = #tpu.core_type<tc>, window_params = [{transform_indices = @transform_0, window_bounds = array<i64: 400, 256>}, {pipeline_mode = #tpu.pipeline_mode<synchronous>, transform_indices = @transform_1, window_bounds = array<i64: 256, 256>}, {pipeline_mode = #tpu.pipeline_mode<synchronous>, transform_indices = @transform_2, window_bounds = array<i64: 256, 16>}, {pipeline_mode = #tpu.pipeline_mode<synchronous>, transform_indices = @transform_3, window_bounds = array<i64: 256, 16>}, {transform_indices = @transform_4, window_bounds = array<i64: 2, 400, 128>}, {transform_indices = @transform_5, window_bounds = array<i64: 400, 16>}, {transform_indices = @transform_6, window_bounds = array<i64: 400, 16>}]} {
    %get3A = arith.constant 0 : index
    %get3A_0 = arith.constant 0 : index
    %get3A_1 = vector.load %arg1[%get3A, %get3A_0] : memref<400x256xf32, #tpu.memory_space<vmem>>, vector<400x256xf32>
    %get3A_2 = arith.constant 0 : index
    %get3A_3 = arith.constant 0 : index
    %get3A_4 = vector.load %arg2[%get3A_2, %get3A_3] : memref<256x256xf32, #tpu.memory_space<vmem>>, vector<256x256xf32>
    %dot_general3A = arith.constant dense<0.000000e+00> : vector<400x256xf32>
    %dot_general3A_5 = tpu.matmul %get3A_1, %get3A_4, %dot_general3A {dimension_numbers = #tpu.dot_dimension_numbers<[1], [0], [0], [1], [0, 0, 1, 1], [], []>, transpose_lhs_hint = false} : vector<400x256xf32>, vector<256x256xf32>, vector<400x256xf32> -> vector<400x256xf32>
    %slice3A = vector.extract_strided_slice %dot_general3A_5 {offsets = [0, 0], sizes = [400, 128], strides = [1, 1]} : vector<400x256xf32> to vector<400x128xf32>
    %swap3A = arith.constant 0 : index
    %swap3A_6 = arith.constant 0 : index
    %swap3A_7 = arith.constant 0 : index
    %swap3A_8 = vector.load %arg5[%swap3A, %swap3A_6, %swap3A_7] : memref<2x400x128xf32, #tpu.memory_space<vmem>>, vector<1x400x128xf32>
    %swap3A_9 = vector.shape_cast %swap3A_8 : vector<1x400x128xf32> to vector<400x128xf32>
    %swap3A_10 = vector.shape_cast %slice3A : vector<400x128xf32> to vector<1x400x128xf32>
    tpu.vector_store %arg5[%swap3A, %swap3A_6, %swap3A_7], %swap3A_10 {strides = array<i32>} : memref<2x400x128xf32, #tpu.memory_space<vmem>>, vector<1x400x128xf32>,
    %slice3A_11 = vector.extract_strided_slice %dot_general3A_5 {offsets = [0, 128], sizes = [400, 128], strides = [1, 1]} : vector<400x256xf32> to vector<400x128xf32>
    %swap3A_12 = arith.constant 1 : index
    %swap3A_13 = arith.constant 0 : index
    %swap3A_14 = arith.constant 0 : index
    %swap3A_15 = vector.load %arg5[%swap3A_12, %swap3A_13, %swap3A_14] : memref<2x400x128xf32, #tpu.memory_space<vmem>>, vector<1x400x128xf32>
    %swap3A_16 = vector.shape_cast %swap3A_15 : vector<1x400x128xf32> to vector<400x128xf32>
    %swap3A_17 = vector.shape_cast %slice3A_11 : vector<400x128xf32> to vector<1x400x128xf32>
    tpu.vector_store %arg5[%swap3A_12, %swap3A_13, %swap3A_14], %swap3A_17 {strides = array<i32>} : memref<2x400x128xf32, #tpu.memory_space<vmem>>, vector<1x400x128xf32>,
    %get3A_18 = arith.constant 0 : index
    %get3A_19 = arith.constant 0 : index
    %get3A_20 = vector.load %arg3[%get3A_18, %get3A_19] : memref<256x16xf32, #tpu.memory_space<vmem>>, vector<256x16xf32>
    %dot_general3A_21 = arith.constant dense<0.000000e+00> : vector<400x16xf32>
    %dot_general3A_22 = tpu.matmul %dot_general3A_5, %get3A_20, %dot_general3A_21 {dimension_numbers = #tpu.dot_dimension_numbers<[1], [0], [0], [1], [0, 0, 1, 1], [], []>, transpose_lhs_hint = false} : vector<400x256xf32>, vector<256x16xf32>, vector<400x16xf32> -> vector<400x16xf32>
    %swap3A_23 = arith.constant 0 : index
    %swap3A_24 = arith.constant 0 : index
    %swap3A_25 = vector.load %arg6[%swap3A_23, %swap3A_24] : memref<400x16xf32, #tpu.memory_space<vmem>>, vector<400x16xf32>
    tpu.vector_store %arg6[%swap3A_23, %swap3A_24], %dot_general3A_22 {strides = array<i32>} : memref<400x16xf32, #tpu.memory_space<vmem>>, vector<400x16xf32>,
    %get3A_26 = arith.constant 0 : index
    %get3A_27 = arith.constant 0 : index
    %get3A_28 = vector.load %arg4[%get3A_26, %get3A_27] : memref<256x16xf32, #tpu.memory_space<vmem>>, vector<256x16xf32>
    %dot_general3A_29 = arith.constant dense<0.000000e+00> : vector<400x16xf32>
    %dot_general3A_30 = tpu.matmul %dot_general3A_5, %get3A_28, %dot_general3A_29 {dimension_numbers = #tpu.dot_dimension_numbers<[1], [0], [0], [1], [0, 0, 1, 1], [], []>, transpose_lhs_hint = false} : vector<400x256xf32>, vector<256x16xf32>, vector<400x16xf32> -> vector<400x16xf32>
    %swap3A_31 = arith.constant 0 : index
    %swap3A_32 = arith.constant 0 : index
    %swap3A_33 = vector.load %arg7[%swap3A_31, %swap3A_32] : memref<400x16xf32, #tpu.memory_space<vmem>>, vector<400x16xf32>
    tpu.vector_store %arg7[%swap3A_31, %swap3A_32], %dot_general3A_30 {strides = array<i32>} : memref<400x16xf32, #tpu.memory_space<vmem>>, vector<400x16xf32>,
    return
  }
  func.func @transform_0(%arg0: i32) -> (i32, i32) {
    %c0_i32 = arith.constant 0 : i32
    %c0_i32_0 = arith.constant 0 : i32
    return %arg0, %c0_i32 : i32, i32
  }
  func.func @transform_1(%arg0: i32) -> (i32, i32) {
    %c0_i32 = arith.constant 0 : i32
    %c0_i32_0 = arith.constant 0 : i32
    %c0_i32_1 = arith.constant 0 : i32
    return %c0_i32, %c0_i32_0 : i32, i32
  }
  func.func @transform_2(%arg0: i32) -> (i32, i32) {
    %c0_i32 = arith.constant 0 : i32
    %c0_i32_0 = arith.constant 0 : i32
    %c0_i32_1 = arith.constant 0 : i32
    return %c0_i32, %c0_i32_0 : i32, i32
  }
  func.func @transform_3(%arg0: i32) -> (i32, i32) {
    %c0_i32 = arith.constant 0 : i32
    %c0_i32_0 = arith.constant 0 : i32
    %c0_i32_1 = arith.constant 0 : i32
    return %c0_i32, %c0_i32_0 : i32, i32
  }
  func.func @transform_4(%arg0: i32) -> (i32, i32, i32) {
    %c0_i32 = arith.constant 0 : i32
    %c0_i32_0 = arith.constant 0 : i32
    %c0_i32_1 = arith.constant 0 : i32
    return %c0_i32, %arg0, %c0_i32_0 : i32, i32, i32
  }
  func.func @transform_5(%arg0: i32) -> (i32, i32) {
    %c0_i32 = arith.constant 0 : i32
    %c0_i32_0 = arith.constant 0 : i32
    return %arg0, %c0_i32 : i32, i32
  }
  func.func @transform_6(%arg0: i32) -> (i32, i32) {
    %c0_i32 = arith.constant 0 : i32
    %c0_i32_0 = arith.constant 0 : i32
    return %arg0, %c0_i32 : i32, i32
  }
}

module attributes {stable_mosaic.version = 14 : i64} {
  func.func @_tc_post_body(%arg0: i32, %arg1: memref<400x256xf32, #tpu.memory_space<vmem>>, %arg2: memref<2x400x128xf32, #tpu.memory_space<vmem>>, %arg3: memref<2x400x128xf32, #tpu.memory_space<vmem>>, %arg4: memref<400x16xf32, #tpu.memory_space<vmem>>, %arg5: memref<400x16xf32, #tpu.memory_space<vmem>>, %arg6: memref<400x16xf32, #tpu.memory_space<vmem>>, %arg7: memref<1x256xf32, #tpu.memory_space<vmem>>, %arg8: memref<1x256xf32, #tpu.memory_space<vmem>>, %arg9: memref<1x256xf32, #tpu.memory_space<vmem>>, %arg10: memref<256x1024xf32, #tpu.memory_space<vmem>>, %arg11: memref<1x1024xf32, #tpu.memory_space<vmem>>, %arg12: memref<1024x256xf32, #tpu.memory_space<vmem>>, %arg13: memref<1x256xf32, #tpu.memory_space<vmem>>, %arg14: memref<400x256xf32, #tpu.memory_space<vmem>>) attributes {dimension_semantics = [#tpu.dimension_semantics<arbitrary>], iteration_bounds = array<i64: 25>, scalar_prefetch = 0 : i64, scratch_operands = 0 : i64, tpu.core_type = #tpu.core_type<tc>, window_params = [{transform_indices = @transform_0, window_bounds = array<i64: 400, 256>}, {transform_indices = @transform_1, window_bounds = array<i64: 2, 400, 128>}, {transform_indices = @transform_2, window_bounds = array<i64: 2, 400, 128>}, {transform_indices = @transform_3, window_bounds = array<i64: 400, 16>}, {transform_indices = @transform_4, window_bounds = array<i64: 400, 16>}, {transform_indices = @transform_5, window_bounds = array<i64: 400, 16>}, {pipeline_mode = #tpu.pipeline_mode<synchronous>, transform_indices = @transform_6, window_bounds = array<i64: 1, 256>}, {pipeline_mode = #tpu.pipeline_mode<synchronous>, transform_indices = @transform_7, window_bounds = array<i64: 1, 256>}, {pipeline_mode = #tpu.pipeline_mode<synchronous>, transform_indices = @transform_8, window_bounds = array<i64: 1, 256>}, {pipeline_mode = #tpu.pipeline_mode<synchronous>, transform_indices = @transform_9, window_bounds = array<i64: 256, 1024>}, {pipeline_mode = #tpu.pipeline_mode<synchronous>, transform_indices = @transform_10, window_bounds = array<i64: 1, 1024>}, {pipeline_mode = #tpu.pipeline_mode<synchronous>, transform_indices = @transform_11, window_bounds = array<i64: 1024, 256>}, {pipeline_mode = #tpu.pipeline_mode<synchronous>, transform_indices = @transform_12, window_bounds = array<i64: 1, 256>}, {transform_indices = @transform_13, window_bounds = array<i64: 400, 256>}]} {
    %get3A = arith.constant 0 : index
    %get3A_0 = arith.constant 0 : index
    %get3A_1 = vector.load %arg5[%get3A, %get3A_0] : memref<400x16xf32, #tpu.memory_space<vmem>>, vector<400x8xf32>
    %get3A_2 = arith.constant 0 : index
    %get3A_3 = arith.constant 0 : index
    %get3A_4 = vector.load %arg6[%get3A_2, %get3A_3] : memref<400x16xf32, #tpu.memory_space<vmem>>, vector<400x8xf32>
    %add3A = arith.addf %get3A_1, %get3A_4 : vector<400x8xf32>
    %gt3A = arith.constant 0.000000e+00 : f32
    %gt3A_5 = vector.broadcast %gt3A : f32 to vector<400x8xf32>
    %gt3A_6 = arith.cmpf ogt, %add3A, %gt3A_5 : vector<400x8xf32>
    %mul3A = arith.constant 2.000000e-01 : f32
    %mul3A_7 = vector.broadcast %mul3A : f32 to vector<400x8xf32>
    %mul3A_8 = arith.mulf %mul3A_7, %add3A : vector<400x8xf32>
    %select_n3A = arith.select %gt3A_6, %add3A, %mul3A_8 : vector<400x8xi1>, vector<400x8xf32>
    %exp3A = math.exp %select_n3A : vector<400x8xf32>
    %get3A_9 = arith.constant 0 : index
    %get3A_10 = arith.constant 0 : index
    %get3A_11 = vector.load %arg4[%get3A_9, %get3A_10] : memref<400x16xf32, #tpu.memory_space<vmem>>, vector<400x8xf32>
    %add3A_12 = arith.addf %get3A_11, %exp3A : vector<400x8xf32>
    %get3A_13 = arith.constant 0 : index
    %get3A_14 = arith.constant 0 : index
    %get3A_15 = arith.constant 0 : index
    %get3A_16 = vector.load %arg2[%get3A_13, %get3A_14, %get3A_15] : memref<2x400x128xf32, #tpu.memory_space<vmem>>, vector<1x400x128xf32>
    %get3A_17 = vector.shape_cast %get3A_16 : vector<1x400x128xf32> to vector<400x128xf32>
    %get3A_18 = arith.constant 1 : index
    %get3A_19 = arith.constant 0 : index
    %get3A_20 = arith.constant 0 : index
    %get3A_21 = vector.load %arg2[%get3A_18, %get3A_19, %get3A_20] : memref<2x400x128xf32, #tpu.memory_space<vmem>>, vector<1x400x128xf32>
    %get3A_22 = vector.shape_cast %get3A_21 : vector<1x400x128xf32> to vector<400x128xf32>
    %concatenate3A = tpu.concatenate %get3A_17, %get3A_22 in 1 : vector<400x128xf32>, vector<400x128xf32> -> vector<400x256xf32>
    %get3A_23 = arith.constant 0 : index
    %get3A_24 = arith.constant 0 : index
    %get3A_25 = arith.constant 0 : index
    %get3A_26 = vector.load %arg3[%get3A_23, %get3A_24, %get3A_25] : memref<2x400x128xf32, #tpu.memory_space<vmem>>, vector<1x400x128xf32>
    %get3A_27 = vector.shape_cast %get3A_26 : vector<1x400x128xf32> to vector<400x128xf32>
    %get3A_28 = arith.constant 1 : index
    %get3A_29 = arith.constant 0 : index
    %get3A_30 = arith.constant 0 : index
    %get3A_31 = vector.load %arg3[%get3A_28, %get3A_29, %get3A_30] : memref<2x400x128xf32, #tpu.memory_space<vmem>>, vector<1x400x128xf32>
    %get3A_32 = vector.shape_cast %get3A_31 : vector<1x400x128xf32> to vector<400x128xf32>
    %concatenate3A_33 = tpu.concatenate %get3A_27, %get3A_32 in 1 : vector<400x128xf32>, vector<400x128xf32> -> vector<400x256xf32>
    %broadcast_in_dim3A = vector.shape_cast %exp3A : vector<400x8xf32> to vector<400x8x1xf32>
    %broadcast_in_dim3A_34 = vector.shape_cast %broadcast_in_dim3A : vector<400x8x1xf32> to vector<400x8x1xf32>
    %broadcast_in_dim3A_35 = vector.broadcast %broadcast_in_dim3A_34 : vector<400x8x1xf32> to vector<400x8x32xf32>
    %reshape3A = vector.shape_cast %broadcast_in_dim3A_35 : vector<400x8x32xf32> to vector<400x256xf32>
    %mul3A_36 = arith.mulf %concatenate3A, %reshape3A : vector<400x256xf32>
    %add3A_37 = arith.addf %concatenate3A_33, %mul3A_36 : vector<400x256xf32>
    %broadcast_in_dim3A_38 = vector.shape_cast %add3A_12 : vector<400x8xf32> to vector<400x8x1xf32>
    %broadcast_in_dim3A_39 = vector.shape_cast %broadcast_in_dim3A_38 : vector<400x8x1xf32> to vector<400x8x1xf32>
    %broadcast_in_dim3A_40 = vector.broadcast %broadcast_in_dim3A_39 : vector<400x8x1xf32> to vector<400x8x32xf32>
    %reshape3A_41 = vector.shape_cast %broadcast_in_dim3A_40 : vector<400x8x32xf32> to vector<400x256xf32>
    %div3A = arith.divf %add3A_37, %reshape3A_41 : vector<400x256xf32>
    %get3A_42 = arith.constant 0 : index
    %get3A_43 = arith.constant 0 : index
    %get3A_44 = vector.load %arg7[%get3A_42, %get3A_43] : memref<1x256xf32, #tpu.memory_space<vmem>>, vector<1x256xf32>
    %add3A_45 = vector.broadcast %get3A_44 : vector<1x256xf32> to vector<400x256xf32>
    %add3A_46 = arith.addf %div3A, %add3A_45 : vector<400x256xf32>
    %get3A_47 = arith.constant 0 : index
    %get3A_48 = arith.constant 0 : index
    %get3A_49 = vector.load %arg1[%get3A_47, %get3A_48] : memref<400x256xf32, #tpu.memory_space<vmem>>, vector<400x256xf32>
    %add3A_50 = arith.addf %get3A_49, %add3A_46 : vector<400x256xf32>
    %reduce_sum3A = arith.constant dense<0.000000e+00> : vector<400xf32>
    %reduce_sum3A_51 = vector.multi_reduction <add>, %add3A_50, %reduce_sum3A [1] : vector<400x256xf32> to vector<400xf32>
    %broadcast_in_dim3A_52 = vector.shape_cast %reduce_sum3A_51 : vector<400xf32> to vector<400x1xf32>
    %div3A_53 = arith.constant 2.560000e+02 : f32
    %div3A_54 = vector.broadcast %div3A_53 : f32 to vector<400x1xf32>
    %div3A_55 = arith.divf %broadcast_in_dim3A_52, %div3A_54 : vector<400x1xf32>
    %sub3A = vector.broadcast %div3A_55 : vector<400x1xf32> to vector<400x256xf32>
    %sub3A_56 = arith.subf %add3A_50, %sub3A : vector<400x256xf32>
    %mul3A_57 = arith.mulf %sub3A_56, %sub3A_56 : vector<400x256xf32>
    %reduce_sum3A_58 = arith.constant dense<0.000000e+00> : vector<400xf32>
    %reduce_sum3A_59 = vector.multi_reduction <add>, %mul3A_57, %reduce_sum3A_58 [1] : vector<400x256xf32> to vector<400xf32>
    %broadcast_in_dim3A_60 = vector.shape_cast %reduce_sum3A_59 : vector<400xf32> to vector<400x1xf32>
    %div3A_61 = arith.constant 2.560000e+02 : f32
    %div3A_62 = vector.broadcast %div3A_61 : f32 to vector<400x1xf32>
    %div3A_63 = arith.divf %broadcast_in_dim3A_60, %div3A_62 : vector<400x1xf32>
    %add3A_64 = arith.constant 9.99999974E-6 : f32
    %add3A_65 = vector.broadcast %add3A_64 : f32 to vector<400x1xf32>
    %add3A_66 = arith.addf %div3A_63, %add3A_65 : vector<400x1xf32>
    %rsqrt3A = math.rsqrt %add3A_66 : vector<400x1xf32>
    %mul3A_67 = vector.broadcast %rsqrt3A : vector<400x1xf32> to vector<400x256xf32>
    %mul3A_68 = arith.mulf %sub3A_56, %mul3A_67 : vector<400x256xf32>
    %get3A_69 = arith.constant 0 : index
    %get3A_70 = arith.constant 0 : index
    %get3A_71 = vector.load %arg8[%get3A_69, %get3A_70] : memref<1x256xf32, #tpu.memory_space<vmem>>, vector<1x256xf32>
    %mul3A_72 = vector.broadcast %get3A_71 : vector<1x256xf32> to vector<400x256xf32>
    %mul3A_73 = arith.mulf %mul3A_68, %mul3A_72 : vector<400x256xf32>
    %get3A_74 = arith.constant 0 : index
    %get3A_75 = arith.constant 0 : index
    %get3A_76 = vector.load %arg9[%get3A_74, %get3A_75] : memref<1x256xf32, #tpu.memory_space<vmem>>, vector<1x256xf32>
    %add3A_77 = vector.broadcast %get3A_76 : vector<1x256xf32> to vector<400x256xf32>
    %add3A_78 = arith.addf %mul3A_73, %add3A_77 : vector<400x256xf32>
    %convert_element_type3A = arith.truncf %add3A_78 : vector<400x256xf32> to vector<400x256xbf16>
    %get3A_79 = arith.constant 0 : index
    %get3A_80 = arith.constant 0 : index
    %get3A_81 = vector.load %arg10[%get3A_79, %get3A_80] : memref<256x1024xf32, #tpu.memory_space<vmem>>, vector<256x1024xf32>
    %convert_element_type3A_82 = arith.truncf %get3A_81 : vector<256x1024xf32> to vector<256x1024xbf16>
    %dot_general3A = arith.constant dense<0.000000e+00> : vector<400x1024xf32>
    %dot_general3A_83 = tpu.matmul %convert_element_type3A, %convert_element_type3A_82, %dot_general3A {dimension_numbers = #tpu.dot_dimension_numbers<[1], [0], [0], [1], [0, 0, 1, 1], [], []>, transpose_lhs_hint = false} : vector<400x256xbf16>, vector<256x1024xbf16>, vector<400x1024xf32> -> vector<400x1024xf32>
    %get3A_84 = arith.constant 0 : index
    %get3A_85 = arith.constant 0 : index
    %get3A_86 = vector.load %arg11[%get3A_84, %get3A_85] : memref<1x1024xf32, #tpu.memory_space<vmem>>, vector<1x1024xf32>
    %add3A_87 = vector.broadcast %get3A_86 : vector<1x1024xf32> to vector<400x1024xf32>
    %add3A_88 = arith.addf %dot_general3A_83, %add3A_87 : vector<400x1024xf32>
    %mul3A_89 = arith.constant 5.000000e-01 : f32
    %mul3A_90 = vector.broadcast %mul3A_89 : f32 to vector<400x1024xf32>
    %mul3A_91 = arith.mulf %mul3A_90, %add3A_88 : vector<400x1024xf32>
    %mul3A_92 = arith.constant 0.707106769 : f32
    %mul3A_93 = vector.broadcast %mul3A_92 : f32 to vector<400x1024xf32>
    %mul3A_94 = arith.mulf %add3A_88, %mul3A_93 : vector<400x1024xf32>
    %erf3A = math.erf %mul3A_94 : vector<400x1024xf32>
    %add3A_95 = arith.constant 1.000000e+00 : f32
    %add3A_96 = vector.broadcast %add3A_95 : f32 to vector<400x1024xf32>
    %add3A_97 = arith.addf %add3A_96, %erf3A : vector<400x1024xf32>
    %mul3A_98 = arith.mulf %mul3A_91, %add3A_97 : vector<400x1024xf32>
    %convert_element_type3A_99 = arith.truncf %mul3A_98 : vector<400x1024xf32> to vector<400x1024xbf16>
    %get3A_100 = arith.constant 0 : index
    %get3A_101 = arith.constant 0 : index
    %get3A_102 = vector.load %arg12[%get3A_100, %get3A_101] : memref<1024x256xf32, #tpu.memory_space<vmem>>, vector<1024x256xf32>
    %convert_element_type3A_103 = arith.truncf %get3A_102 : vector<1024x256xf32> to vector<1024x256xbf16>
    %dot_general3A_104 = arith.constant dense<0.000000e+00> : vector<400x256xf32>
    %dot_general3A_105 = tpu.matmul %convert_element_type3A_99, %convert_element_type3A_103, %dot_general3A_104 {dimension_numbers = #tpu.dot_dimension_numbers<[1], [0], [0], [1], [0, 0, 1, 1], [], []>, transpose_lhs_hint = false} : vector<400x1024xbf16>, vector<1024x256xbf16>, vector<400x256xf32> -> vector<400x256xf32>
    %get3A_106 = arith.constant 0 : index
    %get3A_107 = arith.constant 0 : index
    %get3A_108 = vector.load %arg13[%get3A_106, %get3A_107] : memref<1x256xf32, #tpu.memory_space<vmem>>, vector<1x256xf32>
    %add3A_109 = vector.broadcast %get3A_108 : vector<1x256xf32> to vector<400x256xf32>
    %add3A_110 = arith.addf %dot_general3A_105, %add3A_109 : vector<400x256xf32>
    %add3A_111 = arith.addf %add3A_78, %add3A_110 : vector<400x256xf32>
    %reduce_sum3A_112 = arith.constant dense<0.000000e+00> : vector<400xf32>
    %reduce_sum3A_113 = vector.multi_reduction <add>, %add3A_111, %reduce_sum3A_112 [1] : vector<400x256xf32> to vector<400xf32>
    %broadcast_in_dim3A_114 = vector.shape_cast %reduce_sum3A_113 : vector<400xf32> to vector<400x1xf32>
    %div3A_115 = arith.constant 2.560000e+02 : f32
    %div3A_116 = vector.broadcast %div3A_115 : f32 to vector<400x1xf32>
    %div3A_117 = arith.divf %broadcast_in_dim3A_114, %div3A_116 : vector<400x1xf32>
    %sub3A_118 = vector.broadcast %div3A_117 : vector<400x1xf32> to vector<400x256xf32>
    %sub3A_119 = arith.subf %add3A_111, %sub3A_118 : vector<400x256xf32>
    %mul3A_120 = arith.mulf %sub3A_119, %sub3A_119 : vector<400x256xf32>
    %reduce_sum3A_121 = arith.constant dense<0.000000e+00> : vector<400xf32>
    %reduce_sum3A_122 = vector.multi_reduction <add>, %mul3A_120, %reduce_sum3A_121 [1] : vector<400x256xf32> to vector<400xf32>
    %broadcast_in_dim3A_123 = vector.shape_cast %reduce_sum3A_122 : vector<400xf32> to vector<400x1xf32>
    %div3A_124 = arith.constant 2.560000e+02 : f32
    %div3A_125 = vector.broadcast %div3A_124 : f32 to vector<400x1xf32>
    %div3A_126 = arith.divf %broadcast_in_dim3A_123, %div3A_125 : vector<400x1xf32>
    %add3A_127 = arith.constant 9.99999974E-6 : f32
    %add3A_128 = vector.broadcast %add3A_127 : f32 to vector<400x1xf32>
    %add3A_129 = arith.addf %div3A_126, %add3A_128 : vector<400x1xf32>
    %rsqrt3A_130 = math.rsqrt %add3A_129 : vector<400x1xf32>
    %mul3A_131 = vector.broadcast %rsqrt3A_130 : vector<400x1xf32> to vector<400x256xf32>
    %mul3A_132 = arith.mulf %sub3A_119, %mul3A_131 : vector<400x256xf32>
    %get3A_133 = arith.constant 0 : index
    %get3A_134 = arith.constant 0 : index
    %get3A_135 = vector.load %arg8[%get3A_133, %get3A_134] : memref<1x256xf32, #tpu.memory_space<vmem>>, vector<1x256xf32>
    %mul3A_136 = vector.broadcast %get3A_135 : vector<1x256xf32> to vector<400x256xf32>
    %mul3A_137 = arith.mulf %mul3A_132, %mul3A_136 : vector<400x256xf32>
    %get3A_138 = arith.constant 0 : index
    %get3A_139 = arith.constant 0 : index
    %get3A_140 = vector.load %arg9[%get3A_138, %get3A_139] : memref<1x256xf32, #tpu.memory_space<vmem>>, vector<1x256xf32>
    %add3A_141 = vector.broadcast %get3A_140 : vector<1x256xf32> to vector<400x256xf32>
    %add3A_142 = arith.addf %mul3A_137, %add3A_141 : vector<400x256xf32>
    %swap3A = arith.constant 0 : index
    %swap3A_143 = arith.constant 0 : index
    %swap3A_144 = vector.load %arg14[%swap3A, %swap3A_143] : memref<400x256xf32, #tpu.memory_space<vmem>>, vector<400x256xf32>
    tpu.vector_store %arg14[%swap3A, %swap3A_143], %add3A_142 {strides = array<i32>} : memref<400x256xf32, #tpu.memory_space<vmem>>, vector<400x256xf32>,
    return
  }
  func.func @transform_0(%arg0: i32) -> (i32, i32) {
    %c0_i32 = arith.constant 0 : i32
    %c0_i32_0 = arith.constant 0 : i32
    return %arg0, %c0_i32 : i32, i32
  }
  func.func @transform_1(%arg0: i32) -> (i32, i32, i32) {
    %c0_i32 = arith.constant 0 : i32
    %c0_i32_0 = arith.constant 0 : i32
    %c0_i32_1 = arith.constant 0 : i32
    return %c0_i32, %arg0, %c0_i32_0 : i32, i32, i32
  }
  func.func @transform_2(%arg0: i32) -> (i32, i32, i32) {
    %c0_i32 = arith.constant 0 : i32
    %c0_i32_0 = arith.constant 0 : i32
    %c0_i32_1 = arith.constant 0 : i32
    return %c0_i32, %arg0, %c0_i32_0 : i32, i32, i32
  }
  func.func @transform_3(%arg0: i32) -> (i32, i32) {
    %c0_i32 = arith.constant 0 : i32
    %c0_i32_0 = arith.constant 0 : i32
    return %arg0, %c0_i32 : i32, i32
  }
  func.func @transform_4(%arg0: i32) -> (i32, i32) {
    %c0_i32 = arith.constant 0 : i32
    %c0_i32_0 = arith.constant 0 : i32
    return %arg0, %c0_i32 : i32, i32
  }
  func.func @transform_5(%arg0: i32) -> (i32, i32) {
    %c0_i32 = arith.constant 0 : i32
    %c0_i32_0 = arith.constant 0 : i32
    return %arg0, %c0_i32 : i32, i32
  }
  func.func @transform_6(%arg0: i32) -> (i32, i32) {
    %c0_i32 = arith.constant 0 : i32
    %c0_i32_0 = arith.constant 0 : i32
    %c0_i32_1 = arith.constant 0 : i32
    return %c0_i32, %c0_i32_0 : i32, i32
  }
  func.func @transform_7(%arg0: i32) -> (i32, i32) {
    %c0_i32 = arith.constant 0 : i32
    %c0_i32_0 = arith.constant 0 : i32
    %c0_i32_1 = arith.constant 0 : i32
    return %c0_i32, %c0_i32_0 : i32, i32
  }
  func.func @transform_8(%arg0: i32) -> (i32, i32) {
    %c0_i32 = arith.constant 0 : i32
    %c0_i32_0 = arith.constant 0 : i32
    %c0_i32_1 = arith.constant 0 : i32
    return %c0_i32, %c0_i32_0 : i32, i32
  }
  func.func @transform_9(%arg0: i32) -> (i32, i32) {
    %c0_i32 = arith.constant 0 : i32
    %c0_i32_0 = arith.constant 0 : i32
    %c0_i32_1 = arith.constant 0 : i32
    return %c0_i32, %c0_i32_0 : i32, i32
  }
  func.func @transform_10(%arg0: i32) -> (i32, i32) {
    %c0_i32 = arith.constant 0 : i32
    %c0_i32_0 = arith.constant 0 : i32
    %c0_i32_1 = arith.constant 0 : i32
    return %c0_i32, %c0_i32_0 : i32, i32
  }
  func.func @transform_11(%arg0: i32) -> (i32, i32) {
    %c0_i32 = arith.constant 0 : i32
    %c0_i32_0 = arith.constant 0 : i32
    %c0_i32_1 = arith.constant 0 : i32
    return %c0_i32, %c0_i32_0 : i32, i32
  }
  func.func @transform_12(%arg0: i32) -> (i32, i32) {
    %c0_i32 = arith.constant 0 : i32
    %c0_i32_0 = arith.constant 0 : i32
    %c0_i32_1 = arith.constant 0 : i32
    return %c0_i32, %c0_i32_0 : i32, i32
  }
  func.func @transform_13(%arg0: i32) -> (i32, i32) {
    %c0_i32 = arith.constant 0 : i32
    %c0_i32_0 = arith.constant 0 : i32
    return %arg0, %c0_i32 : i32, i32
  }
}

</mosaic_0001>

<sc_bundles>
// kernel: kernel.5.cloned.1.call-start
scs
__scs_entry_jumppad:
0x0: {  	(pc) =	sbr.rel $0x88, $3  }
0x1: {  	(tag) =	ssettag $0x0;
	lr =	simm.s32 $0x1  }
0x2: {  	[smem:$0x3F95] =	sst lr;
	_ =	strace $0xD0000000  }
0x3: {  	_ = 	snop  }
0x4: {  	_ = 	snop  }
0x5: {  	_ = 	snop  }
0x6: {  	_ = 	snop  }
0x7: {  	_ = 	snop  }
__scs_overlays_trampoline_lowered:
0x8: {  	[smem:$0x3FA4] =	sst s0  }
0x9: {  	[smem:$0x3FA5] =	sst s1  }
0xa: {  	[smem:$0x3FA6] =	sst s2  }
0xb: {  	[smem:$0x3FA7] =	sst s3  }
0xc: {  	[smem:$0x3FA8] =	sst s4  }
0xd: {  	[smem:$0x3FA9] =	sst s5  }
0xe: {  	[smem:$0x3FAA] =	sst s6  }
0xf: {  	[smem:$0x3FAB] =	sst s7  }
0x10: {  	[smem:$0x3FAC] =	sst s8  }
0x11: {  	[smem:$0x3FAD] =	sst s9;
	s0 =	simm.s32 @!p0 $0x0  }
0x12: {  	s1 =	sld [smem:$0x3F93];
	s0 =	simm.s32 @p0 $0x1  }
0x13: {  	[smem:$0x3FAE] =	sst s0;
	s0 =	simm.s32 @!p1 $0x0  }
0x14: {  	s2 =	sld [smem:$0x3F92];
	s0 =	simm.s32 @p1 $0x1  }
0x15: {  	[smem:$0x3FAF] =	sst s0;
	s0 =	simm.s32 @!p2 $0x0  }
0x16: {  	s3 =	sld [smem:$0x3FDB];
	s0 =	simm.s32 @p2 $0x1  }
0x17: {  	s4 =	simm.s32 $0x1BF5;
	[smem:$0x3FB1] =	sst s0  }
0x18: {  	s0 =	sld [smem:$0x3F94];
	_ =	swait.ge [sflag:s4], $0x0  }
0x19: {  	s7 =	sld [smem:$0x3F95]  }
0x1a: {  	s8 =	sadd.s32 $0xFFFFE003, lr  }
0x1b: {  	s9 =	sadd.s32 $0xFFFFFEF7, lr;
	s5 =	simm.s32 $0xFFFFFFFF;
	p2 =	slt.u32 s8, $0xFFFFF086  }
0x1c: {  	p1 =	slt.u32 s9, $0xF7A;
	s5 =	simm.s32 @!p2 $0x0  }
0x1d: {  	s5 =	simm.s32 @p1 $0x1;
	p0 =	seq.s32 s7, s2  }
0x1e: {  	s7 =	smul.u32 @!p0 $0xF7A, s2;
	p2 =	seq.s32 @!p0 s5, $0x0  }
0x1f: {  	s9 =	smul.u32 $0xF7A, s1;
	s8 =	simm.s32 @!p0 $0x1BF5;
	p2 =	por !p2, p0  }
0x20: {  	[sflag:s8] =	ssyncset.s32 @!p0 $0xFFFFF086;
	s6 =	sadd.s32 @!p0 s3, s7;
	s7 =	simm.s32 @!p0 $0x108  }
0x21: {  	s3 =	sadd.s32 s3, s9;
	s6 =	sadd.s32 @!p0 $0x88, s6;
	s7 =	simm.s32 @p2 $0x1082  }
0x22: {  	[simem:s7], [sflag:s8] =	dma.local @!p0 [hbm:s6], $0xF7A  }
0x23: {  	s9 =	sor.u32 $0xD0000000, s2;
	s6 =	simm.s32 $0x108;
	_ =	swait.ge @!p0 [sflag:s8], $0x0  }
0x24: {  	s3 =	sadd.s32 $0x88, s3;
	s6 =	simm.s32 @!p1 $0x1082;
	[sflag:s4] =	ssyncset.s32 $0xFFFFF086  }
0x25: {  	[simem:s6], [sflag:s4] =	dma.local [hbm:s3], $0xF7A  }
0x26: {  	[smem:$0x3F95] =	sst s1;
	(tag) =	ssettag s2;
	_ =	strace s9  }
0x27: {  	s1 =	sld [smem:$0x3FA5]  }
0x28: {  	s2 =	sld [smem:$0x3FA6]  }
0x29: {  	s4 =	sld [smem:$0x3FA8]  }
0x2a: {  	p0 =	seq.s32 s5, $0x0;
	s5 =	sld [smem:$0x3FA9]  }
0x2b: {  	s6 =	sld [smem:$0x3FAA]  }
0x2c: {  	s7 =	sld [smem:$0x3FAB]  }
0x2d: {  	s3 =	simm.s32 $0x108;
	s8 =	sld [smem:$0x3FAC]  }
0x2e: {  	s3 =	simm.s32 @!p0 $0x1082;
	s9 =	sld [smem:$0x3FAD]  }
0x2f: {  	lr =	sadd.s32 s0, s3;
	s0 =	sld [smem:$0x3FA4]  }
0x30: {  	s3 =	sld [smem:$0x3FA7]  }
0x31: {  	[smem:$0x3FB0] =	sst s10  }
0x32: {  	s10 =	sld [smem:$0x3FAE];
	_ =	sdelay $0x3  }
0x33: {  	p0 =	seq.s32 s10, $0x1;
	s10 =	sld [smem:$0x3FB0];
	_ =	sdelay $0x3  }
0x34: {  	[smem:$0x3FB0] =	sst s10  }
0x35: {  	s10 =	sld [smem:$0x3FAF];
	_ =	sdelay $0x3  }
0x36: {  	p1 =	seq.s32 s10, $0x1;
	s10 =	sld [smem:$0x3FB0];
	_ =	sdelay $0x3  }
0x37: {  	[smem:$0x3FB0] =	sst s10  }
0x38: {  	s10 =	sld [smem:$0x3FB1]  }
0x39: {  	_ = 	snop;
	(pc) =	sbr.ind lr, $3  }
0x3a: {  	_ = 	snop  }
0x3b: {  	_ = 	snop  }
0x3c: {  	p2 =	seq.s32 s10, $0x1;
	s10 =	sld [smem:$0x3FB0]  }
0x3d: {  	_ =	shalt  }
0x3e: {  	_ =	shalt  }
0x3f: {  	_ =	shalt  }
0x40: {  	_ =	shalt  }
0x41: {  	_ =	shalt  }
0x42: {  	_ =	shalt  }
0x43: {  	_ =	shalt  }
0x44: {  	_ =	shalt  }
0x45: {  	_ =	shalt  }
0x46: {  	_ =	shalt  }
0x47: {  	_ =	shalt  }
0x48: {  	_ =	shalt  }
0x49: {  	_ =	shalt  }
0x4a: {  	_ =	shalt  }
0x4b: {  	_ =	shalt  }
0x4c: {  	_ =	shalt  }
0x4d: {  	_ =	shalt  }
0x4e: {  	_ =	shalt  }
0x4f: {  	_ =	shalt  }
0x50: {  	_ =	shalt  }
0x51: {  	_ =	shalt  }
0x52: {  	_ =	shalt  }
0x53: {  	_ =	shalt  }
0x54: {  	_ =	shalt  }
0x55: {  	_ =	shalt  }
0x56: {  	_ =	shalt  }
0x57: {  	_ =	shalt  }
0x58: {  	_ =	shalt  }
0x59: {  	_ =	shalt  }
0x5a: {  	_ =	shalt  }
0x5b: {  	_ =	shalt  }
0x5c: {  	_ =	shalt  }
0x5d: {  	_ =	shalt  }
0x5e: {  	_ =	shalt  }
0x5f: {  	_ =	shalt  }
0x60: {  	_ =	shalt  }
0x61: {  	_ =	shalt  }
0x62: {  	_ =	shalt  }
0x63: {  	_ =	shalt  }
0x64: {  	_ =	shalt  }
0x65: {  	_ =	shalt  }
0x66: {  	_ =	shalt  }
0x67: {  	_ =	shalt  }
0x68: {  	_ =	shalt  }
0x69: {  	_ =	shalt  }
0x6a: {  	_ =	shalt  }
0x6b: {  	_ =	shalt  }
0x6c: {  	_ =	shalt  }
0x6d: {  	_ =	shalt  }
0x6e: {  	_ =	shalt  }
0x6f: {  	_ =	shalt  }
0x70: {  	_ =	shalt  }
0x71: {  	_ =	shalt  }
0x72: {  	_ =	shalt  }
0x73: {  	_ =	shalt  }
0x74: {  	_ =	shalt  }
0x75: {  	_ =	shalt  }
0x76: {  	_ =	shalt  }
0x77: {  	_ =	shalt  }
0x78: {  	_ =	shalt  }
0x79: {  	_ =	shalt  }
0x7a: {  	_ =	shalt  }
0x7b: {  	_ =	shalt  }
0x7c: {  	_ =	shalt  }
0x7d: {  	_ =	shalt  }
0x7e: {  	_ =	shalt  }
0x7f: {  	_ =	shalt  }
0x80: {  	_ =	shalt  }
0x81: {  	_ =	shalt  }
0x82: {  	_ =	shalt  }
0x83: {  	_ =	shalt  }
0x84: {  	_ =	shalt  }
0x85: {  	_ =	shalt  }
0x86: {  	_ =	shalt  }
0x87: {  	_ =	shalt  }
.Lfunc_end0:
.L_simem_size_0:
called_computation_lowered:
.L_overlay_start_0:
0x88: {  	s2 =	sld [smem:$0x3FD9]  }
0x89: {  	s3 =	sld [smem:$0x3FFE];
	_ =	sdelay $0x1  }
0x8a: {  	s1 =	srdreg.scid  }
0x8b: {  	s0 =	sand.u32 $0x1, s1  }
0x8c: {  	s17 =	sshll.u32 s0, $0xA;
	s2 =	sadd.s32 s3, s2  }
0x8d: {  	s2 =	sadd.s32 s2, s17  }
0x8e: {  	[smem:$0x3FBC] =	sst s2  }
0x8f: {  	_ = 	snop  }
0x90: {  	s2 =	sld [smem:$0x3FD0];
	(tm) =	ssettm $0x1  }
0x91: {  	s18 =	sld [smem:$0x3FFB];
	_ =	sdelay $0x3  }
0x92: {  	_ =	strace s18  }
0x93: {  	s3 =	sld [smem:$0x3FFC];
	_ =	sdelay $0x3  }
0x94: {  	_ =	strace s3  }
0x95: {  	s3 =	sld [smem:$0x3FFD];
	_ =	sdelay $0x3  }
0x96: {  	_ =	strace s3  }
0x97: {  	_ =	strace $0x8FFFFFFF  }
0x98: {  	s19 =	sld [smem:$0x3FDB];
	_ =	sdelay $0x1  }
0x99: {  	s4 =	simm.s32 $_scs_section_size  }
0x9a: {  	s5 =	simm.s32 $_size__tile_overlayer_lowered;
	s6 =	simm.s32 $_tile_overlayer_lowered  }
0x9b: {  	s22 =	simm.s32 $0x1BFF;
	s21 =	sshll.u32 s6, $0x1;
	s3 =	sadd.s32 s4, s19  }
0x9c: {  	s7 =	simm.s32 $0x0;
	s20 =	sshll.u32 s5, $0x1;
	s5 =	sadd.s32 s21, s3  }
0x9d: {  	[timem:s7], [sflag:s22] =	dma.local [hbm:s5], s20  }
0x9e: {  	_ =	swait.ge [sflag:s22], s20  }
0x9f: {  	s4 =	ssub.s32 $0x0, s20;
	[sflag:s22] =	ssyncset.done $0x0  }
0xa0: {  	[sflag:s22] =	ssyncadd.s32 s4;
	_ =	sdelay $0x1  }
0xa1: {  	s23 =	simm.s32 $0x1B8B  }
0xa2: {  	_ =	swait.ge [sflag:s23], $0x1  }
0xa3: {  	[sflag:s23] =	ssyncset.done $0x0  }
0xa4: {  	s25 =	simm.s32 $0x1B8E;
	s24 =	sld [smem:$0x3FFE];
	[sflag:s23] =	ssyncadd.s32 $0xFFFFFFFF  }
0xa5: {  	s26 =	simm.s32 $execute0_lowered;
	[smem:$0x3FD2] =	sst s25  }
0xa6: {  	s5 =	sshll.u32 s26, $0x1;
	_ =	strace $0x80000046;
	[dreg:$0x1] =	wrdreg $0xFFFFFFFF  }
0xa7: {  	s28 =	simm.s32 $_size_execute0_lowered;
	s3 =	sadd.s32 s3, s5;
	[dreg:$0x0] =	wrdreg $0x0  }
0xa8: {  	s5 =	sshll.u32 s28, $0x1;
	[dreg:$0x2] =	wrdreg s3  }
0xa9: {  	[dreg:$0x3] =	wrdreg s5  }
0xaa: {  	[dreg:$0x4] =	wrdreg $0xC0  }
0xab: {  	_ =	task [dreg:s7], $0x5FFFF  }
0xac: {  	[dreg:$0x1] =	wrdreg $0xFFFFFFFF  }
0xad: {  	[dreg:$0x0] =	wrdreg $0x60  }
0xae: {  	[dreg:$0x2] =	wrdreg s2  }
0xaf: {  	[dreg:$0x3] =	wrdreg s24  }
0xb0: {  	[dreg:$0x4] =	wrdreg $0x87C00  }
0xb1: {  	[dreg:$0x5] =	wrdreg $0x1C0C00  }
0xb2: {  	[dreg:$0x6] =	wrdreg $0x9  }
0xb3: {  	_ =	task.clear_ibuf [dreg:s7], $0x7FFFF;
	_ =	strace $0x90000046  }
0xb4: {  	s29 =	simm.s32 $0x9;
	_ =	strace $0x80000048  }
0xb5: {  	_ =	swait.ge [sflag:s29], $0x1  }
0xb6: {  	[sflag:s29] =	ssyncadd.s32 $0xFFFFFFFF  }
0xb7: {  	_ =	strace $0x90000048  }
0xb8: {  	_ =	sfence  }
0xb9: {  	s30 =	sld [smem:$0x0];
	_ =	sdelay $0x2  }
0xba: {  	s31 =	sshll.u32 s1, $0xD;
	s1 =	sshrl.u32 s1, $0x2  }
0xbb: {  	s3 =	sand.u32 $0x4000, s31;
	s1 =	sadd.s32 s1, s30  }
0xbc: {  	s0 =	sor.u32 s3, s0;
	s1 =	sshll.u32 s1, $0x11  }
0xbd: {  	s0 =	sor.u32 s1, s0  }
0xbe: {  	s0 =	sadd.s32 $0x8F2B, s0  }
0xbf: {  	[sflag:s0] =	ssyncadd.remote.s32 $0x1  }
0xc0: {  	_ =	sfence.sel $0xFFFF  }
0xc1: {  	[dreg:$0x0] =	wrdreg $0xFFFFFFFF;
	(pc) =	sbr.abs _section_cstart, $3  }
0xc2: {  	[dreg:$0x1] =	wrdreg $0xFFFFFFFF  }
0xc3: {  	_ =	task.clear_ibuf [dreg:s7], $0x2FFFF;
	_ =	strace $0x9FFFFFFF  }
0xc4: {  	(tm) =	ssettm $0x7FFFFFFF  }
0xc5: {  	_ =	shalt  }
tec
execute0_lowered:
.L_overlay_start_1:
0x0: {  	(tag) =	ssettag $0x1  }
0x1: {  	s0 =	rddreg [dreg:$0x0]  }
0x2: {  	s1 =	rddreg [dreg:$0x1];
	s19 =	stileid.u32  }
0x3: {  	s3 =	rddreg [dreg:$0x2];
	s11 =	smul.u32 $0x13880, s19  }
0x4: {  	s2 =	srdreg.scid;
	s12 =	smul.u32 $0x139, s19  }
0x5: {  	s4 =	rddreg [dreg:$0x3];
	s13 =	smul.u32 $0x2880, s19  }
0x6: {  	s5 =	simm.s32 $0x0;
	s2 =	sand.u32 $0x1, s2;
	s16 =	smul.u32 $0x4E400, s19  }
0x7: {  	[smem:$0x7FF] =	sst s5;
	s6 =	sadd.s32 $0x59000, s1;
	s18 =	smul.u32 $0x5040, s19  }
0x8: {  	s7 =	sadd.s32 $0x4F000, s1;
	s8 =	sadd.s32 $0x54000, s1;
	s10 =	smul.u32 $0x138800, s2  }
0x9: {  	s9 =	sadd.s32 $0xE00, s1;
	s21 =	smul.u32 $0x1390, s2;
	s20 =	ssub.s32 $0x2, s2  }
0xa: {  	_ =	strace $0x80000047;
	p0 =	sne.s32 s2, $0x0;
	s14 =	sshrl.u32 s20, $0x1  }
0xb: {  	s15 =	sshrl.u32 s13, $0x3;
	s16 =	sshrl.u32 s16, $0x2;
	s28 =	sadd.s32 $0x120, s13  }
0xc: {  	s10 =	sadd.s32 s11, s10;
	s12 =	sadd.s32 s12, s21;
	s17 =	sadd.s32 s0, s15  }
0xd: {  	s22 =	sor.u32 $0xC, s15;
	s15 =	sadd.s32 s6, s15;
	[dreg:$0xc] =	wrdreg s28  }
0xe: {  	s10 =	sshrl.u32 s10, $0x3;
	s12 =	sshll.u32 s12, $0x1;
	[dreg:$0x5] =	wrdreg s17  }
0xf: {  	[dreg:$0x6] =	wrdreg s15;
	s0 =	sadd.s32 s0, s22;
	s23 =	sadd.s32 s6, s22  }
0x10: {  	s17 =	sadd.s32 $0xC0, s13;
	s13 =	sadd.s32 s11, s3;
	s10 =	sadd.s32 s10, s1  }
0x11: {  	s1 =	sadd.s32 s12, s1;
	s12 =	ssub.s32 s20, s14;
	[dreg:$0x7] =	wrdreg s0  }
0x12: {  	s14 =	smul.u32 $0x2710, s2;
	[dreg:$0x9] =	wrdreg s23;
	s2 =	sshrl.u32 s13, $0x3  }
0x13: {  	s25 =	sshrl.u32 s18, $0x2;
	s0 =	sadd.s32 s16, s3;
	[dreg:$0x10] =	wrdreg s2  }
0x14: {  	s30 =	simm.s32 $0x57C0;
	s16 =	sadd.s32 s25, s4;
	[dreg:$0x8] =	wrdreg s0  }
0x15: {  	s31 =	simm.s32 $0x5;
	s24 =	sadd.s32 $0x3000, s0;
	[dreg:$0xb] =	wrdreg s16  }
0x16: {  	s26 =	smul.u32 $0x4E40, s19;
	s10 =	sadd.s32 $0x63200, s10;
	[dreg:$0xa] =	wrdreg s24  }
0x17: {  	s29 =	simm.s32 $0xA;
	s1 =	sadd.s32 $0x5E200, s1;
	[dreg:$0xd] =	wrdreg s10  }
0x18: {  	s18 =	sshrl.u32 s26, $0x2;
	s19 =	smax.u32 s12, $0x1;
	[dreg:$0xe] =	wrdreg s1  }
0x19: {  	s11 =	simm.s32 $0x120;
	s20 =	sadd.s32 $0x6000, s0;
	[dreg:$0xf] =	wrdreg s19  }
0x1a: {  	s13 =	simm.s32 $0x9;
	s22 =	sadd.s32 $0x9000, s0;
	[dreg:$0x12] =	wrdreg s20  }
0x1b: {  	s23 =	sadd.s32 $0xC000, s0;
	s25 =	sadd.s32 $0x600, s16;
	[dreg:$0x13] =	wrdreg s22  }
0x1c: {  	s26 =	sadd.s32 $0xC00, s16;
	s28 =	sadd.s32 $0x1200, s16;
	[dreg:$0x14] =	wrdreg s23  }
0x1d: {  	s12 =	simm.s32 $0x27C0;
	s2 =	simm.s32 $0x6;
	[dreg:$0x17] =	wrdreg s25  }
0x1e: {  	s1 =	sadd.s32 s18, s4;
	s24 =	sadd.s32 $0xF000, s0;
	[dreg:$0x18] =	wrdreg s26  }
0x1f: {  	s0 =	sadd.s32 $0x12000, s0;
	[dreg:$0x19] =	wrdreg s28;
	s10 =	simm.s32 $0x60  }
.Ltmp0:
0x20: {  	s26 =	simm.s32 $0xF;
	s19 =	simm.s32 $0x1;
	(pc) =	sbr.rel .LBB2_1-.Ltmp0, $4  }
0x21: {  	s20 =	simm.s32 $0x3;
	s25 =	simm.s32 $0x4;
	s22 =	simm.s32 $0xB  }
0x22: {  	s23 =	simm.s32 $0xD;
	s18 =	simm.s32 $0x8;
	[dreg:$0x15] =	wrdreg s24  }
0x23: {  	v0 =	vmov s14;
	s14 =	simm.s32 $0x0;
	s1 =	sshrl.u32 s1, $0x3;
	[dreg:$0x16] =	wrdreg s0  }
0x24: {  	v2 =	vimm.f32 $0.0e+00;
	v1 =	vmov s21;
	s24 =	simm.s32 $0x2;
	[dreg:$0x11] =	wrdreg s1;
	s1 =	simm.s32 $0x7  }
.LBB2_26:
0x25: {  	s0 =	simm.s32 $0xC  }
0x26: {  	_ =	swait.ge [sflag:s0], $0x600  }
0x27: {  	[sflag:s0] =	ssyncset.done $0x0  }
0x28: {  	s28 =	simm.s32 $0xE;
	[sflag:s0] =	ssyncadd.s32 $0xFFFFFA00  }
0x29: {  	_ =	swait.ge [sflag:s28], $0x3000  }
0x2a: {  	[sflag:s28] =	ssyncset.done $0x0  }
0x2b: {  	[sflag:s28] =	ssyncadd.s32 $0xFFFFD000  }
0x2c: {  	s14 =	stileid.u32;
	[bflag:$0x0] =	sbarrier.arrive $0xFFFF  }
0x2d: {  	s0 =	sshll.u32 s14, $0x6;
	s14 =	rddreg [dreg:$0xd]  }
0x2e: {  	s26 =	simm.s32 $0xF;
	s0 =	sor.u32 $0x1C0F, s0;
	s15 =	rddreg [dreg:$0x10]  }
0x2f: {  	[hbm:s14], [sflag:s0] =	dma.local [spmem:s15], $0x2710  }
0x30: {  	_ =	swait.ge [sflag:s26], $0x2710  }
0x31: {  	[sflag:s26] =	ssyncset.done $0x0;
	s15 =	rddreg [dreg:$0xe]  }
0x32: {  	s16 =	rddreg [dreg:$0x11];
	[sflag:s26] =	ssyncadd.s32 $0xFFFFD8F0  }
0x33: {  	[hbm:s15], [sflag:s0] =	dma.local [spmem:s16], $0x272  }
0x34: {  	_ =	swait.ge [sflag:s26], $0x272  }
0x35: {  	s21 =	rddreg [dreg:$0x1a]  }
0x36: {  	s28 =	rddreg [dreg:$0xf];
	s14 =	sadd.s32 $0x1, s21  }
0x37: {  	p1 =	sne.s32 s14, s28  }
.Ltmp1:
0x38: {  	_ = 	snop;
	(pc) =	sbr.rel @!p1 .LBB2_27-.Ltmp1, $3  }
0x39: {  	_ =	sdelay $0x1  }
0x3a: {  	[sflag:s26] =	ssyncset.done $0x0  }
0x3b: {  	[sflag:s26] =	ssyncadd.s32 $0xFFFFFD8E  }
.LBB2_1:
0x3c: {  	s0 =	rddreg [dreg:$0x5]  }
0x3d: {  	[tilespmem:s5], [sflag:$0x1] =	stream.linear.gather [hbm4b:s0+s5], $0x60, $0x38;
	[tilespmem:$0x1D4D0] =	vst v63  }
0x3e: {  	s15 =	rddreg [dreg:$0x6];
	s16 =	simm.s32 $0xC0  }
0x3f: {  	[tilespmem:s16], [sflag:$0x3] =	stream.linear.gather [hbm4b:s15+s5], $0x60, $0x38;
	[tilespmem:$0x1D4D0] =	vst v63  }
0x40: {  	s21 =	rddreg [dreg:$0x7]  }
0x41: {  	[tilespmem:s10], [sflag:$0x2] =	stream.linear.gather [hbm4b:s21+s5], $0x60, $0x38;
	[tilespmem:$0x1D4D0] =	vst v63  }
0x42: {  	s28 =	rddreg [dreg:$0x9];
	s15 =	simm.s32 $0x2800  }
0x43: {  	[tilespmem:s11], [sflag:$0x4] =	stream.linear.gather [hbm4b:s28+s5], $0x60, $0x38;
	[tilespmem:$0x1D4D0] =	vst v63  }
0x44: {  	[tilespmem:s15+$0xFFFFFFD0] =	vst v2  }
0x45: {  	[tilespmem:s15+$0xFFFFFFE0] =	vst v2  }
0x46: {  	[tilespmem:s15+$0xFFFFFFF0] =	vst v2  }
0x47: {  	[tilespmem:s15+$0x0] =	vst v2  }
0x48: {  	[tilespmem:s15+$0x10] =	vst v2  }
0x49: {  	[tilespmem:s15+$0x20] =	vst v2  }
0x4a: {  	[tilespmem:s15+$0x30] =	vst v2  }
0x4b: {  	[dreg:$0x1a] =	wrdreg s14;
	s14 =	simm.s32 $0x40;
	s16 =	simm.s32 $0x0;
	[tilespmem:s15+$0xFFFFFFC0] =	vst v2  }
.LBB2_2:
0x4c: {  	p1 =	sne.s32 s14, $0x17C0;
	[tilespmem:s16+$0x1BC0] =	vst v2;
	s15 =	sadd.s32 $0x80, s15  }
0x4d: {  	[tilespmem:s15+$0xFFFFFFD0] =	vst v2  }
0x4e: {  	[tilespmem:s15+$0xFFFFFFE0] =	vst v2  }
0x4f: {  	[tilespmem:s15+$0xFFFFFFF0] =	vst v2  }
.Ltmp2:
0x50: {  	[tilespmem:s15+$0x0] =	vst v2;
	(pc) =	sbr.rel @p1 .LBB2_2-.Ltmp2, $4  }
0x51: {  	[tilespmem:s15+$0x10] =	vst v2  }
0x52: {  	[tilespmem:s15+$0x20] =	vst v2  }
0x53: {  	[tilespmem:s15+$0x30] =	vst v2  }
0x54: {  	s16 =	sshra.s32 s14, $0x2;
	s14 =	sadd.s32 $0x40, s14;
	[tilespmem:s15+$0xFFFFFFC0] =	vst v2  }
0x55: {  	[tilespmem:s16+$0x1BC0] =	vst v2;
	s0 =	rddreg [dreg:$0x8]  }
0x56: {  	[spmem:s0] =	stream.linear.scatter [tilespmem:s12], [sflag:$0xF], $0x3000, $0x38;
	[tilespmem:$0x1D4D0] =	vst v63  }
0x57: {  	_ =	swait.ge [sflag:s26], $0x3000  }
0x58: {  	[sflag:s26] =	ssyncset.done $0x0  }
0x59: {  	s14 =	rddreg [dreg:$0xa];
	[sflag:s26] =	ssyncadd.s32 $0xFFFFD000  }
0x5a: {  	[spmem:s14] =	stream.linear.scatter [tilespmem:s12], [sflag:$0xF], $0x3000, $0x38;
	[tilespmem:$0x1D4D0] =	vst v63  }
0x5b: {  	_ =	swait.ge [sflag:s26], $0x3000  }
0x5c: {  	[sflag:s26] =	ssyncset.done $0x0  }
0x5d: {  	s15 =	rddreg [dreg:$0x12];
	[sflag:s26] =	ssyncadd.s32 $0xFFFFD000  }
0x5e: {  	[spmem:s15] =	stream.linear.scatter [tilespmem:s12], [sflag:$0xF], $0x3000, $0x38;
	[tilespmem:$0x1D4D0] =	vst v63  }
0x5f: {  	_ =	swait.ge [sflag:s26], $0x3000  }
0x60: {  	[sflag:s26] =	ssyncset.done $0x0  }
0x61: {  	s16 =	rddreg [dreg:$0x13];
	[sflag:s26] =	ssyncadd.s32 $0xFFFFD000  }
0x62: {  	[spmem:s16] =	stream.linear.scatter [tilespmem:s12], [sflag:$0xF], $0x3000, $0x38;
	[tilespmem:$0x1D4D0] =	vst v63  }
0x63: {  	_ =	swait.ge [sflag:s26], $0x3000  }
0x64: {  	[sflag:s26] =	ssyncset.done $0x0  }
0x65: {  	s21 =	rddreg [dreg:$0x14];
	[sflag:s26] =	ssyncadd.s32 $0xFFFFD000  }
0x66: {  	[spmem:s21] =	stream.linear.scatter [tilespmem:s12], [sflag:$0xF], $0x3000, $0x38;
	[tilespmem:$0x1D4D0] =	vst v63  }
0x67: {  	_ =	swait.ge [sflag:s26], $0x3000  }
0x68: {  	[sflag:s26] =	ssyncset.done $0x0  }
0x69: {  	s28 =	rddreg [dreg:$0x15];
	[sflag:s26] =	ssyncadd.s32 $0xFFFFD000  }
0x6a: {  	[spmem:s28] =	stream.linear.scatter [tilespmem:s12], [sflag:$0xF], $0x3000, $0x38;
	[tilespmem:$0x1D4D0] =	vst v63  }
0x6b: {  	_ =	swait.ge [sflag:s26], $0x3000  }
0x6c: {  	[sflag:s26] =	ssyncset.done $0x0  }
0x6d: {  	s14 =	rddreg [dreg:$0x16];
	[sflag:s26] =	ssyncadd.s32 $0xFFFFD000  }
0x6e: {  	[spmem:s14] =	stream.linear.scatter [tilespmem:s12], [sflag:$0xF], $0x1900, $0x38;
	[tilespmem:$0x1D4D0] =	vst v63  }
0x6f: {  	_ =	swait.ge [sflag:s26], $0x1900  }
0x70: {  	[sflag:s26] =	ssyncset.done $0x0  }
0x71: {  	s14 =	simm.s32 $0x1BC0;
	s15 =	rddreg [dreg:$0xb];
	[sflag:s26] =	ssyncadd.s32 $0xFFFFE700  }
0x72: {  	[spmem:s15] =	stream.linear.scatter [tilespmem:s14], [sflag:$0xF], $0x600, $0x38;
	[tilespmem:$0x1D4D0] =	vst v63  }
0x73: {  	_ =	swait.ge [sflag:s26], $0x600  }
0x74: {  	[sflag:s26] =	ssyncset.done $0x0  }
0x75: {  	s16 =	rddreg [dreg:$0x17];
	[sflag:s26] =	ssyncadd.s32 $0xFFFFFA00  }
0x76: {  	[spmem:s16] =	stream.linear.scatter [tilespmem:s14], [sflag:$0xF], $0x600, $0x38;
	[tilespmem:$0x1D4D0] =	vst v63  }
0x77: {  	_ =	swait.ge [sflag:s26], $0x600  }
0x78: {  	[sflag:s26] =	ssyncset.done $0x0  }
0x79: {  	s21 =	rddreg [dreg:$0x18];
	[sflag:s26] =	ssyncadd.s32 $0xFFFFFA00  }
0x7a: {  	[spmem:s21] =	stream.linear.scatter [tilespmem:s14], [sflag:$0xF], $0x600, $0x38;
	[tilespmem:$0x1D4D0] =	vst v63  }
0x7b: {  	_ =	swait.ge [sflag:s26], $0x600  }
0x7c: {  	[sflag:s26] =	ssyncset.done $0x0  }
0x7d: {  	s28 =	rddreg [dreg:$0x19];
	[sflag:s26] =	ssyncadd.s32 $0xFFFFFA00  }
0x7e: {  	[spmem:s28] =	stream.linear.scatter [tilespmem:s14], [sflag:$0xF], $0x210, $0x38;
	[tilespmem:$0x1D4D0] =	vst v63  }
0x7f: {  	_ =	swait.ge [sflag:s26], $0x210  }
0x80: {  	[sflag:s26] =	ssyncset.done $0x0  }
0x81: {  	[sflag:s26] =	ssyncadd.s32 $0xFFFFFDF0  }
0x82: {  	[bflag:$0x0] =	sbarrier.arrive $0xFFFF  }
0x83: {  	_ =	swait.ge [sflag:s19], $0x60  }
0x84: {  	[sflag:s19] =	ssyncset.done $0x0  }
0x85: {  	[sflag:s19] =	ssyncadd.s32 $0xFFFFFFA0  }
0x86: {  	_ =	swait.ge [sflag:s20], $0x60  }
0x87: {  	[sflag:s20] =	ssyncset.done $0x0  }
0x88: {  	[sflag:s20] =	ssyncadd.s32 $0xFFFFFFA0  }
0x89: {  	v3 =	vld [tilespmem:$0x0]  }
0x8a: {  	v4 =	vld [tilespmem:$0xC0]  }
0x8b: {  	v5 =	vld [tilespmem:$0xC0]  }
0x8c: {  	v8 =	vld [tilespmem:$0xD0]  }
0x8d: {  	v54 =	vld [tilespmem:$0xF0]  }
0x8e: {  	v58 =	vld [tilespmem:$0x100]  }
0x8f: {  	v62 =	vld [tilespmem:$0x110]  }
0x90: {  	v6 =	vld [tilespmem:$0x10];
	[tilespmem:$0x240] =	vst v5  }
0x91: {  	v7 =	vld [tilespmem:$0xD0];
	[tilespmem:$0x250] =	vst v8  }
0x92: {  	v9 =	vld [tilespmem:$0x20];
	[tilespmem:$0x270] =	vst v54  }
0x93: {  	v48 =	vld [tilespmem:$0xE0];
	[tilespmem:$0x280] =	vst v58  }
0x94: {  	v51 =	vld [tilespmem:$0x30];
	v3 =	vadd.s32 v0, v3;
	v4 =	vsub.s32 v4, v1;
	[tilespmem:$0x290] =	vst v62  }
0x95: {  	v53 =	vld [tilespmem:$0xF0];
	[tilespmem:$0x300] =	vst v3;
	v3 =	vmin.u32 v4, $0x1390  }
0x96: {  	v49 =	vadd.s32 v0, v6;
	[tilespmem:$0x180] =	vst v3;
	v3 =	vld [tilespmem:$0xE0]  }
0x97: {  	v56 =	vld [tilespmem:$0x40];
	v50 =	vsub.s32 v7, v1;
	v55 =	vadd.s32 v0, v9;
	[tilespmem:$0x310] =	vst v49  }
0x98: {  	v57 =	vld [tilespmem:$0x100];
	v52 =	vmin.u32 v50, $0x1390;
	v4 =	vsub.s32 v48, v1;
	[tilespmem:$0x320] =	vst v55  }
0x99: {  	v59 =	vld [tilespmem:$0x50];
	[tilespmem:$0x190] =	vst v52;
	v4 =	vmin.u32 v4, $0x1390  }
0x9a: {  	v60 =	vld [tilespmem:$0x110];
	[tilespmem:$0x1A0] =	vst v4  }
0x9b: {  	v6 =	vsub.s32 v53, v1;
	[tilespmem:$0x260] =	vst v3;
	v3 =	vadd.s32 v0, v51  }
0x9c: {  	[tilespmem:$0x330] =	vst v3;
	v3 =	vmin.u32 v6, $0x1390  }
0x9d: {  	v61 =	vsub.s32 v57, v1;
	[tilespmem:$0x1B0] =	vst v3;
	v3 =	vadd.s32 v0, v56  }
0x9e: {  	[tilespmem:$0x340] =	vst v3;
	v3 =	vmin.u32 v61, $0x1390  }
0x9f: {  	v63 =	vsub.s32 v60, v1;
	[tilespmem:$0x1C0] =	vst v3;
	v3 =	vadd.s32 v0, v59  }
0xa0: {  	[tilespmem:$0x350] =	vst v3;
	v3 =	vmin.u32 v63, $0x1390  }
0xa1: {  	s15 =	simm.s32 $0x3C0;
	s21 =	simm.s32 $0x0;
	[tilespmem:$0x1D0] =	vst v3  }
0xa2: {  	[tilespmem:s15], [sflag:$0x5] =	stream.indirect.gather [hbm4b:s7+s10], $0x10, s21, s10, $0xb8;
	[tilespmem:$0x1D4D0] =	vst v63  }
.Ltmp3:
0xa3: {  	_ = 	snop;
	(pc) =	sbr.rel .LBB2_4-.Ltmp3, $4  }
0xa4: {  	s16 =	simm.s32 $0xC0;
	s26 =	simm.s32 $0xFC0  }
0xa5: {  	[tilespmem:s26], [sflag:$0x7] =	stream.indirect.gather [hbm4b:s8+s10], $0x10, s16, s10, $0xb8;
	[tilespmem:$0x1D4D0] =	vst v63  }
0xa6: {  	s28 =	simm.s32 $0x300  }
0xa7: {  	[tilespmem:s12], [sflag:$0x9] =	stream.indirect.gather [hbm4b:s9+s10], $0x80, s28, s10, $0xb8;
	[tilespmem:$0x1D4D0] =	vst v63  }
.LBB2_25:
0xa8: {  	s21 =	sadd.s32 $0x1, s21  }
0xa9: {  	p1 =	sne.s32 s21, $0x36  }
.Ltmp4:
0xaa: {  	_ = 	snop;
	(pc) =	sbr.rel @!p1 .LBB2_26-.Ltmp4, $3  }
0xab: {  	_ =	sdelay $0x1  }
0xac: {  	s0 =	simm.s32 $0x2A0  }
0xad: {  	[spmem:s3] =	stream.indirect.scatter.add.f32 [tilespmem:s30], [sflag:$0xE], $0x80, s0, s10, $0xb8;
	[tilespmem:$0x1D4D0] =	vst v63  }
.LBB2_4:
0xae: {  	p1 =	seq.s32 s21, $0x0  }
0xaf: {  	s14 =	simm.s32 @!p1 $0xC  }
0xb0: {  	_ =	swait.ge @!p1 [sflag:s14], $0x600  }
0xb1: {  	[sflag:s14] =	ssyncset.done @!p1 $0x0  }
0xb2: {  	[sflag:s14] =	ssyncadd.s32 @!p1 $0xFFFFFA00;
	s14 =	simm.s32 @!p1 $0xE  }
0xb3: {  	_ =	swait.ge @!p1 [sflag:s14], $0x3000  }
0xb4: {  	[sflag:s14] =	ssyncset.done @!p1 $0x0  }
0xb5: {  	[sflag:s14] =	ssyncadd.s32 @!p1 $0xFFFFD000  }
0xb6: {  	_ =	swait.ge [sflag:s24], $0x60  }
0xb7: {  	[sflag:s24] =	ssyncset.done $0x0  }
0xb8: {  	[sflag:s24] =	ssyncadd.s32 $0xFFFFFFA0  }
0xb9: {  	_ =	swait.ge [sflag:s25], $0x60  }
0xba: {  	[sflag:s25] =	ssyncset.done $0x0  }
0xbb: {  	[sflag:s25] =	ssyncadd.s32 $0xFFFFFFA0  }
0xbc: {  	v3 =	vld [tilespmem:$0x60]  }
0xbd: {  	v4 =	vld [tilespmem:$0x120]  }
0xbe: {  	v5 =	vld [tilespmem:$0x120]  }
0xbf: {  	v6 =	vld [tilespmem:$0x70]  }
0xc0: {  	v7 =	vld [tilespmem:$0x130];
	_ =	sdelay $0x2  }
0xc1: {  	v8 =	vld [tilespmem:$0x130]  }
0xc2: {  	v9 =	vld [tilespmem:$0x80];
	v3 =	vadd.s32 v0, v3  }
0xc3: {  	v4 =	vsub.s32 v4, v1;
	[tilespmem:$0x2A0] =	vst v5;
	v5 =	vadd.s32 v0, v6;
	v6 =	vsub.s32 v7, v1;
	v7 =	vld [tilespmem:$0x90]  }
0xc4: {  	[tilespmem:$0x360] =	vst v3;
	v3 =	vmin.u32 v4, $0x1390;
	v4 =	vld [tilespmem:$0x140]  }
0xc5: {  	[tilespmem:$0x1E0] =	vst v3;
	v3 =	vld [tilespmem:$0x140]  }
0xc6: {  	[tilespmem:$0x370] =	vst v5;
	v5 =	vmin.u32 v6, $0x1390;
	v6 =	vld [tilespmem:$0x150]  }
0xc7: {  	v63 =	vld [tilespmem:$0xA0];
	[tilespmem:$0x2B0] =	vst v8  }
0xc8: {  	v8 =	vadd.s32 v0, v9;
	[tilespmem:$0x1F0] =	vst v5;
	v5 =	vld [tilespmem:$0x150]  }
0xc9: {  	[tilespmem:$0x380] =	vst v8;
	v8 =	vld [tilespmem:$0x160];
	v4 =	vsub.s32 v4, v1  }
0xca: {  	v4 =	vmin.u32 v4, $0x1390;
	[tilespmem:$0x2C0] =	vst v3;
	v3 =	vadd.s32 v0, v7;
	v7 =	vld [tilespmem:$0xB0]  }
0xcb: {  	v6 =	vsub.s32 v6, v1;
	[tilespmem:$0x200] =	vst v4;
	v4 =	vld [tilespmem:$0x160]  }
0xcc: {  	[tilespmem:$0x390] =	vst v3;
	v3 =	vmin.u32 v6, $0x1390;
	v6 =	vld [tilespmem:$0x170]  }
0xcd: {  	[tilespmem:$0x2D0] =	vst v5  }
0xce: {  	v5 =	vsub.s32 v8, v1;
	[tilespmem:$0x210] =	vst v3;
	v3 =	vadd.s32 v0, v63  }
0xcf: {  	[tilespmem:$0x3A0] =	vst v3;
	v3 =	vmin.u32 v5, $0x1390;
	v5 =	vld [tilespmem:$0x170]  }
0xd0: {  	[tilespmem:$0x220] =	vst v3  }
0xd1: {  	v3 =	vadd.s32 v0, v7;
	[tilespmem:$0x2E0] =	vst v4;
	v4 =	vsub.s32 v6, v1  }
0xd2: {  	[tilespmem:$0x3B0] =	vst v3;
	v3 =	vmin.u32 v4, $0x1390  }
0xd3: {  	[tilespmem:$0x230] =	vst v3  }
0xd4: {  	s0 =	simm.s32 $0x9C0;
	[tilespmem:$0x2F0] =	vst v5  }
0xd5: {  	[tilespmem:s0], [sflag:$0x6] =	stream.indirect.gather [hbm4b:s7+s10], $0x10, s10, s10, $0xb8;
	[tilespmem:$0x1D4D0] =	vst v63  }
0xd6: {  	s16 =	simm.s32 $0x15C0  }
0xd7: {  	[tilespmem:s16], [sflag:$0x8] =	stream.indirect.gather [hbm4b:s8+s10], $0x10, s11, s10, $0xb8;
	[tilespmem:$0x1D4D0] =	vst v63  }
0xd8: {  	s26 =	simm.s32 $0x360  }
0xd9: {  	[tilespmem:s30], [sflag:$0xA] =	stream.indirect.gather [hbm4b:s9+s10], $0x80, s26, s10, $0xb8;
	[tilespmem:$0x1D4D0] =	vst v63  }
0xda: {  	_ =	swait.ge [sflag:s31], $0x600  }
0xdb: {  	[sflag:s31] =	ssyncset.done $0x0  }
0xdc: {  	p1 =	seq.s32 s21, $0x35;
	[sflag:s31] =	ssyncadd.s32 $0xFFFFFA00  }
0xdd: {  	s14 =	smul.u32 @!p1 $0xC0, s21;
	_ =	swait.ge [sflag:s1], $0x600  }
0xde: {  	[sflag:s1] =	ssyncset.done $0x0  }
0xdf: {  	s14 =	sadd.s32 @!p1 s14, s17;
	[sflag:s1] =	ssyncadd.s32 $0xFFFFFA00  }
0xe0: {  	s14 =	sshrl.u32 @!p1 s14, $0x3;
	s0 =	rddreg [dreg:$0x0]  }
0xe1: {  	s16 =	simm.s32 @!p1 $0x0;
	s15 =	sadd.s32 @!p1 s0, s14  }
0xe2: {  	[tilespmem:s16], [sflag:$0x1] =	stream.linear.gather @!p1 [hbm4b:s15+s16], $0x60, $0x38;
	[tilespmem:$0x1D4D0] =	vst v63  }
0xe3: {  	s26 =	simm.s32 $0x0;
	s14 =	sadd.s32 @!p1 s6, s14;
	s15 =	simm.s32 @!p1 $0xC0  }
0xe4: {  	[tilespmem:s15], [sflag:$0x3] =	stream.linear.gather @!p1 [hbm4b:s14+s16], $0x60, $0x38;
	[tilespmem:$0x1D4D0] =	vst v63  }
0xe5: {  	v3 =	vld [tilespmem:s26+$0x3C0]  }
0xe6: {  	v4 =	vld [tilespmem:s26+$0xFC0];
	_ =	sdelay $0x4  }
0xe7: {  	v3 =	vadd.f32 v4, v3;
	_ =	sdelay $0x1  }
0xe8: {  	s28 =	simm.s32 $0x10;
	v4 =	vmul.f32 $2.000000030e-01, v3  }
0xe9: {  	v5 =	vld [tilespmem:s28+$0x3C0];
	vm0 =	vgt.f32 v3, $0.0e+00  }
0xea: {  	v6 =	vld [tilespmem:s28+$0xFC0];
	v3 =	vsel vm0, v3, v4  }
0xeb: {  	s16 =	simm.s32 $0x20;
	v3 =	vmul.f32 $1.442695020e+00, v3  }
0xec: {  	v4 =	vld [tilespmem:s16+$0x3C0]  }
0xed: {  	(erf) = vpow2.f32 v3;
	v3 =	vld [tilespmem:s16+$0xFC0];
	_ =	sdelay $0x1  }
0xee: {  	v5 =	vadd.f32 v6, v5;
	_ =	sdelay $0x1  }
0xef: {  	v6 =	vmul.f32 $2.000000030e-01, v5  }
0xf0: {  	vm14 =	vgt.f32 v5, $0.0e+00;
	v7 =	vadd.f32 v3, v4  }
0xf1: {  	v3 =	vsel vm14, v5, v6  }
0xf2: {  	s15 =	simm.s32 $0x30;
	v4 =	vmul.f32 $1.442695020e+00, v3;
	v5 =	vmul.f32 $2.000000030e-01, v7  }
0xf3: {  	v3 =	vld [tilespmem:s15+$0x3C0]  }
0xf4: {  	(erf) = vpow2.f32 v4;
	v4 =	vld [tilespmem:s15+$0xFC0]  }
0xf5: {  	vm15 =	vgt.f32 v7, $0.0e+00  }
0xf6: {  	s14 =	simm.s32 $0x100;
	v6 =	vsel vm15, v7, v5;
	v5 =	vpop (erf)  }
.LBB2_5:
0xf7: {  	s0 =	sshra.s32 s14, $0x2  }
0xf8: {  	v6 =	vmul.f32 $1.442695020e+00, v6;
	[tilespmem:s26+$0x1BC0] =	vst v5;
	s26 =	smov.u32 s28;
	s28 =	smov.u32 s16;
	p2 =	sne.s32 s14, $0x17C0  }
.Ltmp5:
0xf9: {  	s14 =	sadd.s32 $0x40, s14;
	v5 =	vadd.f32 v4, v3;
	v3 =	vld [tilespmem:s0+$0x3C0];
	(pc) =	sbr.rel @p2 .LBB2_5-.Ltmp5, $4  }
0xfa: {  	s16 =	smov.u32 s15;
	s15 =	smov.u32 s0;
	v4 =	vld [tilespmem:s0+$0xFC0];
	(erf) = vpow2.f32 v6  }
0xfb: {  	v6 =	vmul.f32 $2.000000030e-01, v5  }
0xfc: {  	vm0 =	vgt.f32 v5, $0.0e+00  }
0xfd: {  	v6 =	vsel vm0, v5, v6;
	v5 =	vpop (erf)  }
0xfe: {  	_ = 	snop  }
0xff: {  	v3 =	vadd.f32 v4, v3;
	_ =	sdelay $0x1  }
0x100: {  	v4 =	vmul.f32 $2.000000030e-01, v3  }
0x101: {  	vm0 =	vgt.f32 v3, $0.0e+00  }
0x102: {  	v63 =	vmul.f32 $1.442695020e+00, v6;
	v3 =	vsel vm0, v3, v4  }
0x103: {  	v3 =	vmul.f32 $1.442695020e+00, v3  }
0x104: {  	(erf) = vpow2.f32 v63  }
0x105: {  	(erf) = vpow2.f32 v3;
	_ =	sdelay $0x6  }
0x106: {  	[tilespmem:s26+$0x1BC0] =	vst v5;
	v3 =	vpop (erf)  }
0x107: {  	[tilespmem:s28+$0x1BC0] =	vst v3;
	v3 =	vpop (erf)  }
0x108: {  	[tilespmem:s16+$0x1BC0] =	vst v3;
	v3 =	vpop (erf)  }
.Ltmp6:
0x109: {  	s0 =	simm.s32 $0x1BC0;
	s14 =	simm.s32 $0x180;
	[tilespmem:s15+$0x1BC0] =	vst v3;
	(pc) =	sbr.rel @p0 .LBB2_10-.Ltmp6, $4  }
0x10a: {  	[spmem:s4] =	stream.indirect.scatter.add.f32 [tilespmem:s0], [sflag:$0xB], $0x10, s14, s10, $0xb8;
	[tilespmem:$0x1D4D0] =	vst v63  }
0x10b: {  	_ =	swait.ge [sflag:s13], $0x3000  }
0x10c: {  	[sflag:s13] =	ssyncset.done $0x0  }
0x10d: {  	s26 =	simm.s32 $0x2800;
	[sflag:s13] =	ssyncadd.s32 $0xFFFFD000  }
0x10e: {  	v10 =	vld [tilespmem:s26+$0xFFFFFFD0];
	s0 =	simm.s32 $0x0  }
0x10f: {  	v5 =	vld [tilespmem:s0+$0x1BC0]  }
0x110: {  	v8 =	vld [tilespmem:s26+$0x20]  }
0x111: {  	v11 =	vld [tilespmem:s26+$0xFFFFFFC0]  }
0x112: {  	v14 =	vld [tilespmem:s26+$0xFFFFFFE0]  }
0x113: {  	v3 =	vld [tilespmem:s26+$0xFFFFFFF0]  }
0x114: {  	v4 =	vld [tilespmem:s26+$0x30];
	v12 =	vbroadcast v5, $0x0;
	v9 =	vbroadcast v5, $0x3  }
0x115: {  	v6 =	vld [tilespmem:s26+$0x0];
	v7 =	vbroadcast v5, $0x1  }
0x116: {  	v13 =	vmul.f32 v12, v11;
	v11 =	vmul.f32 v8, v9;
	v8 =	vld [tilespmem:s26+$0x10]  }
0x117: {  	v5 =	vbroadcast v5, $0x2  }
0x118: {  	s28 =	simm.s32 $0x40;
	s16 =	simm.s32 $0x2800;
	v12 =	vmul.f32 v10, v12;
	v10 =	vmul.f32 v14, v7  }
.LBB2_8:
0x119: {  	p2 =	seq.s32 s28, $0x17C0  }
0x11a: {  	[tilespmem:s26+$0xFFFFFFC0] =	vst v13;
	v6 =	vmul.f32 v6, v5;
	v4 =	vmul.f32 v4, v9;
	s16 =	sadd.s32 $0x80, s16;
	s0 =	smov.u32 s28;
	s28 =	sadd.s32 $0x40, s28  }
0x11b: {  	v7 =	vmul.f32 v3, v7;
	v5 =	vmul.f32 v8, v5;
	[tilespmem:s26+$0x20] =	vst v11  }
0x11c: {  	[tilespmem:s26+$0xFFFFFFD0] =	vst v12  }
0x11d: {  	[tilespmem:s26+$0xFFFFFFE0] =	vst v10  }
0x11e: {  	[tilespmem:s26+$0x30] =	vst v4  }
0x11f: {  	v3 =	vld [tilespmem:s16+$0xFFFFFFF0];
	[tilespmem:s26+$0x10] =	vst v5  }
0x120: {  	v10 =	vld [tilespmem:s16+$0xFFFFFFD0];
	[tilespmem:s26+$0xFFFFFFF0] =	vst v7  }
0x121: {  	s0 =	sshra.s32 s0, $0x2;
	v11 =	vld [tilespmem:s16+$0x20];
	[tilespmem:s26+$0x0] =	vst v6;
	s26 =	smov.u32 s16  }
0x122: {  	v5 =	vld [tilespmem:s0+$0x1BC0]  }
0x123: {  	v4 =	vld [tilespmem:s16+$0x30]  }
0x124: {  	v12 =	vld [tilespmem:s16+$0xFFFFFFC0]  }
0x125: {  	v14 =	vld [tilespmem:s16+$0xFFFFFFE0]  }
.Ltmp7:
0x126: {  	v6 =	vld [tilespmem:s16+$0x0];
	(pc) =	sbr.rel @!p2 .LBB2_8-.Ltmp7, $4  }
0x127: {  	v15 =	vbroadcast v5, $0x0;
	v8 =	vld [tilespmem:s16+$0x10];
	v9 =	vbroadcast v5, $0x3  }
0x128: {  	v7 =	vbroadcast v5, $0x1;
	v5 =	vbroadcast v5, $0x2  }
0x129: {  	v13 =	vmul.f32 v15, v12;
	v11 =	vmul.f32 v11, v9  }
0x12a: {  	v12 =	vmul.f32 v10, v15;
	v10 =	vmul.f32 v14, v7  }
0x12b: {  	[tilespmem:s26+$0xFFFFFFC0] =	vst v13  }
0x12c: {  	[tilespmem:s26+$0x20] =	vst v11  }
0x12d: {  	v4 =	vmul.f32 v4, v9;
	[tilespmem:s26+$0xFFFFFFD0] =	vst v12  }
.Ltmp8:
0x12e: {  	v3 =	vmul.f32 v3, v7;
	[tilespmem:s26+$0xFFFFFFE0] =	vst v10;
	(pc) =	sbr.rel .LBB2_13-.Ltmp8, $4  }
0x12f: {  	v63 =	vmul.f32 v6, v5;
	[tilespmem:s26+$0x30] =	vst v4  }
0x130: {  	v8 =	vmul.f32 v8, v5;
	[tilespmem:s26+$0xFFFFFFF0] =	vst v3  }
0x131: {  	[tilespmem:s26+$0x0] =	vst v63  }
0x132: {  	[tilespmem:s26+$0x10] =	vst v8  }
.LBB2_10:
0x133: {  	v10 =	vld [tilespmem:s26+$0xFFFFFFD0];
	s0 =	simm.s32 $0x0  }
0x134: {  	v5 =	vld [tilespmem:s0+$0x1BC0]  }
0x135: {  	v8 =	vld [tilespmem:s26+$0x20]  }
0x136: {  	v11 =	vld [tilespmem:s26+$0xFFFFFFC0]  }
0x137: {  	v14 =	vld [tilespmem:s26+$0xFFFFFFE0]  }
0x138: {  	v3 =	vld [tilespmem:s26+$0xFFFFFFF0]  }
0x139: {  	v4 =	vld [tilespmem:s26+$0x30];
	v12 =	vbroadcast v5, $0x4;
	v9 =	vbroadcast v5, $0x7  }
0x13a: {  	v6 =	vld [tilespmem:s26+$0x0];
	v7 =	vbroadcast v5, $0x5  }
0x13b: {  	v13 =	vmul.f32 v12, v11;
	v11 =	vmul.f32 v8, v9;
	v8 =	vld [tilespmem:s26+$0x10]  }
0x13c: {  	v5 =	vbroadcast v5, $0x6  }
0x13d: {  	s28 =	simm.s32 $0x40;
	s16 =	simm.s32 $0x2800;
	v12 =	vmul.f32 v10, v12;
	v10 =	vmul.f32 v14, v7  }
.LBB2_11:
0x13e: {  	p2 =	sne.s32 s28, $0x17C0  }
0x13f: {  	[tilespmem:s26+$0xFFFFFFC0] =	vst v13;
	v6 =	vmul.f32 v6, v5;
	v4 =	vmul.f32 v4, v9;
	s16 =	sadd.s32 $0x80, s16;
	s0 =	smov.u32 s28;
	s28 =	sadd.s32 $0x40, s28  }
0x140: {  	v7 =	vmul.f32 v3, v7;
	v5 =	vmul.f32 v8, v5;
	[tilespmem:s26+$0x20] =	vst v11  }
0x141: {  	[tilespmem:s26+$0xFFFFFFD0] =	vst v12  }
0x142: {  	[tilespmem:s26+$0xFFFFFFE0] =	vst v10  }
0x143: {  	[tilespmem:s26+$0x30] =	vst v4  }
0x144: {  	v3 =	vld [tilespmem:s16+$0xFFFFFFF0];
	[tilespmem:s26+$0x10] =	vst v5  }
0x145: {  	v10 =	vld [tilespmem:s16+$0xFFFFFFD0];
	[tilespmem:s26+$0xFFFFFFF0] =	vst v7  }
0x146: {  	s0 =	sshra.s32 s0, $0x2;
	v11 =	vld [tilespmem:s16+$0x20];
	[tilespmem:s26+$0x0] =	vst v6;
	s26 =	smov.u32 s16  }
0x147: {  	v5 =	vld [tilespmem:s0+$0x1BC0]  }
0x148: {  	v4 =	vld [tilespmem:s16+$0x30]  }
0x149: {  	v12 =	vld [tilespmem:s16+$0xFFFFFFC0]  }
0x14a: {  	v14 =	vld [tilespmem:s16+$0xFFFFFFE0]  }
.Ltmp9:
0x14b: {  	v6 =	vld [tilespmem:s16+$0x0];
	(pc) =	sbr.rel @p2 .LBB2_11-.Ltmp9, $4  }
0x14c: {  	v15 =	vbroadcast v5, $0x4;
	v8 =	vld [tilespmem:s16+$0x10];
	v9 =	vbroadcast v5, $0x7  }
0x14d: {  	v7 =	vbroadcast v5, $0x5;
	v5 =	vbroadcast v5, $0x6  }
0x14e: {  	v13 =	vmul.f32 v15, v12;
	v11 =	vmul.f32 v11, v9  }
0x14f: {  	v12 =	vmul.f32 v10, v15;
	v10 =	vmul.f32 v14, v7  }
0x150: {  	[tilespmem:s26+$0xFFFFFFC0] =	vst v13  }
0x151: {  	[tilespmem:s26+$0x20] =	vst v11  }
0x152: {  	v4 =	vmul.f32 v4, v9;
	[tilespmem:s26+$0xFFFFFFD0] =	vst v12  }
0x153: {  	v3 =	vmul.f32 v3, v7;
	[tilespmem:s26+$0xFFFFFFE0] =	vst v10  }
0x154: {  	v63 =	vmul.f32 v6, v5;
	[tilespmem:s26+$0x30] =	vst v4  }
0x155: {  	v8 =	vmul.f32 v8, v5;
	[tilespmem:s26+$0xFFFFFFF0] =	vst v3  }
0x156: {  	[tilespmem:s26+$0x0] =	vst v63  }
0x157: {  	[tilespmem:s26+$0x10] =	vst v8  }
.LBB2_13:
0x158: {  	s0 =	simm.s32 $0x240  }
0x159: {  	[spmem:s3] =	stream.indirect.scatter.add.f32 [tilespmem:s12], [sflag:$0xD], $0x80, s0, s10, $0xb8;
	[tilespmem:$0x1D4D0] =	vst v63  }
0x15a: {  	_ =	swait.ge [sflag:s22], $0x600  }
.Ltmp10:
0x15b: {  	[sflag:s22] =	ssyncset.done $0x0;
	(pc) =	sbr.rel @!p1 .LBB2_14-.Ltmp10, $4  }
0x15c: {  	[sflag:s22] =	ssyncadd.s32 $0xFFFFFA00  }
0x15d: {  	_ =	swait.ge [sflag:s23], $0x3000  }
0x15e: {  	[sflag:s23] =	ssyncset.done $0x0  }
0x15f: {  	[sflag:s23] =	ssyncadd.s32 $0xFFFFD000  }
0x160: {  	_ =	swait.ge [sflag:s2], $0x600  }
.Ltmp11:
0x161: {  	[sflag:s2] =	ssyncset.done $0x0;
	(pc) =	sbr.rel .LBB2_16-.Ltmp11, $4  }
0x162: {  	[sflag:s2] =	ssyncadd.s32 $0xFFFFFA00  }
0x163: {  	_ =	swait.ge [sflag:s18], $0x600  }
0x164: {  	[sflag:s18] =	ssyncset.done $0x0  }
0x165: {  	[sflag:s18] =	ssyncadd.s32 $0xFFFFFA00  }
.LBB2_14:
0x166: {  	_ =	swait.ge [sflag:s19], $0x60  }
0x167: {  	[sflag:s19] =	ssyncset.done $0x0  }
0x168: {  	[sflag:s19] =	ssyncadd.s32 $0xFFFFFFA0  }
0x169: {  	_ =	swait.ge [sflag:s20], $0x60  }
0x16a: {  	[sflag:s20] =	ssyncset.done $0x0  }
0x16b: {  	[sflag:s20] =	ssyncadd.s32 $0xFFFFFFA0  }
0x16c: {  	v3 =	vld [tilespmem:$0x0]  }
0x16d: {  	v4 =	vld [tilespmem:$0xC0]  }
0x16e: {  	v5 =	vld [tilespmem:$0xC0]  }
0x16f: {  	v8 =	vld [tilespmem:$0xD0]  }
0x170: {  	v54 =	vld [tilespmem:$0xF0]  }
0x171: {  	v58 =	vld [tilespmem:$0x100]  }
0x172: {  	v62 =	vld [tilespmem:$0x110]  }
0x173: {  	v6 =	vld [tilespmem:$0x10];
	[tilespmem:$0x240] =	vst v5  }
0x174: {  	v7 =	vld [tilespmem:$0xD0];
	[tilespmem:$0x250] =	vst v8  }
0x175: {  	v9 =	vld [tilespmem:$0x20];
	[tilespmem:$0x270] =	vst v54  }
0x176: {  	v48 =	vld [tilespmem:$0xE0];
	[tilespmem:$0x280] =	vst v58  }
0x177: {  	v51 =	vld [tilespmem:$0x30];
	v3 =	vadd.s32 v0, v3;
	v4 =	vsub.s32 v4, v1;
	[tilespmem:$0x290] =	vst v62  }
0x178: {  	v53 =	vld [tilespmem:$0xF0];
	[tilespmem:$0x300] =	vst v3;
	v3 =	vmin.u32 v4, $0x1390  }
0x179: {  	v49 =	vadd.s32 v0, v6;
	[tilespmem:$0x180] =	vst v3;
	v3 =	vld [tilespmem:$0xE0]  }
0x17a: {  	v56 =	vld [tilespmem:$0x40];
	v50 =	vsub.s32 v7, v1;
	v55 =	vadd.s32 v0, v9;
	[tilespmem:$0x310] =	vst v49  }
0x17b: {  	v57 =	vld [tilespmem:$0x100];
	v52 =	vmin.u32 v50, $0x1390;
	v4 =	vsub.s32 v48, v1;
	[tilespmem:$0x320] =	vst v55  }
0x17c: {  	v59 =	vld [tilespmem:$0x50];
	[tilespmem:$0x190] =	vst v52;
	v4 =	vmin.u32 v4, $0x1390  }
0x17d: {  	v60 =	vld [tilespmem:$0x110];
	[tilespmem:$0x1A0] =	vst v4  }
0x17e: {  	v6 =	vsub.s32 v53, v1;
	[tilespmem:$0x260] =	vst v3;
	v3 =	vadd.s32 v0, v51  }
0x17f: {  	[tilespmem:$0x330] =	vst v3;
	v3 =	vmin.u32 v6, $0x1390  }
0x180: {  	v61 =	vsub.s32 v57, v1;
	[tilespmem:$0x1B0] =	vst v3;
	v3 =	vadd.s32 v0, v56  }
0x181: {  	[tilespmem:$0x340] =	vst v3;
	v3 =	vmin.u32 v61, $0x1390  }
0x182: {  	v63 =	vsub.s32 v60, v1;
	[tilespmem:$0x1C0] =	vst v3;
	v3 =	vadd.s32 v0, v59  }
0x183: {  	[tilespmem:$0x350] =	vst v3;
	v3 =	vmin.u32 v63, $0x1390  }
0x184: {  	s0 =	simm.s32 $0x3C0;
	[tilespmem:$0x1D0] =	vst v3  }
0x185: {  	[tilespmem:s0], [sflag:$0x5] =	stream.indirect.gather [hbm4b:s7+s10], $0x10, s5, s10, $0xb8;
	[tilespmem:$0x1D4D0] =	vst v63  }
0x186: {  	s28 =	simm.s32 $0xC0;
	s14 =	simm.s32 $0xFC0  }
0x187: {  	[tilespmem:s14], [sflag:$0x7] =	stream.indirect.gather [hbm4b:s8+s10], $0x10, s28, s10, $0xb8;
	[tilespmem:$0x1D4D0] =	vst v63  }
0x188: {  	s15 =	simm.s32 $0x300  }
0x189: {  	[tilespmem:s12], [sflag:$0x9] =	stream.indirect.gather [hbm4b:s9+s10], $0x80, s15, s10, $0xb8;
	[tilespmem:$0x1D4D0] =	vst v63  }
0x18a: {  	_ =	swait.ge [sflag:s2], $0x600  }
0x18b: {  	[sflag:s2] =	ssyncset.done $0x0  }
0x18c: {  	[sflag:s2] =	ssyncadd.s32 $0xFFFFFA00  }
0x18d: {  	s16 =	smul.u32 $0xC0, s21;
	_ =	swait.ge [sflag:s18], $0x600  }
0x18e: {  	s26 =	rddreg [dreg:$0xc];
	[sflag:s18] =	ssyncset.done $0x0  }
0x18f: {  	s0 =	sadd.s32 s16, s26;
	[sflag:s18] =	ssyncadd.s32 $0xFFFFFA00  }
0x190: {  	s0 =	sshrl.u32 s0, $0x3;
	s28 =	rddreg [dreg:$0x0]  }
0x191: {  	s14 =	sadd.s32 s28, s0  }
0x192: {  	[tilespmem:s10], [sflag:$0x2] =	stream.linear.gather [hbm4b:s14+s5], $0x60, $0x38;
	[tilespmem:$0x1D4D0] =	vst v63  }
0x193: {  	s0 =	sadd.s32 s6, s0  }
0x194: {  	[tilespmem:s11], [sflag:$0x4] =	stream.linear.gather [hbm4b:s0+s5], $0x60, $0x38;
	[tilespmem:$0x1D4D0] =	vst v63  }
.LBB2_16:
0x195: {  	s26 =	simm.s32 $0x0  }
0x196: {  	v3 =	vld [tilespmem:s26+$0x9C0]  }
0x197: {  	v4 =	vld [tilespmem:s26+$0x15C0];
	_ =	sdelay $0x4  }
0x198: {  	v3 =	vadd.f32 v4, v3;
	_ =	sdelay $0x1  }
0x199: {  	s28 =	simm.s32 $0x10;
	v4 =	vmul.f32 $2.000000030e-01, v3  }
0x19a: {  	v5 =	vld [tilespmem:s28+$0x9C0];
	vm0 =	vgt.f32 v3, $0.0e+00  }
0x19b: {  	v6 =	vld [tilespmem:s28+$0x15C0];
	v3 =	vsel vm0, v3, v4  }
0x19c: {  	s15 =	simm.s32 $0x20;
	v3 =	vmul.f32 $1.442695020e+00, v3  }
0x19d: {  	v4 =	vld [tilespmem:s15+$0x9C0]  }
0x19e: {  	(erf) = vpow2.f32 v3;
	v3 =	vld [tilespmem:s15+$0x15C0];
	_ =	sdelay $0x1  }
0x19f: {  	v5 =	vadd.f32 v6, v5;
	_ =	sdelay $0x1  }
0x1a0: {  	v6 =	vmul.f32 $2.000000030e-01, v5  }
0x1a1: {  	vm14 =	vgt.f32 v5, $0.0e+00;
	v7 =	vadd.f32 v3, v4  }
0x1a2: {  	v3 =	vsel vm14, v5, v6  }
0x1a3: {  	s16 =	simm.s32 $0x30;
	v4 =	vmul.f32 $1.442695020e+00, v3;
	v5 =	vmul.f32 $2.000000030e-01, v7  }
0x1a4: {  	v3 =	vld [tilespmem:s16+$0x9C0]  }
0x1a5: {  	(erf) = vpow2.f32 v4;
	v4 =	vld [tilespmem:s16+$0x15C0]  }
0x1a6: {  	vm15 =	vgt.f32 v7, $0.0e+00  }
0x1a7: {  	s14 =	simm.s32 $0x100;
	v6 =	vsel vm15, v7, v5;
	v5 =	vpop (erf)  }
.LBB2_17:
0x1a8: {  	s0 =	sshra.s32 s14, $0x2  }
0x1a9: {  	v6 =	vmul.f32 $1.442695020e+00, v6;
	[tilespmem:s26+$0x21C0] =	vst v5;
	s26 =	smov.u32 s28;
	s28 =	smov.u32 s15;
	p1 =	sne.s32 s14, $0x17C0  }
.Ltmp12:
0x1aa: {  	s14 =	sadd.s32 $0x40, s14;
	v5 =	vadd.f32 v4, v3;
	v3 =	vld [tilespmem:s0+$0x9C0];
	(pc) =	sbr.rel @p1 .LBB2_17-.Ltmp12, $4  }
0x1ab: {  	s15 =	smov.u32 s16;
	s16 =	smov.u32 s0;
	v4 =	vld [tilespmem:s0+$0x15C0];
	(erf) = vpow2.f32 v6  }
0x1ac: {  	v6 =	vmul.f32 $2.000000030e-01, v5  }
0x1ad: {  	vm0 =	vgt.f32 v5, $0.0e+00  }
0x1ae: {  	v6 =	vsel vm0, v5, v6;
	v5 =	vpop (erf)  }
0x1af: {  	_ = 	snop  }
0x1b0: {  	v3 =	vadd.f32 v4, v3;
	_ =	sdelay $0x1  }
0x1b1: {  	v4 =	vmul.f32 $2.000000030e-01, v3  }
0x1b2: {  	vm0 =	vgt.f32 v3, $0.0e+00  }
0x1b3: {  	v63 =	vmul.f32 $1.442695020e+00, v6;
	v3 =	vsel vm0, v3, v4  }
0x1b4: {  	v3 =	vmul.f32 $1.442695020e+00, v3  }
0x1b5: {  	(erf) = vpow2.f32 v63  }
0x1b6: {  	(erf) = vpow2.f32 v3;
	_ =	sdelay $0x6  }
0x1b7: {  	[tilespmem:s26+$0x21C0] =	vst v5;
	v3 =	vpop (erf)  }
0x1b8: {  	[tilespmem:s28+$0x21C0] =	vst v3;
	v3 =	vpop (erf)  }
0x1b9: {  	[tilespmem:s15+$0x21C0] =	vst v3;
	v3 =	vpop (erf)  }
.Ltmp13:
0x1ba: {  	s0 =	simm.s32 $0x1E0;
	s14 =	simm.s32 $0x21C0;
	[tilespmem:s16+$0x21C0] =	vst v3;
	(pc) =	sbr.rel @p0 .LBB2_22-.Ltmp13, $4  }
0x1bb: {  	[spmem:s4] =	stream.indirect.scatter.add.f32 [tilespmem:s14], [sflag:$0xC], $0x10, s0, s10, $0xb8;
	[tilespmem:$0x1D4D0] =	vst v63  }
0x1bc: {  	_ =	swait.ge [sflag:s29], $0x3000  }
0x1bd: {  	[sflag:s29] =	ssyncset.done $0x0  }
0x1be: {  	s26 =	simm.s32 $0x5800;
	[sflag:s29] =	ssyncadd.s32 $0xFFFFD000  }
0x1bf: {  	v10 =	vld [tilespmem:s26+$0xFFFFFFD0];
	s0 =	simm.s32 $0x0  }
0x1c0: {  	v5 =	vld [tilespmem:s0+$0x21C0]  }
0x1c1: {  	v8 =	vld [tilespmem:s26+$0x20]  }
0x1c2: {  	v11 =	vld [tilespmem:s26+$0xFFFFFFC0]  }
0x1c3: {  	v14 =	vld [tilespmem:s26+$0xFFFFFFE0]  }
0x1c4: {  	v3 =	vld [tilespmem:s26+$0xFFFFFFF0]  }
0x1c5: {  	v4 =	vld [tilespmem:s26+$0x30];
	v12 =	vbroadcast v5, $0x0;
	v9 =	vbroadcast v5, $0x3  }
0x1c6: {  	v6 =	vld [tilespmem:s26+$0x0];
	v7 =	vbroadcast v5, $0x1  }
0x1c7: {  	v13 =	vmul.f32 v12, v11;
	v11 =	vmul.f32 v8, v9;
	v8 =	vld [tilespmem:s26+$0x10]  }
0x1c8: {  	v5 =	vbroadcast v5, $0x2  }
0x1c9: {  	s28 =	simm.s32 $0x40;
	s16 =	simm.s32 $0x5800;
	v12 =	vmul.f32 v10, v12;
	v10 =	vmul.f32 v14, v7  }
.LBB2_20:
0x1ca: {  	p1 =	seq.s32 s28, $0x17C0  }
0x1cb: {  	[tilespmem:s26+$0xFFFFFFC0] =	vst v13;
	v6 =	vmul.f32 v6, v5;
	v4 =	vmul.f32 v4, v9;
	s16 =	sadd.s32 $0x80, s16;
	s0 =	smov.u32 s28;
	s28 =	sadd.s32 $0x40, s28  }
0x1cc: {  	v7 =	vmul.f32 v3, v7;
	v5 =	vmul.f32 v8, v5;
	[tilespmem:s26+$0x20] =	vst v11  }
0x1cd: {  	[tilespmem:s26+$0xFFFFFFD0] =	vst v12  }
0x1ce: {  	[tilespmem:s26+$0xFFFFFFE0] =	vst v10  }
0x1cf: {  	[tilespmem:s26+$0x30] =	vst v4  }
0x1d0: {  	v3 =	vld [tilespmem:s16+$0xFFFFFFF0];
	[tilespmem:s26+$0x10] =	vst v5  }
0x1d1: {  	v10 =	vld [tilespmem:s16+$0xFFFFFFD0];
	[tilespmem:s26+$0xFFFFFFF0] =	vst v7  }
0x1d2: {  	s0 =	sshra.s32 s0, $0x2;
	v11 =	vld [tilespmem:s16+$0x20];
	[tilespmem:s26+$0x0] =	vst v6;
	s26 =	smov.u32 s16  }
0x1d3: {  	v5 =	vld [tilespmem:s0+$0x21C0]  }
0x1d4: {  	v4 =	vld [tilespmem:s16+$0x30]  }
0x1d5: {  	v12 =	vld [tilespmem:s16+$0xFFFFFFC0]  }
0x1d6: {  	v14 =	vld [tilespmem:s16+$0xFFFFFFE0]  }
.Ltmp14:
0x1d7: {  	v6 =	vld [tilespmem:s16+$0x0];
	(pc) =	sbr.rel @!p1 .LBB2_20-.Ltmp14, $4  }
0x1d8: {  	v15 =	vbroadcast v5, $0x0;
	v8 =	vld [tilespmem:s16+$0x10];
	v9 =	vbroadcast v5, $0x3  }
0x1d9: {  	v7 =	vbroadcast v5, $0x1;
	v5 =	vbroadcast v5, $0x2  }
0x1da: {  	v13 =	vmul.f32 v15, v12;
	v11 =	vmul.f32 v11, v9  }
0x1db: {  	v12 =	vmul.f32 v10, v15;
	v10 =	vmul.f32 v14, v7  }
0x1dc: {  	[tilespmem:s26+$0xFFFFFFC0] =	vst v13  }
0x1dd: {  	[tilespmem:s26+$0x20] =	vst v11  }
0x1de: {  	v4 =	vmul.f32 v4, v9;
	[tilespmem:s26+$0xFFFFFFD0] =	vst v12  }
.Ltmp15:
0x1df: {  	v3 =	vmul.f32 v3, v7;
	[tilespmem:s26+$0xFFFFFFE0] =	vst v10;
	(pc) =	sbr.rel .LBB2_25-.Ltmp15, $4  }
0x1e0: {  	v63 =	vmul.f32 v6, v5;
	[tilespmem:s26+$0x30] =	vst v4  }
0x1e1: {  	v8 =	vmul.f32 v8, v5;
	[tilespmem:s26+$0xFFFFFFF0] =	vst v3  }
0x1e2: {  	[tilespmem:s26+$0x0] =	vst v63  }
0x1e3: {  	[tilespmem:s26+$0x10] =	vst v8  }
.LBB2_22:
0x1e4: {  	v10 =	vld [tilespmem:s26+$0xFFFFFFD0];
	s0 =	simm.s32 $0x0  }
0x1e5: {  	v5 =	vld [tilespmem:s0+$0x21C0]  }
0x1e6: {  	v8 =	vld [tilespmem:s26+$0x20]  }
0x1e7: {  	v11 =	vld [tilespmem:s26+$0xFFFFFFC0]  }
0x1e8: {  	v14 =	vld [tilespmem:s26+$0xFFFFFFE0]  }
0x1e9: {  	v3 =	vld [tilespmem:s26+$0xFFFFFFF0]  }
0x1ea: {  	v4 =	vld [tilespmem:s26+$0x30];
	v12 =	vbroadcast v5, $0x4;
	v9 =	vbroadcast v5, $0x7  }
0x1eb: {  	v6 =	vld [tilespmem:s26+$0x0];
	v7 =	vbroadcast v5, $0x5  }
0x1ec: {  	v13 =	vmul.f32 v12, v11;
	v11 =	vmul.f32 v8, v9;
	v8 =	vld [tilespmem:s26+$0x10]  }
0x1ed: {  	v5 =	vbroadcast v5, $0x6  }
0x1ee: {  	s28 =	simm.s32 $0x40;
	s16 =	simm.s32 $0x5800;
	v12 =	vmul.f32 v10, v12;
	v10 =	vmul.f32 v14, v7  }
.LBB2_23:
0x1ef: {  	p1 =	sne.s32 s28, $0x17C0  }
0x1f0: {  	[tilespmem:s26+$0xFFFFFFC0] =	vst v13;
	v6 =	vmul.f32 v6, v5;
	v4 =	vmul.f32 v4, v9;
	s16 =	sadd.s32 $0x80, s16;
	s0 =	smov.u32 s28;
	s28 =	sadd.s32 $0x40, s28  }
0x1f1: {  	v7 =	vmul.f32 v3, v7;
	v5 =	vmul.f32 v8, v5;
	[tilespmem:s26+$0x20] =	vst v11  }
0x1f2: {  	[tilespmem:s26+$0xFFFFFFD0] =	vst v12  }
0x1f3: {  	[tilespmem:s26+$0xFFFFFFE0] =	vst v10  }
0x1f4: {  	[tilespmem:s26+$0x30] =	vst v4  }
0x1f5: {  	v3 =	vld [tilespmem:s16+$0xFFFFFFF0];
	[tilespmem:s26+$0x10] =	vst v5  }
0x1f6: {  	v10 =	vld [tilespmem:s16+$0xFFFFFFD0];
	[tilespmem:s26+$0xFFFFFFF0] =	vst v7  }
0x1f7: {  	s0 =	sshra.s32 s0, $0x2;
	v11 =	vld [tilespmem:s16+$0x20];
	[tilespmem:s26+$0x0] =	vst v6;
	s26 =	smov.u32 s16  }
0x1f8: {  	v5 =	vld [tilespmem:s0+$0x21C0]  }
0x1f9: {  	v4 =	vld [tilespmem:s16+$0x30]  }
0x1fa: {  	v12 =	vld [tilespmem:s16+$0xFFFFFFC0]  }
0x1fb: {  	v14 =	vld [tilespmem:s16+$0xFFFFFFE0]  }
.Ltmp16:
0x1fc: {  	v6 =	vld [tilespmem:s16+$0x0];
	(pc) =	sbr.rel @p1 .LBB2_23-.Ltmp16, $4  }
0x1fd: {  	v15 =	vbroadcast v5, $0x4;
	v8 =	vld [tilespmem:s16+$0x10];
	v9 =	vbroadcast v5, $0x7  }
0x1fe: {  	v7 =	vbroadcast v5, $0x5;
	v5 =	vbroadcast v5, $0x6  }
0x1ff: {  	v13 =	vmul.f32 v15, v12;
	v11 =	vmul.f32 v11, v9  }
0x200: {  	v12 =	vmul.f32 v10, v15;
	v10 =	vmul.f32 v14, v7  }
0x201: {  	[tilespmem:s26+$0xFFFFFFC0] =	vst v13  }
0x202: {  	[tilespmem:s26+$0x20] =	vst v11  }
0x203: {  	v4 =	vmul.f32 v4, v9;
	[tilespmem:s26+$0xFFFFFFD0] =	vst v12  }
.Ltmp17:
0x204: {  	v3 =	vmul.f32 v3, v7;
	[tilespmem:s26+$0xFFFFFFE0] =	vst v10;
	(pc) =	sbr.rel .LBB2_25-.Ltmp17, $4  }
0x205: {  	v63 =	vmul.f32 v6, v5;
	[tilespmem:s26+$0x30] =	vst v4  }
0x206: {  	v8 =	vmul.f32 v8, v5;
	[tilespmem:s26+$0xFFFFFFF0] =	vst v3  }
0x207: {  	[tilespmem:s26+$0x0] =	vst v63  }
0x208: {  	[tilespmem:s26+$0x10] =	vst v8  }
.LBB2_27:
0x209: {  	_ =	sfence.sel $0x180000  }
0x20a: {  	[bflag:$0x0] =	sbarrier.arrive $0xFFFF  }
0x20b: {  	_ =	strace $0x90000047  }
0x20c: {  	s0 =	stileid.u32;
	[bflag:$0x2] =	sbarrier.arrive $0xFFFF  }
0x20d: {  	p0 =	sne.s32 s0, $0x0;
	s0 =	rddreg [dreg:$0x4]  }
0x20e: {  	s0 =	sadd.s32 @!p0 $0x100000, s0  }
0x20f: {  	[sflag:s0] =	ssyncadd.tile.s32 @!p0 $0x1;
	_ =	shalt  }
.Lfunc_end2:
_tile_overlayer_lowered:
.L_overlay_start_2:
0x210: {  	(tag) =	ssettag $0x2  }
0x211: {  	s0 =	rddreg [dreg:$0x0];
	s2 =	stileid.u32  }
0x212: {  	s1 =	rddreg [dreg:$0x1];
	p0 =	sne.s32 s2, $0x0  }
0x213: {  	s3 =	rddreg [dreg:$0x2];
	[bflag:$0x3] =	sbarrier.arrive $0xFFFF;
	s2 =	simm.s32 @!p0 $0x1C0F  }
0x214: {  	[timem:s3], [sflag:s2] =	dma.local @!p0 [hbm:s0], s1  }
0x215: {  	s0 =	simm.s32 @!p0 $0xF  }
0x216: {  	_ =	swait.ge @!p0 [sflag:s0], s1  }
0x217: {  	s1 =	ssub.s32 @!p0 $0x0, s1;
	[sflag:s0] =	ssyncset.done @!p0 $0x0  }
0x218: {  	[sflag:s0] =	ssyncadd.s32 @!p0 s1  }
0x219: {  	[bflag:$0x3] =	sbarrier.arrive $0xFFFF  }
0x21a: {  	_ =	shalt  }

</sc_bundles>
